<compile_context>
chip_gen: v7x
topology: tpu7x:2x2x1
jax: 0.10.2.dev20260603
libtpu: 0.0.44.dev20260713+nightly
codegen_flags: <defaults>
</compile_context>

<pallas_src>
import functools

import jax
import jax.numpy as jnp
from jax import lax
from jax.experimental import pallas as pl
from jax.experimental.pallas import tpu as pltpu
from jax.experimental.pallas import tpu_sc as plsc

N = 10000
D = 128
H = 8
OC = 8
F = 64
TW = 128

E = 320000
NWORK = 32
CH = 128
NCHUNK = E // CH
NBLK = (N + CH - 1) // CH
N_PAD = NBLK * CH


def _prep_body(x_ref, w_ref, as_ref, ad_ref, tab_ref):
    h = jnp.dot(x_ref[...], w_ref[...], preferred_element_type=jnp.float32)
    a_s = jnp.dot(h, as_ref[...], preferred_element_type=jnp.float32)
    a_d = jnp.dot(h, ad_ref[...], preferred_element_type=jnp.float32)
    z = jnp.max(a_s) + jnp.max(a_d)
    c = jnp.where(z > 0.0, z, 0.2 * z)
    tab_ref[:, :F] = h
    tab_ref[:, F:F + H] = a_s
    tab_ref[:, F + H:F + 2 * H] = jnp.zeros((N, H), jnp.float32)
    tab_ref[:, 80:88] = a_d - c
    tab_ref[:, 88:96] = a_d - 5.0 * c
    tab_ref[:, 96:] = jnp.zeros((N, TW - 96), jnp.float32)


def _prep(x, w, a_s, a_d):
    return pl.pallas_call(
        _prep_body,
        out_shape=jax.ShapeDtypeStruct((N, TW), jnp.float32),
    )(x, w, a_s, a_d)


def _combine_body(mode, acc_ref, tab_ref, r_ref, b_ref, out_ref):
    num = acc_ref[0, :N, :F] + acc_ref[1, :N, :F]
    den = acc_ref[0, :N, F:F + H] + acc_ref[1, :N, F:F + H]
    h = tab_ref[:, :F]
    a_s = tab_ref[:, F:F + H]
    p = tab_ref[:, 80:88]
    q = tab_ref[:, 88:96]
    wself = jnp.exp(jnp.maximum(a_s + p, 0.2 * (a_s + q)))
    r = r_ref[...]
    den = jnp.dot(den + wself, r, preferred_element_type=jnp.float32)
    num = num + h * jnp.dot(wself, r, preferred_element_type=jnp.float32)
    out = num / (den + 1e-16) + b_ref[...]
    if mode == "elu":
        out = jnp.where(out > 0.0, out, jnp.exp(jnp.minimum(out, 0.0)) - 1.0)
    else:
        m = jnp.max(out, axis=1, keepdims=True)
        lse = jnp.log(jnp.sum(jnp.exp(out - m), axis=1, keepdims=True)) + m
        out = out - lse
    out_ref[...] = out


def _combine(mode, acc, tab, r, b):
    return pl.pallas_call(
        functools.partial(_combine_body, mode),
        out_shape=jax.ShapeDtypeStruct((N, F), jnp.float32),
    )(acc, tab, r, b)


def _vgather(x, idx):
    dnums = lax.GatherDimensionNumbers(
        offset_dims=(), collapsed_slice_dims=(0,), start_index_map=(0,))
    return lax.gather(x, idx[:, None], dnums, (1,),
                      mode=lax.GatherScatterMode.PROMISE_IN_BOUNDS)


def _edge_sc_body(src_hbm, dst_hbm, tab_hbm, zrow_hbm, out_hbm,
                  sid_v, did_v, srows_v, drows_v, wbuf_v, acc_sh):
    c = lax.axis_index("c")
    s = lax.axis_index("s")
    w = s * 2 + c

    lane16 = lax.iota(jnp.int32, 16)
    lane8 = lane16 & 7
    sel = lane16 >> 3
    selm = sel == 1

    pltpu.sync_copy(zrow_hbm, wbuf_v)
    for j in range(5):
        b = s + 16 * j

        @pl.when(b < NBLK)
        def _():
            r = pl.multiple_of(b * CH, CH)
            pltpu.sync_copy(wbuf_v, acc_sh.at[pl.ds(r, CH)])
    plsc.subcore_barrier()

    def chunk_body(k, _):
        cid = w + NWORK * k
        base = pl.multiple_of(cid * CH, CH)
        pltpu.sync_copy(src_hbm.at[pl.ds(base, CH)], sid_v)
        pltpu.sync_copy(dst_hbm.at[pl.ds(base, CH)], did_v)
        pltpu.sync_copy(tab_hbm.at[sid_v], srows_v)
        pltpu.sync_copy(tab_hbm.at[did_v], drows_v)

        def pair_body(i, _):
            e0 = 2 * i
            e1 = 2 * i + 1
            as_pair = jnp.where(selm, srows_v[e1, pl.ds(F - H, 16)],
                                srows_v[e0, pl.ds(F, 16)])
            p_pair = jnp.where(selm, drows_v[e1, pl.ds(72, 16)],
                               drows_v[e0, pl.ds(80, 16)])
            q_pair = jnp.where(selm, drows_v[e1, pl.ds(80, 16)],
                               drows_v[e0, pl.ds(88, 16)])
            wv = jnp.exp(jnp.maximum(as_pair + p_pair,
                                     0.2 * (as_pair + q_pair)))
            wbuf_v[e0, pl.ds(F, 16)] = wv
            wbuf_v[e1, pl.ds(F - H, 16)] = wv
            for v in range(4):
                perm0 = sel + 2 * v
                wx0 = _vgather(wv, perm0)
                wx1 = _vgather(wv, perm0 + 8)
                h0 = srows_v[e0, pl.ds(16 * v, 16)]
                h1 = srows_v[e1, pl.ds(16 * v, 16)]
                wbuf_v[e0, pl.ds(16 * v, 16)] = h0 * wx0
                wbuf_v[e1, pl.ds(16 * v, 16)] = h1 * wx1
            return 0

        lax.fori_loop(0, CH // 2, pair_body, 0)
        pltpu.sync_copy(wbuf_v, acc_sh.at[did_v], add=True)
        return 0

    nk = jnp.where(w < NCHUNK - (NCHUNK // NWORK) * NWORK,
                   NCHUNK // NWORK + 1, NCHUNK // NWORK)
    lax.fori_loop(0, nk, chunk_body, 0)
    plsc.subcore_barrier()

    for j in range(5):
        b = s + 16 * j

        @pl.when(b < NBLK)
        def _():
            r = pl.multiple_of(b * CH, CH)
            pltpu.sync_copy(acc_sh.at[pl.ds(r, CH)], srows_v)
            pltpu.sync_copy(srows_v, out_hbm.at[c, pl.ds(r, CH)])


def _edge_sc(src, dst, tab, zrow):
    mesh = plsc.VectorSubcoreMesh(core_axis_name="c", subcore_axis_name="s")
    f = pl.kernel(
        _edge_sc_body,
        out_type=jax.ShapeDtypeStruct((2, N_PAD, TW), jnp.float32),
        mesh=mesh,
        scratch_types=[
            pltpu.VMEM((CH,), jnp.int32),
            pltpu.VMEM((CH,), jnp.int32),
            pltpu.VMEM((CH, TW), jnp.float32),
            pltpu.VMEM((CH, TW), jnp.float32),
            pltpu.VMEM((CH, TW), jnp.float32),
            pltpu.VMEM_SHARED((N_PAD, TW), jnp.float32),
        ],
    )
    return f(src, dst, tab, zrow)


def kernel(x, edge_index, W1, a_src1, a_dst1, b1, W2, a_src2, a_dst2, b2):
    src = edge_index[0]
    dst = edge_index[1]

    eye = jnp.eye(H, dtype=jnp.float32)
    as1 = (a_src1[0][:, :, None] * eye[:, None, :]).reshape(F, H)
    ad1 = (a_dst1[0][:, :, None] * eye[:, None, :]).reshape(F, H)
    as2 = jnp.broadcast_to(a_src2[0, 0][:, None], (F, H)).astype(jnp.float32)
    ad2 = jnp.broadcast_to(a_dst2[0, 0][:, None], (F, H)).astype(jnp.float32)
    r = jnp.repeat(jnp.eye(H, dtype=jnp.float32), OC, axis=1)

    zrow = jnp.zeros((CH, TW), jnp.float32)
    tab1 = _prep(x, W1, as1, ad1)
    acc1 = _edge_sc(src, dst, tab1, zrow)
    x2 = _combine("elu", acc1, tab1, r, b1)

    tab2 = _prep(x2, W2, as2, ad2)
    acc2 = _edge_sc(src, dst, tab2, zrow)
    return _combine("logsm", acc2, tab2, r, b2)

# --- scband reference (transcript-rebuilt; emitter-appended) ---
"""Pipeline reference for scband-gat-16045997818031 (READ-ONLY COPY).

The authoritative reference and input builder live on the scoring server;
editing this copy changes nothing except your own understanding.
"""

import jax, jax.numpy as jnp
import numpy as np

N = 10000
E = 320000
D = 128
H1 = 8
O1 = 8
O2 = 64


def setup_inputs(seed: int = 0) -> dict:
    key = jax.random.key(seed)
    ks = jax.random.split(key, 12)
    s1 = 1.0 / np.sqrt(D)
    s2 = 1.0 / np.sqrt(H1 * O1)
    return {
        "x": jax.random.normal(ks[0], (N, D), dtype=jnp.float32),
        "edge_index": jax.random.randint(ks[1], (2, E), 0, N, dtype=jnp.int32),
        "W1": jax.random.normal(ks[2], (D, H1 * O1), dtype=jnp.float32) * s1,
        "a_src1": jax.random.normal(ks[3], (1, H1, O1), dtype=jnp.float32) * s1,
        "a_dst1": jax.random.normal(ks[4], (1, H1, O1), dtype=jnp.float32) * s1,
        "b1": jnp.zeros((H1 * O1,), dtype=jnp.float32),
        "W2": jax.random.normal(ks[5], (H1 * O1, O2), dtype=jnp.float32) * s2,
        "a_src2": jax.random.normal(ks[6], (1, 1, O2), dtype=jnp.float32) * s2,
        "a_dst2": jax.random.normal(ks[7], (1, 1, O2), dtype=jnp.float32) * s2,
        "b2": jnp.zeros((O2,), dtype=jnp.float32),
    }


def gat_conv(x, ei, W, a_s, a_d, b, heads, out_ch, concat):
    n = x.shape[0]
    loop = jnp.arange(n, dtype=ei.dtype)
    src = jnp.concatenate([ei[0], loop])
    dst = jnp.concatenate([ei[1], loop])
    h = (x @ W).reshape(n, heads, out_ch)
    alpha_src = (h * a_s).sum(-1)  # [n, heads]
    alpha_dst = (h * a_d).sum(-1)  # [n, heads]
    alpha = alpha_src[src] + alpha_dst[dst]  # [E+n, heads]
    alpha = jax.nn.leaky_relu(alpha, negative_slope=0.2)
    amax = jax.lax.stop_gradient(jax.ops.segment_max(alpha, dst, num_segments=n))
    ex = jnp.exp(alpha - amax[dst])
    den = jax.ops.segment_sum(ex, dst, num_segments=n)
    att = ex / (den[dst] + 1e-16)
    out = jax.ops.segment_sum(h[src] * att[:, :, None], dst, num_segments=n)
    if concat:
        out = out.reshape(n, heads * out_ch)
    else:
        out = out.mean(axis=1)
    return out + b


def reference(x, edge_index, W1, a_src1, a_dst1, b1, W2, a_src2, a_dst2, b2):
    # dropout layers are identity in eval mode
    h = gat_conv(x, edge_index, W1, a_src1, a_dst1, b1, H1, O1, True)
    h = jax.nn.elu(h)
    h = gat_conv(h, edge_index, W2, a_src2, a_dst2, b2, 1, O2, False)
    return jax.nn.log_softmax(h, axis=-1)

if __name__ == "__main__":
    import jax
    _d = setup_inputs()
    print(jax.jit(kernel)(*tuple(_d.values())))

</pallas_src>

<mosaic_0001>
#map = affine_map<(d0, d1) -> (0)>
#map1 = affine_map<(d0, d1) -> (0, 0)>
#map2 = affine_map<(d0, d1) -> (0, 0, 0)>
module attributes {stable_mosaic.version = 14 : i64} {
  func.func @_edge_sc_body(%arg0: i32, %arg1: i32, %arg2: memref<320000xi32, #tpu.memory_space<hbm>>, %arg3: memref<320000xi32, #tpu.memory_space<hbm>>, %arg4: memref<10000x128xf32, #tpu.memory_space<hbm>>, %arg5: memref<128x128xf32, #tpu.memory_space<hbm>>, %arg6: memref<2x10112x128xf32, #tpu.memory_space<hbm>>, %arg7: memref<128xi32, #tpu.memory_space<vmem>>, %arg8: memref<128xi32, #tpu.memory_space<vmem>>, %arg9: memref<128x128xf32, #tpu.memory_space<vmem>>, %arg10: memref<128x128xf32, #tpu.memory_space<vmem>>, %arg11: memref<128x128xf32, #tpu.memory_space<vmem>>, %arg12: memref<10112x128xf32, #tpu.memory_space<vmem_shared>>) attributes {dimension_semantics = [#tpu.dimension_semantics<core_parallel>, #tpu.dimension_semantics<subcore_parallel>], iteration_bounds = array<i64: 2, 16>, scalar_prefetch = 0 : i64, scratch_operands = 6 : i64, tpu.core_type = #tpu.core_type<sc_vector_subcore>, window_params = [{transform_indices = #map}, {transform_indices = #map}, {transform_indices = #map1}, {transform_indices = #map1}, {transform_indices = #map2}]} {
    %mul3A = arith.constant 2 : i32
    %mul3A_0 = arith.muli %arg1, %mul3A : i32
    %add3A = arith.addi %mul3A_0, %arg0 : i32
    %iota3A = tpu.iota {dimensions = array<i32: 0>} : vector<16xi32>
    %and3A = arith.constant 7 : i32
    %and3A_1 = vector.broadcast %and3A : i32 to vector<16xi32>
    %and3A_2 = arith.andi %iota3A, %and3A_1 : vector<16xi32>
    %shift_right_arithmetic3A = arith.constant 3 : i32
    %shift_right_arithmetic3A_3 = vector.broadcast %shift_right_arithmetic3A : i32 to vector<16xi32>
    %shift_right_arithmetic3A_4 = arith.shrsi %iota3A, %shift_right_arithmetic3A_3 : vector<16xi32>
    %eq3A = arith.constant 1 : i32
    %eq3A_5 = vector.broadcast %eq3A : i32 to vector<16xi32>
    %eq3A_6 = arith.cmpi eq, %shift_right_arithmetic3A_4, %eq3A_5 : vector<16xi32>
    "tpu.region"() ({
      %run_scoped3A = tpu.sem_alloc : memref<!tpu.dma_semaphore, #tpu.memory_space<semaphore_mem>>
      tpu.enqueue_dma source(%arg5 : memref<128x128xf32, #tpu.memory_space<hbm>>) target(%arg11 : memref<128x128xf32, #tpu.memory_space<vmem>>) target_semaphore(%run_scoped3A : memref<!tpu.dma_semaphore, #tpu.memory_space<semaphore_mem>>)
      tpu.wait_dma2 semaphore(%run_scoped3A : memref<!tpu.dma_semaphore, #tpu.memory_space<semaphore_mem>>) src(%arg5 : memref<128x128xf32, #tpu.memory_space<hbm>>) dst(%arg11 : memref<128x128xf32, #tpu.memory_space<vmem>>)
      tpu.yield
    }) : () -> ()
    %add3A_7 = arith.constant 0 : i32
    %add3A_8 = arith.addi %arg1, %add3A_7 : i32
    %lt3A = arith.constant 79 : i32
    %lt3A_9 = arith.cmpi slt, %add3A_8, %lt3A : i32
    %convert_element_type3A = arith.extui %lt3A_9 : i1 to i32
    %cond3A = arith.constant 0 : i32
    %cond3A_10 = arith.cmpi ne, %convert_element_type3A, %cond3A : i32
    scf.if %cond3A_10 {
      %mul3A_89 = arith.constant 128 : i32
      %mul3A_90 = arith.muli %add3A_8, %mul3A_89 : i32
      %multiple_of3A = tpu.assume_multiple %mul3A_90, 128 : i32
      "tpu.region"() ({
        %run_scoped3A = tpu.sem_alloc : memref<!tpu.dma_semaphore, #tpu.memory_space<semaphore_mem>>
        %dma_start3A = arith.constant 0 : i32
        %dma_start3A_91 = tpu.memref_slice %arg12[%multiple_of3A, %dma_start3A] : memref<10112x128xf32, #tpu.memory_space<vmem_shared>> -> memref<128x128xf32, #tpu.memory_space<vmem_shared>>
        %dma_start3A_92 = arith.constant 0 : i32
        %dma_start3A_93 = tpu.memref_slice %arg12[%multiple_of3A, %dma_start3A_92] : memref<10112x128xf32, #tpu.memory_space<vmem_shared>> -> memref<128x128xf32, #tpu.memory_space<vmem_shared>>
        tpu.enqueue_dma source(%arg11 : memref<128x128xf32, #tpu.memory_space<vmem>>) target(%dma_start3A_93 : memref<128x128xf32, #tpu.memory_space<vmem_shared>>) target_semaphore(%run_scoped3A : memref<!tpu.dma_semaphore, #tpu.memory_space<semaphore_mem>>)
        %dma_wait3A = arith.constant 0 : i32
        %dma_wait3A_94 = tpu.memref_slice %arg12[%multiple_of3A, %dma_wait3A] : memref<10112x128xf32, #tpu.memory_space<vmem_shared>> -> memref<128x128xf32, #tpu.memory_space<vmem_shared>>
        %dma_wait3A_95 = arith.constant 0 : i32
        %dma_wait3A_96 = tpu.memref_slice %arg12[%multiple_of3A, %dma_wait3A_95] : memref<10112x128xf32, #tpu.memory_space<vmem_shared>> -> memref<128x128xf32, #tpu.memory_space<vmem_shared>>
        tpu.wait_dma2 semaphore(%run_scoped3A : memref<!tpu.dma_semaphore, #tpu.memory_space<semaphore_mem>>) src(%arg11 : memref<128x128xf32, #tpu.memory_space<vmem>>) dst(%dma_wait3A_96 : memref<128x128xf32, #tpu.memory_space<vmem_shared>>)
        tpu.yield
      }) : () -> ()
    } else {
    }
    %add3A_11 = arith.constant 16 : i32
    %add3A_12 = arith.addi %arg1, %add3A_11 : i32
    %lt3A_13 = arith.constant 79 : i32
    %lt3A_14 = arith.cmpi slt, %add3A_12, %lt3A_13 : i32
    %convert_element_type3A_15 = arith.extui %lt3A_14 : i1 to i32
    %cond3A_16 = arith.constant 0 : i32
    %cond3A_17 = arith.cmpi ne, %convert_element_type3A_15, %cond3A_16 : i32
    scf.if %cond3A_17 {
      %mul3A_89 = arith.constant 128 : i32
      %mul3A_90 = arith.muli %add3A_12, %mul3A_89 : i32
      %multiple_of3A = tpu.assume_multiple %mul3A_90, 128 : i32
      "tpu.region"() ({
        %run_scoped3A = tpu.sem_alloc : memref<!tpu.dma_semaphore, #tpu.memory_space<semaphore_mem>>
        %dma_start3A = arith.constant 0 : i32
        %dma_start3A_91 = tpu.memref_slice %arg12[%multiple_of3A, %dma_start3A] : memref<10112x128xf32, #tpu.memory_space<vmem_shared>> -> memref<128x128xf32, #tpu.memory_space<vmem_shared>>
        %dma_start3A_92 = arith.constant 0 : i32
        %dma_start3A_93 = tpu.memref_slice %arg12[%multiple_of3A, %dma_start3A_92] : memref<10112x128xf32, #tpu.memory_space<vmem_shared>> -> memref<128x128xf32, #tpu.memory_space<vmem_shared>>
        tpu.enqueue_dma source(%arg11 : memref<128x128xf32, #tpu.memory_space<vmem>>) target(%dma_start3A_93 : memref<128x128xf32, #tpu.memory_space<vmem_shared>>) target_semaphore(%run_scoped3A : memref<!tpu.dma_semaphore, #tpu.memory_space<semaphore_mem>>)
        %dma_wait3A = arith.constant 0 : i32
        %dma_wait3A_94 = tpu.memref_slice %arg12[%multiple_of3A, %dma_wait3A] : memref<10112x128xf32, #tpu.memory_space<vmem_shared>> -> memref<128x128xf32, #tpu.memory_space<vmem_shared>>
        %dma_wait3A_95 = arith.constant 0 : i32
        %dma_wait3A_96 = tpu.memref_slice %arg12[%multiple_of3A, %dma_wait3A_95] : memref<10112x128xf32, #tpu.memory_space<vmem_shared>> -> memref<128x128xf32, #tpu.memory_space<vmem_shared>>
        tpu.wait_dma2 semaphore(%run_scoped3A : memref<!tpu.dma_semaphore, #tpu.memory_space<semaphore_mem>>) src(%arg11 : memref<128x128xf32, #tpu.memory_space<vmem>>) dst(%dma_wait3A_96 : memref<128x128xf32, #tpu.memory_space<vmem_shared>>)
        tpu.yield
      }) : () -> ()
    } else {
    }
    %add3A_18 = arith.constant 32 : i32
    %add3A_19 = arith.addi %arg1, %add3A_18 : i32
    %lt3A_20 = arith.constant 79 : i32
    %lt3A_21 = arith.cmpi slt, %add3A_19, %lt3A_20 : i32
    %convert_element_type3A_22 = arith.extui %lt3A_21 : i1 to i32
    %cond3A_23 = arith.constant 0 : i32
    %cond3A_24 = arith.cmpi ne, %convert_element_type3A_22, %cond3A_23 : i32
    scf.if %cond3A_24 {
      %mul3A_89 = arith.constant 128 : i32
      %mul3A_90 = arith.muli %add3A_19, %mul3A_89 : i32
      %multiple_of3A = tpu.assume_multiple %mul3A_90, 128 : i32
      "tpu.region"() ({
        %run_scoped3A = tpu.sem_alloc : memref<!tpu.dma_semaphore, #tpu.memory_space<semaphore_mem>>
        %dma_start3A = arith.constant 0 : i32
        %dma_start3A_91 = tpu.memref_slice %arg12[%multiple_of3A, %dma_start3A] : memref<10112x128xf32, #tpu.memory_space<vmem_shared>> -> memref<128x128xf32, #tpu.memory_space<vmem_shared>>
        %dma_start3A_92 = arith.constant 0 : i32
        %dma_start3A_93 = tpu.memref_slice %arg12[%multiple_of3A, %dma_start3A_92] : memref<10112x128xf32, #tpu.memory_space<vmem_shared>> -> memref<128x128xf32, #tpu.memory_space<vmem_shared>>
        tpu.enqueue_dma source(%arg11 : memref<128x128xf32, #tpu.memory_space<vmem>>) target(%dma_start3A_93 : memref<128x128xf32, #tpu.memory_space<vmem_shared>>) target_semaphore(%run_scoped3A : memref<!tpu.dma_semaphore, #tpu.memory_space<semaphore_mem>>)
        %dma_wait3A = arith.constant 0 : i32
        %dma_wait3A_94 = tpu.memref_slice %arg12[%multiple_of3A, %dma_wait3A] : memref<10112x128xf32, #tpu.memory_space<vmem_shared>> -> memref<128x128xf32, #tpu.memory_space<vmem_shared>>
        %dma_wait3A_95 = arith.constant 0 : i32
        %dma_wait3A_96 = tpu.memref_slice %arg12[%multiple_of3A, %dma_wait3A_95] : memref<10112x128xf32, #tpu.memory_space<vmem_shared>> -> memref<128x128xf32, #tpu.memory_space<vmem_shared>>
        tpu.wait_dma2 semaphore(%run_scoped3A : memref<!tpu.dma_semaphore, #tpu.memory_space<semaphore_mem>>) src(%arg11 : memref<128x128xf32, #tpu.memory_space<vmem>>) dst(%dma_wait3A_96 : memref<128x128xf32, #tpu.memory_space<vmem_shared>>)
        tpu.yield
      }) : () -> ()
    } else {
    }
    %add3A_25 = arith.constant 48 : i32
    %add3A_26 = arith.addi %arg1, %add3A_25 : i32
    %lt3A_27 = arith.constant 79 : i32
    %lt3A_28 = arith.cmpi slt, %add3A_26, %lt3A_27 : i32
    %convert_element_type3A_29 = arith.extui %lt3A_28 : i1 to i32
    %cond3A_30 = arith.constant 0 : i32
    %cond3A_31 = arith.cmpi ne, %convert_element_type3A_29, %cond3A_30 : i32
    scf.if %cond3A_31 {
      %mul3A_89 = arith.constant 128 : i32
      %mul3A_90 = arith.muli %add3A_26, %mul3A_89 : i32
      %multiple_of3A = tpu.assume_multiple %mul3A_90, 128 : i32
      "tpu.region"() ({
        %run_scoped3A = tpu.sem_alloc : memref<!tpu.dma_semaphore, #tpu.memory_space<semaphore_mem>>
        %dma_start3A = arith.constant 0 : i32
        %dma_start3A_91 = tpu.memref_slice %arg12[%multiple_of3A, %dma_start3A] : memref<10112x128xf32, #tpu.memory_space<vmem_shared>> -> memref<128x128xf32, #tpu.memory_space<vmem_shared>>
        %dma_start3A_92 = arith.constant 0 : i32
        %dma_start3A_93 = tpu.memref_slice %arg12[%multiple_of3A, %dma_start3A_92] : memref<10112x128xf32, #tpu.memory_space<vmem_shared>> -> memref<128x128xf32, #tpu.memory_space<vmem_shared>>
        tpu.enqueue_dma source(%arg11 : memref<128x128xf32, #tpu.memory_space<vmem>>) target(%dma_start3A_93 : memref<128x128xf32, #tpu.memory_space<vmem_shared>>) target_semaphore(%run_scoped3A : memref<!tpu.dma_semaphore, #tpu.memory_space<semaphore_mem>>)
        %dma_wait3A = arith.constant 0 : i32
        %dma_wait3A_94 = tpu.memref_slice %arg12[%multiple_of3A, %dma_wait3A] : memref<10112x128xf32, #tpu.memory_space<vmem_shared>> -> memref<128x128xf32, #tpu.memory_space<vmem_shared>>
        %dma_wait3A_95 = arith.constant 0 : i32
        %dma_wait3A_96 = tpu.memref_slice %arg12[%multiple_of3A, %dma_wait3A_95] : memref<10112x128xf32, #tpu.memory_space<vmem_shared>> -> memref<128x128xf32, #tpu.memory_space<vmem_shared>>
        tpu.wait_dma2 semaphore(%run_scoped3A : memref<!tpu.dma_semaphore, #tpu.memory_space<semaphore_mem>>) src(%arg11 : memref<128x128xf32, #tpu.memory_space<vmem>>) dst(%dma_wait3A_96 : memref<128x128xf32, #tpu.memory_space<vmem_shared>>)
        tpu.yield
      }) : () -> ()
    } else {
    }
    %add3A_32 = arith.constant 64 : i32
    %add3A_33 = arith.addi %arg1, %add3A_32 : i32
    %lt3A_34 = arith.constant 79 : i32
    %lt3A_35 = arith.cmpi slt, %add3A_33, %lt3A_34 : i32
    %convert_element_type3A_36 = arith.extui %lt3A_35 : i1 to i32
    %cond3A_37 = arith.constant 0 : i32
    %cond3A_38 = arith.cmpi ne, %convert_element_type3A_36, %cond3A_37 : i32
    scf.if %cond3A_38 {
      %mul3A_89 = arith.constant 128 : i32
      %mul3A_90 = arith.muli %add3A_33, %mul3A_89 : i32
      %multiple_of3A = tpu.assume_multiple %mul3A_90, 128 : i32
      "tpu.region"() ({
        %run_scoped3A = tpu.sem_alloc : memref<!tpu.dma_semaphore, #tpu.memory_space<semaphore_mem>>
        %dma_start3A = arith.constant 0 : i32
        %dma_start3A_91 = tpu.memref_slice %arg12[%multiple_of3A, %dma_start3A] : memref<10112x128xf32, #tpu.memory_space<vmem_shared>> -> memref<128x128xf32, #tpu.memory_space<vmem_shared>>
        %dma_start3A_92 = arith.constant 0 : i32
        %dma_start3A_93 = tpu.memref_slice %arg12[%multiple_of3A, %dma_start3A_92] : memref<10112x128xf32, #tpu.memory_space<vmem_shared>> -> memref<128x128xf32, #tpu.memory_space<vmem_shared>>
        tpu.enqueue_dma source(%arg11 : memref<128x128xf32, #tpu.memory_space<vmem>>) target(%dma_start3A_93 : memref<128x128xf32, #tpu.memory_space<vmem_shared>>) target_semaphore(%run_scoped3A : memref<!tpu.dma_semaphore, #tpu.memory_space<semaphore_mem>>)
        %dma_wait3A = arith.constant 0 : i32
        %dma_wait3A_94 = tpu.memref_slice %arg12[%multiple_of3A, %dma_wait3A] : memref<10112x128xf32, #tpu.memory_space<vmem_shared>> -> memref<128x128xf32, #tpu.memory_space<vmem_shared>>
        %dma_wait3A_95 = arith.constant 0 : i32
        %dma_wait3A_96 = tpu.memref_slice %arg12[%multiple_of3A, %dma_wait3A_95] : memref<10112x128xf32, #tpu.memory_space<vmem_shared>> -> memref<128x128xf32, #tpu.memory_space<vmem_shared>>
        tpu.wait_dma2 semaphore(%run_scoped3A : memref<!tpu.dma_semaphore, #tpu.memory_space<semaphore_mem>>) src(%arg11 : memref<128x128xf32, #tpu.memory_space<vmem>>) dst(%dma_wait3A_96 : memref<128x128xf32, #tpu.memory_space<vmem_shared>>)
        tpu.yield
      }) : () -> ()
    } else {
    }
    %barrier3A = arith.constant 0 : index
    tpu.barrier barrier_id(%barrier3A)
    %lt3A_39 = arith.constant 4 : i32
    %lt3A_40 = arith.cmpi slt, %add3A, %lt3A_39 : i32
    %jit3A = arith.constant 79 : i32
    %jit3A_41 = arith.constant 78 : i32
    %select_n3A = arith.select %lt3A_40, %jit3A, %jit3A_41 : i32
    %while3A = arith.constant 0 : i32
    %while3A_42 = arith.constant 0 : i32
    %while3A_43 = arith.subi %select_n3A, %while3A : i32
    %while3A_44 = arith.addi %while3A, %while3A_43 : i32
    %while3A_45 = arith.constant 1 : i32
    %while3A_46 = arith.divsi %while3A_43, %while3A_45 : i32
    %while3A_47 = arith.muli %while3A_46, %while3A_45 : i32
    %while3A_48 = arith.addi %while3A, %while3A_47 : i32
    %while3A_49 = arith.constant 1 : i32
    %while3A_50 = scf.for %while3A_89 = %while3A to %while3A_48 step %while3A_49 iter_args(%while3A_90 = %while3A_42) -> (i32)  : i32 {
      %mul3A_91 = arith.constant 32 : i32
      %mul3A_92 = arith.muli %mul3A_91, %while3A_89 : i32
      %add3A_93 = arith.addi %add3A, %mul3A_92 : i32
      %mul3A_94 = arith.constant 128 : i32
      %mul3A_95 = arith.muli %add3A_93, %mul3A_94 : i32
      %multiple_of3A = tpu.assume_multiple %mul3A_95, 128 : i32
      "tpu.region"() ({
        %run_scoped3A = tpu.sem_alloc : memref<!tpu.dma_semaphore, #tpu.memory_space<semaphore_mem>>
        %dma_start3A = tpu.memref_slice %arg2[%multiple_of3A] : memref<320000xi32, #tpu.memory_space<hbm>> -> memref<128xi32, #tpu.memory_space<hbm>>
        %dma_start3A_103 = tpu.memref_slice %arg2[%multiple_of3A] : memref<320000xi32, #tpu.memory_space<hbm>> -> memref<128xi32, #tpu.memory_space<hbm>>
        tpu.enqueue_dma source(%dma_start3A_103 : memref<128xi32, #tpu.memory_space<hbm>>) target(%arg7 : memref<128xi32, #tpu.memory_space<vmem>>) target_semaphore(%run_scoped3A : memref<!tpu.dma_semaphore, #tpu.memory_space<semaphore_mem>>)
        %dma_wait3A = tpu.memref_slice %arg2[%multiple_of3A] : memref<320000xi32, #tpu.memory_space<hbm>> -> memref<128xi32, #tpu.memory_space<hbm>>
        %dma_wait3A_104 = tpu.memref_slice %arg2[%multiple_of3A] : memref<320000xi32, #tpu.memory_space<hbm>> -> memref<128xi32, #tpu.memory_space<hbm>>
        tpu.wait_dma2 semaphore(%run_scoped3A : memref<!tpu.dma_semaphore, #tpu.memory_space<semaphore_mem>>) src(%dma_wait3A_104 : memref<128xi32, #tpu.memory_space<hbm>>) dst(%arg7 : memref<128xi32, #tpu.memory_space<vmem>>)
        tpu.yield
      }) : () -> ()
      "tpu.region"() ({
        %run_scoped3A = tpu.sem_alloc : memref<!tpu.dma_semaphore, #tpu.memory_space<semaphore_mem>>
        %dma_start3A = tpu.memref_slice %arg3[%multiple_of3A] : memref<320000xi32, #tpu.memory_space<hbm>> -> memref<128xi32, #tpu.memory_space<hbm>>
        %dma_start3A_103 = tpu.memref_slice %arg3[%multiple_of3A] : memref<320000xi32, #tpu.memory_space<hbm>> -> memref<128xi32, #tpu.memory_space<hbm>>
        tpu.enqueue_dma source(%dma_start3A_103 : memref<128xi32, #tpu.memory_space<hbm>>) target(%arg8 : memref<128xi32, #tpu.memory_space<vmem>>) target_semaphore(%run_scoped3A : memref<!tpu.dma_semaphore, #tpu.memory_space<semaphore_mem>>)
        %dma_wait3A = tpu.memref_slice %arg3[%multiple_of3A] : memref<320000xi32, #tpu.memory_space<hbm>> -> memref<128xi32, #tpu.memory_space<hbm>>
        %dma_wait3A_104 = tpu.memref_slice %arg3[%multiple_of3A] : memref<320000xi32, #tpu.memory_space<hbm>> -> memref<128xi32, #tpu.memory_space<hbm>>
        tpu.wait_dma2 semaphore(%run_scoped3A : memref<!tpu.dma_semaphore, #tpu.memory_space<semaphore_mem>>) src(%dma_wait3A_104 : memref<128xi32, #tpu.memory_space<hbm>>) dst(%arg8 : memref<128xi32, #tpu.memory_space<vmem>>)
        tpu.yield
      }) : () -> ()
      "tpu.region"() ({
        %run_scoped3A = tpu.sem_alloc : memref<!tpu.dma_semaphore, #tpu.memory_space<semaphore_mem>>
        %dma_start3A = arith.constant 0 : i32
        %dma_start3A_103 = arith.constant 0 : i32
        %dma_start3A_104 = tpu.memref_slice %arg4[%dma_start3A, %dma_start3A_103] : memref<10000x128xf32, #tpu.memory_space<hbm>> -> memref<10000x128xf32, #tpu.memory_space<hbm>>
        tpu.enqueue_indirect_dma source(%dma_start3A_104 : memref<10000x128xf32, #tpu.memory_space<hbm>>) target(%arg9 : memref<128x128xf32, #tpu.memory_space<vmem>>) offsets(%arg7 : memref<128xi32, #tpu.memory_space<vmem>>) semaphore(%run_scoped3A : memref<!tpu.dma_semaphore, #tpu.memory_space<semaphore_mem>>)
        %dma_wait3A = arith.constant 0 : i32
        %dma_wait3A_105 = arith.constant 0 : i32
        %dma_wait3A_106 = tpu.memref_slice %arg4[%dma_wait3A, %dma_wait3A_105] : memref<10000x128xf32, #tpu.memory_space<hbm>> -> memref<10000x128xf32, #tpu.memory_space<hbm>>
        tpu.wait_indirect_dma semaphore(%run_scoped3A : memref<!tpu.dma_semaphore, #tpu.memory_space<semaphore_mem>>) src(%dma_wait3A_106 : memref<10000x128xf32, #tpu.memory_space<hbm>>) dst(%arg9 : memref<128x128xf32, #tpu.memory_space<vmem>>)
        tpu.yield
      }) : () -> ()
      "tpu.region"() ({
        %run_scoped3A = tpu.sem_alloc : memref<!tpu.dma_semaphore, #tpu.memory_space<semaphore_mem>>
        %dma_start3A = arith.constant 0 : i32
        %dma_start3A_103 = arith.constant 0 : i32
        %dma_start3A_104 = tpu.memref_slice %arg4[%dma_start3A, %dma_start3A_103] : memref<10000x128xf32, #tpu.memory_space<hbm>> -> memref<10000x128xf32, #tpu.memory_space<hbm>>
        tpu.enqueue_indirect_dma source(%dma_start3A_104 : memref<10000x128xf32, #tpu.memory_space<hbm>>) target(%arg10 : memref<128x128xf32, #tpu.memory_space<vmem>>) offsets(%arg8 : memref<128xi32, #tpu.memory_space<vmem>>) semaphore(%run_scoped3A : memref<!tpu.dma_semaphore, #tpu.memory_space<semaphore_mem>>)
        %dma_wait3A = arith.constant 0 : i32
        %dma_wait3A_105 = arith.constant 0 : i32
        %dma_wait3A_106 = tpu.memref_slice %arg4[%dma_wait3A, %dma_wait3A_105] : memref<10000x128xf32, #tpu.memory_space<hbm>> -> memref<10000x128xf32, #tpu.memory_space<hbm>>
        tpu.wait_indirect_dma semaphore(%run_scoped3A : memref<!tpu.dma_semaphore, #tpu.memory_space<semaphore_mem>>) src(%dma_wait3A_106 : memref<10000x128xf32, #tpu.memory_space<hbm>>) dst(%arg10 : memref<128x128xf32, #tpu.memory_space<vmem>>)
        tpu.yield
      }) : () -> ()
      %scan3A = arith.constant 0 : i32
      %scan3A_96 = arith.constant 0 : i32
      %scan3A_97 = arith.constant 64 : i32
      %scan3A_98 = arith.addi %scan3A_96, %scan3A_97 : i32
      %scan3A_99 = arith.constant 1 : i32
      %scan3A_100 = scf.for %scan3A_103 = %scan3A_96 to %scan3A_98 step %scan3A_99 iter_args(%scan3A_104 = %scan3A) -> (i32)  : i32 {
        %mul3A_105 = arith.constant 2 : i32
        %mul3A_106 = arith.muli %mul3A_105, %scan3A_103 : i32
        %mul3A_107 = arith.constant 2 : i32
        %mul3A_108 = arith.muli %mul3A_107, %scan3A_103 : i32
        %add3A_109 = arith.constant 1 : i32
        %add3A_110 = arith.addi %mul3A_108, %add3A_109 : i32
        %get3A = arith.index_cast %add3A_110 : i32 to index
        %get3A_111 = arith.constant 56 : index
        %get3A_112 = tpu.vector_load %arg9[%get3A, %get3A_111] {strides = array<i32>} : memref<128x128xf32, #tpu.memory_space<vmem>>, vector<1x16xf32>,
        %get3A_113 = vector.shape_cast %get3A_112 : vector<1x16xf32> to vector<16xf32>
        %get3A_114 = arith.index_cast %mul3A_106 : i32 to index
        %get3A_115 = arith.constant 64 : index
        %get3A_116 = tpu.vector_load %arg9[%get3A_114, %get3A_115] {strides = array<i32>} : memref<128x128xf32, #tpu.memory_space<vmem>>, vector<1x16xf32>,
        %get3A_117 = vector.shape_cast %get3A_116 : vector<1x16xf32> to vector<16xf32>
        %select_n3A_118 = arith.select %eq3A_6, %get3A_113, %get3A_117 : vector<16xi1>, vector<16xf32>
        %get3A_119 = arith.index_cast %add3A_110 : i32 to index
        %get3A_120 = arith.constant 72 : index
        %get3A_121 = tpu.vector_load %arg10[%get3A_119, %get3A_120] {strides = array<i32>} : memref<128x128xf32, #tpu.memory_space<vmem>>, vector<1x16xf32>,
        %get3A_122 = vector.shape_cast %get3A_121 : vector<1x16xf32> to vector<16xf32>
        %get3A_123 = arith.index_cast %mul3A_106 : i32 to index
        %get3A_124 = arith.constant 80 : index
        %get3A_125 = tpu.vector_load %arg10[%get3A_123, %get3A_124] {strides = array<i32>} : memref<128x128xf32, #tpu.memory_space<vmem>>, vector<1x16xf32>,
        %get3A_126 = vector.shape_cast %get3A_125 : vector<1x16xf32> to vector<16xf32>
        %select_n3A_127 = arith.select %eq3A_6, %get3A_122, %get3A_126 : vector<16xi1>, vector<16xf32>
        %get3A_128 = arith.index_cast %add3A_110 : i32 to index
        %get3A_129 = arith.constant 80 : index
        %get3A_130 = tpu.vector_load %arg10[%get3A_128, %get3A_129] {strides = array<i32>} : memref<128x128xf32, #tpu.memory_space<vmem>>, vector<1x16xf32>,
        %get3A_131 = vector.shape_cast %get3A_130 : vector<1x16xf32> to vector<16xf32>
        %get3A_132 = arith.index_cast %mul3A_106 : i32 to index
        %get3A_133 = arith.constant 88 : index
        %get3A_134 = tpu.vector_load %arg10[%get3A_132, %get3A_133] {strides = array<i32>} : memref<128x128xf32, #tpu.memory_space<vmem>>, vector<1x16xf32>,
        %get3A_135 = vector.shape_cast %get3A_134 : vector<1x16xf32> to vector<16xf32>
        %select_n3A_136 = arith.select %eq3A_6, %get3A_131, %get3A_135 : vector<16xi1>, vector<16xf32>
        %add3A_137 = arith.addf %select_n3A_118, %select_n3A_127 : vector<16xf32>
        %add3A_138 = arith.addf %select_n3A_118, %select_n3A_136 : vector<16xf32>
        %mul3A_139 = arith.constant 2.000000e-01 : f32
        %mul3A_140 = vector.broadcast %mul3A_139 : f32 to vector<16xf32>
        %mul3A_141 = arith.mulf %mul3A_140, %add3A_138 : vector<16xf32>
        %max3A = arith.maximumf %add3A_137, %mul3A_141 : vector<16xf32>
        %exp3A = math.exp %max3A : vector<16xf32>
        %swap3A = arith.index_cast %mul3A_106 : i32 to index
        %swap3A_142 = arith.constant 64 : index
        %swap3A_143 = tpu.vector_load %arg11[%swap3A, %swap3A_142] {strides = array<i32>} : memref<128x128xf32, #tpu.memory_space<vmem>>, vector<1x16xf32>,
        %swap3A_144 = vector.shape_cast %swap3A_143 : vector<1x16xf32> to vector<16xf32>
        %swap3A_145 = vector.shape_cast %exp3A : vector<16xf32> to vector<1x16xf32>
        tpu.vector_store %arg11[%swap3A, %swap3A_142], %swap3A_145 {strides = array<i32>} : memref<128x128xf32, #tpu.memory_space<vmem>>, vector<1x16xf32>,
        %swap3A_146 = arith.index_cast %add3A_110 : i32 to index
        %swap3A_147 = arith.constant 56 : index
        %swap3A_148 = tpu.vector_load %arg11[%swap3A_146, %swap3A_147] {strides = array<i32>} : memref<128x128xf32, #tpu.memory_space<vmem>>, vector<1x16xf32>,
        %swap3A_149 = vector.shape_cast %swap3A_148 : vector<1x16xf32> to vector<16xf32>
        %swap3A_150 = vector.shape_cast %exp3A : vector<16xf32> to vector<1x16xf32>
        tpu.vector_store %arg11[%swap3A_146, %swap3A_147], %swap3A_150 {strides = array<i32>} : memref<128x128xf32, #tpu.memory_space<vmem>>, vector<1x16xf32>,
        %add3A_151 = arith.constant 0 : i32
        %add3A_152 = vector.broadcast %add3A_151 : i32 to vector<16xi32>
        %add3A_153 = arith.addi %shift_right_arithmetic3A_4, %add3A_152 : vector<16xi32>
        %broadcast_in_dim3A = vector.shape_cast %add3A_153 : vector<16xi32> to vector<16x1xi32>
        %gather3A = vector.shape_cast %broadcast_in_dim3A : vector<16x1xi32> to vector<16xi32>
        %gather3A_154 = tpu.dynamic_gather %exp3A[%gather3A] in [0] : vector<16xf32>, vector<16xi32> -> vector<16xf32>
        %add3A_155 = arith.constant 8 : i32
        %add3A_156 = vector.broadcast %add3A_155 : i32 to vector<16xi32>
        %add3A_157 = arith.addi %add3A_153, %add3A_156 : vector<16xi32>
        %broadcast_in_dim3A_158 = vector.shape_cast %add3A_157 : vector<16xi32> to vector<16x1xi32>
        %gather3A_159 = vector.shape_cast %broadcast_in_dim3A_158 : vector<16x1xi32> to vector<16xi32>
        %gather3A_160 = tpu.dynamic_gather %exp3A[%gather3A_159] in [0] : vector<16xf32>, vector<16xi32> -> vector<16xf32>
        %get3A_161 = arith.index_cast %mul3A_106 : i32 to index
        %get3A_162 = arith.constant 0 : index
        %get3A_163 = tpu.vector_load %arg9[%get3A_161, %get3A_162] {strides = array<i32>} : memref<128x128xf32, #tpu.memory_space<vmem>>, vector<1x16xf32>,
        %get3A_164 = vector.shape_cast %get3A_163 : vector<1x16xf32> to vector<16xf32>
        %get3A_165 = arith.index_cast %add3A_110 : i32 to index
        %get3A_166 = arith.constant 0 : index
        %get3A_167 = tpu.vector_load %arg9[%get3A_165, %get3A_166] {strides = array<i32>} : memref<128x128xf32, #tpu.memory_space<vmem>>, vector<1x16xf32>,
        %get3A_168 = vector.shape_cast %get3A_167 : vector<1x16xf32> to vector<16xf32>
        %mul3A_169 = arith.mulf %get3A_164, %gather3A_154 : vector<16xf32>
        %swap3A_170 = arith.index_cast %mul3A_106 : i32 to index
        %swap3A_171 = arith.constant 0 : index
        %swap3A_172 = tpu.vector_load %arg11[%swap3A_170, %swap3A_171] {strides = array<i32>} : memref<128x128xf32, #tpu.memory_space<vmem>>, vector<1x16xf32>,
        %swap3A_173 = vector.shape_cast %swap3A_172 : vector<1x16xf32> to vector<16xf32>
        %swap3A_174 = vector.shape_cast %mul3A_169 : vector<16xf32> to vector<1x16xf32>
        tpu.vector_store %arg11[%swap3A_170, %swap3A_171], %swap3A_174 {strides = array<i32>} : memref<128x128xf32, #tpu.memory_space<vmem>>, vector<1x16xf32>,
        %mul3A_175 = arith.mulf %get3A_168, %gather3A_160 : vector<16xf32>
        %swap3A_176 = arith.index_cast %add3A_110 : i32 to index
        %swap3A_177 = arith.constant 0 : index
        %swap3A_178 = tpu.vector_load %arg11[%swap3A_176, %swap3A_177] {strides = array<i32>} : memref<128x128xf32, #tpu.memory_space<vmem>>, vector<1x16xf32>,
        %swap3A_179 = vector.shape_cast %swap3A_178 : vector<1x16xf32> to vector<16xf32>
        %swap3A_180 = vector.shape_cast %mul3A_175 : vector<16xf32> to vector<1x16xf32>
        tpu.vector_store %arg11[%swap3A_176, %swap3A_177], %swap3A_180 {strides = array<i32>} : memref<128x128xf32, #tpu.memory_space<vmem>>, vector<1x16xf32>,
        %add3A_181 = arith.constant 2 : i32
        %add3A_182 = vector.broadcast %add3A_181 : i32 to vector<16xi32>
        %add3A_183 = arith.addi %shift_right_arithmetic3A_4, %add3A_182 : vector<16xi32>
        %broadcast_in_dim3A_184 = vector.shape_cast %add3A_183 : vector<16xi32> to vector<16x1xi32>
        %gather3A_185 = vector.shape_cast %broadcast_in_dim3A_184 : vector<16x1xi32> to vector<16xi32>
        %gather3A_186 = tpu.dynamic_gather %exp3A[%gather3A_185] in [0] : vector<16xf32>, vector<16xi32> -> vector<16xf32>
        %add3A_187 = arith.constant 8 : i32
        %add3A_188 = vector.broadcast %add3A_187 : i32 to vector<16xi32>
        %add3A_189 = arith.addi %add3A_183, %add3A_188 : vector<16xi32>
        %broadcast_in_dim3A_190 = vector.shape_cast %add3A_189 : vector<16xi32> to vector<16x1xi32>
        %gather3A_191 = vector.shape_cast %broadcast_in_dim3A_190 : vector<16x1xi32> to vector<16xi32>
        %gather3A_192 = tpu.dynamic_gather %exp3A[%gather3A_191] in [0] : vector<16xf32>, vector<16xi32> -> vector<16xf32>
        %get3A_193 = arith.index_cast %mul3A_106 : i32 to index
        %get3A_194 = arith.constant 16 : index
        %get3A_195 = tpu.vector_load %arg9[%get3A_193, %get3A_194] {strides = array<i32>} : memref<128x128xf32, #tpu.memory_space<vmem>>, vector<1x16xf32>,
        %get3A_196 = vector.shape_cast %get3A_195 : vector<1x16xf32> to vector<16xf32>
        %get3A_197 = arith.index_cast %add3A_110 : i32 to index
        %get3A_198 = arith.constant 16 : index
        %get3A_199 = tpu.vector_load %arg9[%get3A_197, %get3A_198] {strides = array<i32>} : memref<128x128xf32, #tpu.memory_space<vmem>>, vector<1x16xf32>,
        %get3A_200 = vector.shape_cast %get3A_199 : vector<1x16xf32> to vector<16xf32>
        %mul3A_201 = arith.mulf %get3A_196, %gather3A_186 : vector<16xf32>
        %swap3A_202 = arith.index_cast %mul3A_106 : i32 to index
        %swap3A_203 = arith.constant 16 : index
        %swap3A_204 = tpu.vector_load %arg11[%swap3A_202, %swap3A_203] {strides = array<i32>} : memref<128x128xf32, #tpu.memory_space<vmem>>, vector<1x16xf32>,
        %swap3A_205 = vector.shape_cast %swap3A_204 : vector<1x16xf32> to vector<16xf32>
        %swap3A_206 = vector.shape_cast %mul3A_201 : vector<16xf32> to vector<1x16xf32>
        tpu.vector_store %arg11[%swap3A_202, %swap3A_203], %swap3A_206 {strides = array<i32>} : memref<128x128xf32, #tpu.memory_space<vmem>>, vector<1x16xf32>,
        %mul3A_207 = arith.mulf %get3A_200, %gather3A_192 : vector<16xf32>
        %swap3A_208 = arith.index_cast %add3A_110 : i32 to index
        %swap3A_209 = arith.constant 16 : index
        %swap3A_210 = tpu.vector_load %arg11[%swap3A_208, %swap3A_209] {strides = array<i32>} : memref<128x128xf32, #tpu.memory_space<vmem>>, vector<1x16xf32>,
        %swap3A_211 = vector.shape_cast %swap3A_210 : vector<1x16xf32> to vector<16xf32>
        %swap3A_212 = vector.shape_cast %mul3A_207 : vector<16xf32> to vector<1x16xf32>
        tpu.vector_store %arg11[%swap3A_208, %swap3A_209], %swap3A_212 {strides = array<i32>} : memref<128x128xf32, #tpu.memory_space<vmem>>, vector<1x16xf32>,
        %add3A_213 = arith.constant 4 : i32
        %add3A_214 = vector.broadcast %add3A_213 : i32 to vector<16xi32>
        %add3A_215 = arith.addi %shift_right_arithmetic3A_4, %add3A_214 : vector<16xi32>
        %broadcast_in_dim3A_216 = vector.shape_cast %add3A_215 : vector<16xi32> to vector<16x1xi32>
        %gather3A_217 = vector.shape_cast %broadcast_in_dim3A_216 : vector<16x1xi32> to vector<16xi32>
        %gather3A_218 = tpu.dynamic_gather %exp3A[%gather3A_217] in [0] : vector<16xf32>, vector<16xi32> -> vector<16xf32>
        %add3A_219 = arith.constant 8 : i32
        %add3A_220 = vector.broadcast %add3A_219 : i32 to vector<16xi32>
        %add3A_221 = arith.addi %add3A_215, %add3A_220 : vector<16xi32>
        %broadcast_in_dim3A_222 = vector.shape_cast %add3A_221 : vector<16xi32> to vector<16x1xi32>
        %gather3A_223 = vector.shape_cast %broadcast_in_dim3A_222 : vector<16x1xi32> to vector<16xi32>
        %gather3A_224 = tpu.dynamic_gather %exp3A[%gather3A_223] in [0] : vector<16xf32>, vector<16xi32> -> vector<16xf32>
        %get3A_225 = arith.index_cast %mul3A_106 : i32 to index
        %get3A_226 = arith.constant 32 : index
        %get3A_227 = tpu.vector_load %arg9[%get3A_225, %get3A_226] {strides = array<i32>} : memref<128x128xf32, #tpu.memory_space<vmem>>, vector<1x16xf32>,
        %get3A_228 = vector.shape_cast %get3A_227 : vector<1x16xf32> to vector<16xf32>
        %get3A_229 = arith.index_cast %add3A_110 : i32 to index
        %get3A_230 = arith.constant 32 : index
        %get3A_231 = tpu.vector_load %arg9[%get3A_229, %get3A_230] {strides = array<i32>} : memref<128x128xf32, #tpu.memory_space<vmem>>, vector<1x16xf32>,
        %get3A_232 = vector.shape_cast %get3A_231 : vector<1x16xf32> to vector<16xf32>
        %mul3A_233 = arith.mulf %get3A_228, %gather3A_218 : vector<16xf32>
        %swap3A_234 = arith.index_cast %mul3A_106 : i32 to index
        %swap3A_235 = arith.constant 32 : index
        %swap3A_236 = tpu.vector_load %arg11[%swap3A_234, %swap3A_235] {strides = array<i32>} : memref<128x128xf32, #tpu.memory_space<vmem>>, vector<1x16xf32>,
        %swap3A_237 = vector.shape_cast %swap3A_236 : vector<1x16xf32> to vector<16xf32>
        %swap3A_238 = vector.shape_cast %mul3A_233 : vector<16xf32> to vector<1x16xf32>
        tpu.vector_store %arg11[%swap3A_234, %swap3A_235], %swap3A_238 {strides = array<i32>} : memref<128x128xf32, #tpu.memory_space<vmem>>, vector<1x16xf32>,
        %mul3A_239 = arith.mulf %get3A_232, %gather3A_224 : vector<16xf32>
        %swap3A_240 = arith.index_cast %add3A_110 : i32 to index
        %swap3A_241 = arith.constant 32 : index
        %swap3A_242 = tpu.vector_load %arg11[%swap3A_240, %swap3A_241] {strides = array<i32>} : memref<128x128xf32, #tpu.memory_space<vmem>>, vector<1x16xf32>,
        %swap3A_243 = vector.shape_cast %swap3A_242 : vector<1x16xf32> to vector<16xf32>
        %swap3A_244 = vector.shape_cast %mul3A_239 : vector<16xf32> to vector<1x16xf32>
        tpu.vector_store %arg11[%swap3A_240, %swap3A_241], %swap3A_244 {strides = array<i32>} : memref<128x128xf32, #tpu.memory_space<vmem>>, vector<1x16xf32>,
        %add3A_245 = arith.constant 6 : i32
        %add3A_246 = vector.broadcast %add3A_245 : i32 to vector<16xi32>
        %add3A_247 = arith.addi %shift_right_arithmetic3A_4, %add3A_246 : vector<16xi32>
        %broadcast_in_dim3A_248 = vector.shape_cast %add3A_247 : vector<16xi32> to vector<16x1xi32>
        %gather3A_249 = vector.shape_cast %broadcast_in_dim3A_248 : vector<16x1xi32> to vector<16xi32>
        %gather3A_250 = tpu.dynamic_gather %exp3A[%gather3A_249] in [0] : vector<16xf32>, vector<16xi32> -> vector<16xf32>
        %add3A_251 = arith.constant 8 : i32
        %add3A_252 = vector.broadcast %add3A_251 : i32 to vector<16xi32>
        %add3A_253 = arith.addi %add3A_247, %add3A_252 : vector<16xi32>
        %broadcast_in_dim3A_254 = vector.shape_cast %add3A_253 : vector<16xi32> to vector<16x1xi32>
        %gather3A_255 = vector.shape_cast %broadcast_in_dim3A_254 : vector<16x1xi32> to vector<16xi32>
        %gather3A_256 = tpu.dynamic_gather %exp3A[%gather3A_255] in [0] : vector<16xf32>, vector<16xi32> -> vector<16xf32>
        %get3A_257 = arith.index_cast %mul3A_106 : i32 to index
        %get3A_258 = arith.constant 48 : index
        %get3A_259 = tpu.vector_load %arg9[%get3A_257, %get3A_258] {strides = array<i32>} : memref<128x128xf32, #tpu.memory_space<vmem>>, vector<1x16xf32>,
        %get3A_260 = vector.shape_cast %get3A_259 : vector<1x16xf32> to vector<16xf32>
        %get3A_261 = arith.index_cast %add3A_110 : i32 to index
        %get3A_262 = arith.constant 48 : index
        %get3A_263 = tpu.vector_load %arg9[%get3A_261, %get3A_262] {strides = array<i32>} : memref<128x128xf32, #tpu.memory_space<vmem>>, vector<1x16xf32>,
        %get3A_264 = vector.shape_cast %get3A_263 : vector<1x16xf32> to vector<16xf32>
        %mul3A_265 = arith.mulf %get3A_260, %gather3A_250 : vector<16xf32>
        %swap3A_266 = arith.index_cast %mul3A_106 : i32 to index
        %swap3A_267 = arith.constant 48 : index
        %swap3A_268 = tpu.vector_load %arg11[%swap3A_266, %swap3A_267] {strides = array<i32>} : memref<128x128xf32, #tpu.memory_space<vmem>>, vector<1x16xf32>,
        %swap3A_269 = vector.shape_cast %swap3A_268 : vector<1x16xf32> to vector<16xf32>
        %swap3A_270 = vector.shape_cast %mul3A_265 : vector<16xf32> to vector<1x16xf32>
        tpu.vector_store %arg11[%swap3A_266, %swap3A_267], %swap3A_270 {strides = array<i32>} : memref<128x128xf32, #tpu.memory_space<vmem>>, vector<1x16xf32>,
        %mul3A_271 = arith.mulf %get3A_264, %gather3A_256 : vector<16xf32>
        %swap3A_272 = arith.index_cast %add3A_110 : i32 to index
        %swap3A_273 = arith.constant 48 : index
        %swap3A_274 = tpu.vector_load %arg11[%swap3A_272, %swap3A_273] {strides = array<i32>} : memref<128x128xf32, #tpu.memory_space<vmem>>, vector<1x16xf32>,
        %swap3A_275 = vector.shape_cast %swap3A_274 : vector<1x16xf32> to vector<16xf32>
        %swap3A_276 = vector.shape_cast %mul3A_271 : vector<16xf32> to vector<1x16xf32>
        tpu.vector_store %arg11[%swap3A_272, %swap3A_273], %swap3A_276 {strides = array<i32>} : memref<128x128xf32, #tpu.memory_space<vmem>>, vector<1x16xf32>,
        %scan3A_277 = arith.constant 0 : i32
        scf.yield %scan3A_277 : i32
      }
      %scan3A_101 = arith.constant 64 : i32
      "tpu.region"() ({
        %run_scoped3A = tpu.sem_alloc : memref<!tpu.dma_semaphore, #tpu.memory_space<semaphore_mem>>
        %dma_start3A = arith.constant 0 : i32
        %dma_start3A_103 = arith.constant 0 : i32
        %dma_start3A_104 = tpu.memref_slice %arg12[%dma_start3A, %dma_start3A_103] : memref<10112x128xf32, #tpu.memory_space<vmem_shared>> -> memref<10112x128xf32, #tpu.memory_space<vmem_shared>>
        tpu.enqueue_indirect_dma source(%arg11 : memref<128x128xf32, #tpu.memory_space<vmem>>) target(%dma_start3A_104 : memref<10112x128xf32, #tpu.memory_space<vmem_shared>>) offsets(%arg8 : memref<128xi32, #tpu.memory_space<vmem>>) semaphore(%run_scoped3A : memref<!tpu.dma_semaphore, #tpu.memory_space<semaphore_mem>>) {add = true}
        %dma_wait3A = arith.constant 0 : i32
        %dma_wait3A_105 = arith.constant 0 : i32
        %dma_wait3A_106 = tpu.memref_slice %arg12[%dma_wait3A, %dma_wait3A_105] : memref<10112x128xf32, #tpu.memory_space<vmem_shared>> -> memref<10112x128xf32, #tpu.memory_space<vmem_shared>>
        tpu.wait_indirect_dma semaphore(%run_scoped3A : memref<!tpu.dma_semaphore, #tpu.memory_space<semaphore_mem>>) src(%arg11 : memref<128x128xf32, #tpu.memory_space<vmem>>) dst(%dma_wait3A_106 : memref<10112x128xf32, #tpu.memory_space<vmem_shared>>)
        tpu.yield
      }) : () -> ()
      %while3A_102 = arith.constant 0 : i32
      scf.yield %while3A_102 : i32
    }
    %while3A_51 = arith.constant 1 : i32
    %while3A_52 = scf.for %while3A_89 = %while3A_48 to %while3A_44 step %while3A_51 iter_args(%while3A_90 = %while3A_50) -> (i32)  : i32 {
      %mul3A_91 = arith.constant 32 : i32
      %mul3A_92 = arith.muli %mul3A_91, %while3A_89 : i32
      %add3A_93 = arith.addi %add3A, %mul3A_92 : i32
      %mul3A_94 = arith.constant 128 : i32
      %mul3A_95 = arith.muli %add3A_93, %mul3A_94 : i32
      %multiple_of3A = tpu.assume_multiple %mul3A_95, 128 : i32
      "tpu.region"() ({
        %run_scoped3A = tpu.sem_alloc : memref<!tpu.dma_semaphore, #tpu.memory_space<semaphore_mem>>
        %dma_start3A = tpu.memref_slice %arg2[%multiple_of3A] : memref<320000xi32, #tpu.memory_space<hbm>> -> memref<128xi32, #tpu.memory_space<hbm>>
        %dma_start3A_103 = tpu.memref_slice %arg2[%multiple_of3A] : memref<320000xi32, #tpu.memory_space<hbm>> -> memref<128xi32, #tpu.memory_space<hbm>>
        tpu.enqueue_dma source(%dma_start3A_103 : memref<128xi32, #tpu.memory_space<hbm>>) target(%arg7 : memref<128xi32, #tpu.memory_space<vmem>>) target_semaphore(%run_scoped3A : memref<!tpu.dma_semaphore, #tpu.memory_space<semaphore_mem>>)
        %dma_wait3A = tpu.memref_slice %arg2[%multiple_of3A] : memref<320000xi32, #tpu.memory_space<hbm>> -> memref<128xi32, #tpu.memory_space<hbm>>
        %dma_wait3A_104 = tpu.memref_slice %arg2[%multiple_of3A] : memref<320000xi32, #tpu.memory_space<hbm>> -> memref<128xi32, #tpu.memory_space<hbm>>
        tpu.wait_dma2 semaphore(%run_scoped3A : memref<!tpu.dma_semaphore, #tpu.memory_space<semaphore_mem>>) src(%dma_wait3A_104 : memref<128xi32, #tpu.memory_space<hbm>>) dst(%arg7 : memref<128xi32, #tpu.memory_space<vmem>>)
        tpu.yield
      }) : () -> ()
      "tpu.region"() ({
        %run_scoped3A = tpu.sem_alloc : memref<!tpu.dma_semaphore, #tpu.memory_space<semaphore_mem>>
        %dma_start3A = tpu.memref_slice %arg3[%multiple_of3A] : memref<320000xi32, #tpu.memory_space<hbm>> -> memref<128xi32, #tpu.memory_space<hbm>>
        %dma_start3A_103 = tpu.memref_slice %arg3[%multiple_of3A] : memref<320000xi32, #tpu.memory_space<hbm>> -> memref<128xi32, #tpu.memory_space<hbm>>
        tpu.enqueue_dma source(%dma_start3A_103 : memref<128xi32, #tpu.memory_space<hbm>>) target(%arg8 : memref<128xi32, #tpu.memory_space<vmem>>) target_semaphore(%run_scoped3A : memref<!tpu.dma_semaphore, #tpu.memory_space<semaphore_mem>>)
        %dma_wait3A = tpu.memref_slice %arg3[%multiple_of3A] : memref<320000xi32, #tpu.memory_space<hbm>> -> memref<128xi32, #tpu.memory_space<hbm>>
        %dma_wait3A_104 = tpu.memref_slice %arg3[%multiple_of3A] : memref<320000xi32, #tpu.memory_space<hbm>> -> memref<128xi32, #tpu.memory_space<hbm>>
        tpu.wait_dma2 semaphore(%run_scoped3A : memref<!tpu.dma_semaphore, #tpu.memory_space<semaphore_mem>>) src(%dma_wait3A_104 : memref<128xi32, #tpu.memory_space<hbm>>) dst(%arg8 : memref<128xi32, #tpu.memory_space<vmem>>)
        tpu.yield
      }) : () -> ()
      "tpu.region"() ({
        %run_scoped3A = tpu.sem_alloc : memref<!tpu.dma_semaphore, #tpu.memory_space<semaphore_mem>>
        %dma_start3A = arith.constant 0 : i32
        %dma_start3A_103 = arith.constant 0 : i32
        %dma_start3A_104 = tpu.memref_slice %arg4[%dma_start3A, %dma_start3A_103] : memref<10000x128xf32, #tpu.memory_space<hbm>> -> memref<10000x128xf32, #tpu.memory_space<hbm>>
        tpu.enqueue_indirect_dma source(%dma_start3A_104 : memref<10000x128xf32, #tpu.memory_space<hbm>>) target(%arg9 : memref<128x128xf32, #tpu.memory_space<vmem>>) offsets(%arg7 : memref<128xi32, #tpu.memory_space<vmem>>) semaphore(%run_scoped3A : memref<!tpu.dma_semaphore, #tpu.memory_space<semaphore_mem>>)
        %dma_wait3A = arith.constant 0 : i32
        %dma_wait3A_105 = arith.constant 0 : i32
        %dma_wait3A_106 = tpu.memref_slice %arg4[%dma_wait3A, %dma_wait3A_105] : memref<10000x128xf32, #tpu.memory_space<hbm>> -> memref<10000x128xf32, #tpu.memory_space<hbm>>
        tpu.wait_indirect_dma semaphore(%run_scoped3A : memref<!tpu.dma_semaphore, #tpu.memory_space<semaphore_mem>>) src(%dma_wait3A_106 : memref<10000x128xf32, #tpu.memory_space<hbm>>) dst(%arg9 : memref<128x128xf32, #tpu.memory_space<vmem>>)
        tpu.yield
      }) : () -> ()
      "tpu.region"() ({
        %run_scoped3A = tpu.sem_alloc : memref<!tpu.dma_semaphore, #tpu.memory_space<semaphore_mem>>
        %dma_start3A = arith.constant 0 : i32
        %dma_start3A_103 = arith.constant 0 : i32
        %dma_start3A_104 = tpu.memref_slice %arg4[%dma_start3A, %dma_start3A_103] : memref<10000x128xf32, #tpu.memory_space<hbm>> -> memref<10000x128xf32, #tpu.memory_space<hbm>>
        tpu.enqueue_indirect_dma source(%dma_start3A_104 : memref<10000x128xf32, #tpu.memory_space<hbm>>) target(%arg10 : memref<128x128xf32, #tpu.memory_space<vmem>>) offsets(%arg8 : memref<128xi32, #tpu.memory_space<vmem>>) semaphore(%run_scoped3A : memref<!tpu.dma_semaphore, #tpu.memory_space<semaphore_mem>>)
        %dma_wait3A = arith.constant 0 : i32
        %dma_wait3A_105 = arith.constant 0 : i32
        %dma_wait3A_106 = tpu.memref_slice %arg4[%dma_wait3A, %dma_wait3A_105] : memref<10000x128xf32, #tpu.memory_space<hbm>> -> memref<10000x128xf32, #tpu.memory_space<hbm>>
        tpu.wait_indirect_dma semaphore(%run_scoped3A : memref<!tpu.dma_semaphore, #tpu.memory_space<semaphore_mem>>) src(%dma_wait3A_106 : memref<10000x128xf32, #tpu.memory_space<hbm>>) dst(%arg10 : memref<128x128xf32, #tpu.memory_space<vmem>>)
        tpu.yield
      }) : () -> ()
      %scan3A = arith.constant 0 : i32
      %scan3A_96 = arith.constant 0 : i32
      %scan3A_97 = arith.constant 64 : i32
      %scan3A_98 = arith.addi %scan3A_96, %scan3A_97 : i32
      %scan3A_99 = arith.constant 1 : i32
      %scan3A_100 = scf.for %scan3A_103 = %scan3A_96 to %scan3A_98 step %scan3A_99 iter_args(%scan3A_104 = %scan3A) -> (i32)  : i32 {
        %mul3A_105 = arith.constant 2 : i32
        %mul3A_106 = arith.muli %mul3A_105, %scan3A_103 : i32
        %mul3A_107 = arith.constant 2 : i32
        %mul3A_108 = arith.muli %mul3A_107, %scan3A_103 : i32
        %add3A_109 = arith.constant 1 : i32
        %add3A_110 = arith.addi %mul3A_108, %add3A_109 : i32
        %get3A = arith.index_cast %add3A_110 : i32 to index
        %get3A_111 = arith.constant 56 : index
        %get3A_112 = tpu.vector_load %arg9[%get3A, %get3A_111] {strides = array<i32>} : memref<128x128xf32, #tpu.memory_space<vmem>>, vector<1x16xf32>,
        %get3A_113 = vector.shape_cast %get3A_112 : vector<1x16xf32> to vector<16xf32>
        %get3A_114 = arith.index_cast %mul3A_106 : i32 to index
        %get3A_115 = arith.constant 64 : index
        %get3A_116 = tpu.vector_load %arg9[%get3A_114, %get3A_115] {strides = array<i32>} : memref<128x128xf32, #tpu.memory_space<vmem>>, vector<1x16xf32>,
        %get3A_117 = vector.shape_cast %get3A_116 : vector<1x16xf32> to vector<16xf32>
        %select_n3A_118 = arith.select %eq3A_6, %get3A_113, %get3A_117 : vector<16xi1>, vector<16xf32>
        %get3A_119 = arith.index_cast %add3A_110 : i32 to index
        %get3A_120 = arith.constant 72 : index
        %get3A_121 = tpu.vector_load %arg10[%get3A_119, %get3A_120] {strides = array<i32>} : memref<128x128xf32, #tpu.memory_space<vmem>>, vector<1x16xf32>,
        %get3A_122 = vector.shape_cast %get3A_121 : vector<1x16xf32> to vector<16xf32>
        %get3A_123 = arith.index_cast %mul3A_106 : i32 to index
        %get3A_124 = arith.constant 80 : index
        %get3A_125 = tpu.vector_load %arg10[%get3A_123, %get3A_124] {strides = array<i32>} : memref<128x128xf32, #tpu.memory_space<vmem>>, vector<1x16xf32>,
        %get3A_126 = vector.shape_cast %get3A_125 : vector<1x16xf32> to vector<16xf32>
        %select_n3A_127 = arith.select %eq3A_6, %get3A_122, %get3A_126 : vector<16xi1>, vector<16xf32>
        %get3A_128 = arith.index_cast %add3A_110 : i32 to index
        %get3A_129 = arith.constant 80 : index
        %get3A_130 = tpu.vector_load %arg10[%get3A_128, %get3A_129] {strides = array<i32>} : memref<128x128xf32, #tpu.memory_space<vmem>>, vector<1x16xf32>,
        %get3A_131 = vector.shape_cast %get3A_130 : vector<1x16xf32> to vector<16xf32>
        %get3A_132 = arith.index_cast %mul3A_106 : i32 to index
        %get3A_133 = arith.constant 88 : index
        %get3A_134 = tpu.vector_load %arg10[%get3A_132, %get3A_133] {strides = array<i32>} : memref<128x128xf32, #tpu.memory_space<vmem>>, vector<1x16xf32>,
        %get3A_135 = vector.shape_cast %get3A_134 : vector<1x16xf32> to vector<16xf32>
        %select_n3A_136 = arith.select %eq3A_6, %get3A_131, %get3A_135 : vector<16xi1>, vector<16xf32>
        %add3A_137 = arith.addf %select_n3A_118, %select_n3A_127 : vector<16xf32>
        %add3A_138 = arith.addf %select_n3A_118, %select_n3A_136 : vector<16xf32>
        %mul3A_139 = arith.constant 2.000000e-01 : f32
        %mul3A_140 = vector.broadcast %mul3A_139 : f32 to vector<16xf32>
        %mul3A_141 = arith.mulf %mul3A_140, %add3A_138 : vector<16xf32>
        %max3A = arith.maximumf %add3A_137, %mul3A_141 : vector<16xf32>
        %exp3A = math.exp %max3A : vector<16xf32>
        %swap3A = arith.index_cast %mul3A_106 : i32 to index
        %swap3A_142 = arith.constant 64 : index
        %swap3A_143 = tpu.vector_load %arg11[%swap3A, %swap3A_142] {strides = array<i32>} : memref<128x128xf32, #tpu.memory_space<vmem>>, vector<1x16xf32>,
        %swap3A_144 = vector.shape_cast %swap3A_143 : vector<1x16xf32> to vector<16xf32>
        %swap3A_145 = vector.shape_cast %exp3A : vector<16xf32> to vector<1x16xf32>
        tpu.vector_store %arg11[%swap3A, %swap3A_142], %swap3A_145 {strides = array<i32>} : memref<128x128xf32, #tpu.memory_space<vmem>>, vector<1x16xf32>,
        %swap3A_146 = arith.index_cast %add3A_110 : i32 to index
        %swap3A_147 = arith.constant 56 : index
        %swap3A_148 = tpu.vector_load %arg11[%swap3A_146, %swap3A_147] {strides = array<i32>} : memref<128x128xf32, #tpu.memory_space<vmem>>, vector<1x16xf32>,
        %swap3A_149 = vector.shape_cast %swap3A_148 : vector<1x16xf32> to vector<16xf32>
        %swap3A_150 = vector.shape_cast %exp3A : vector<16xf32> to vector<1x16xf32>
        tpu.vector_store %arg11[%swap3A_146, %swap3A_147], %swap3A_150 {strides = array<i32>} : memref<128x128xf32, #tpu.memory_space<vmem>>, vector<1x16xf32>,
        %add3A_151 = arith.constant 0 : i32
        %add3A_152 = vector.broadcast %add3A_151 : i32 to vector<16xi32>
        %add3A_153 = arith.addi %shift_right_arithmetic3A_4, %add3A_152 : vector<16xi32>
        %broadcast_in_dim3A = vector.shape_cast %add3A_153 : vector<16xi32> to vector<16x1xi32>
        %gather3A = vector.shape_cast %broadcast_in_dim3A : vector<16x1xi32> to vector<16xi32>
        %gather3A_154 = tpu.dynamic_gather %exp3A[%gather3A] in [0] : vector<16xf32>, vector<16xi32> -> vector<16xf32>
        %add3A_155 = arith.constant 8 : i32
        %add3A_156 = vector.broadcast %add3A_155 : i32 to vector<16xi32>
        %add3A_157 = arith.addi %add3A_153, %add3A_156 : vector<16xi32>
        %broadcast_in_dim3A_158 = vector.shape_cast %add3A_157 : vector<16xi32> to vector<16x1xi32>
        %gather3A_159 = vector.shape_cast %broadcast_in_dim3A_158 : vector<16x1xi32> to vector<16xi32>
        %gather3A_160 = tpu.dynamic_gather %exp3A[%gather3A_159] in [0] : vector<16xf32>, vector<16xi32> -> vector<16xf32>
        %get3A_161 = arith.index_cast %mul3A_106 : i32 to index
        %get3A_162 = arith.constant 0 : index
        %get3A_163 = tpu.vector_load %arg9[%get3A_161, %get3A_162] {strides = array<i32>} : memref<128x128xf32, #tpu.memory_space<vmem>>, vector<1x16xf32>,
        %get3A_164 = vector.shape_cast %get3A_163 : vector<1x16xf32> to vector<16xf32>
        %get3A_165 = arith.index_cast %add3A_110 : i32 to index
        %get3A_166 = arith.constant 0 : index
        %get3A_167 = tpu.vector_load %arg9[%get3A_165, %get3A_166] {strides = array<i32>} : memref<128x128xf32, #tpu.memory_space<vmem>>, vector<1x16xf32>,
        %get3A_168 = vector.shape_cast %get3A_167 : vector<1x16xf32> to vector<16xf32>
        %mul3A_169 = arith.mulf %get3A_164, %gather3A_154 : vector<16xf32>
        %swap3A_170 = arith.index_cast %mul3A_106 : i32 to index
        %swap3A_171 = arith.constant 0 : index
        %swap3A_172 = tpu.vector_load %arg11[%swap3A_170, %swap3A_171] {strides = array<i32>} : memref<128x128xf32, #tpu.memory_space<vmem>>, vector<1x16xf32>,
        %swap3A_173 = vector.shape_cast %swap3A_172 : vector<1x16xf32> to vector<16xf32>
        %swap3A_174 = vector.shape_cast %mul3A_169 : vector<16xf32> to vector<1x16xf32>
        tpu.vector_store %arg11[%swap3A_170, %swap3A_171], %swap3A_174 {strides = array<i32>} : memref<128x128xf32, #tpu.memory_space<vmem>>, vector<1x16xf32>,
        %mul3A_175 = arith.mulf %get3A_168, %gather3A_160 : vector<16xf32>
        %swap3A_176 = arith.index_cast %add3A_110 : i32 to index
        %swap3A_177 = arith.constant 0 : index
        %swap3A_178 = tpu.vector_load %arg11[%swap3A_176, %swap3A_177] {strides = array<i32>} : memref<128x128xf32, #tpu.memory_space<vmem>>, vector<1x16xf32>,
        %swap3A_179 = vector.shape_cast %swap3A_178 : vector<1x16xf32> to vector<16xf32>
        %swap3A_180 = vector.shape_cast %mul3A_175 : vector<16xf32> to vector<1x16xf32>
        tpu.vector_store %arg11[%swap3A_176, %swap3A_177], %swap3A_180 {strides = array<i32>} : memref<128x128xf32, #tpu.memory_space<vmem>>, vector<1x16xf32>,
        %add3A_181 = arith.constant 2 : i32
        %add3A_182 = vector.broadcast %add3A_181 : i32 to vector<16xi32>
        %add3A_183 = arith.addi %shift_right_arithmetic3A_4, %add3A_182 : vector<16xi32>
        %broadcast_in_dim3A_184 = vector.shape_cast %add3A_183 : vector<16xi32> to vector<16x1xi32>
        %gather3A_185 = vector.shape_cast %broadcast_in_dim3A_184 : vector<16x1xi32> to vector<16xi32>
        %gather3A_186 = tpu.dynamic_gather %exp3A[%gather3A_185] in [0] : vector<16xf32>, vector<16xi32> -> vector<16xf32>
        %add3A_187 = arith.constant 8 : i32
        %add3A_188 = vector.broadcast %add3A_187 : i32 to vector<16xi32>
        %add3A_189 = arith.addi %add3A_183, %add3A_188 : vector<16xi32>
        %broadcast_in_dim3A_190 = vector.shape_cast %add3A_189 : vector<16xi32> to vector<16x1xi32>
        %gather3A_191 = vector.shape_cast %broadcast_in_dim3A_190 : vector<16x1xi32> to vector<16xi32>
        %gather3A_192 = tpu.dynamic_gather %exp3A[%gather3A_191] in [0] : vector<16xf32>, vector<16xi32> -> vector<16xf32>
        %get3A_193 = arith.index_cast %mul3A_106 : i32 to index
        %get3A_194 = arith.constant 16 : index
        %get3A_195 = tpu.vector_load %arg9[%get3A_193, %get3A_194] {strides = array<i32>} : memref<128x128xf32, #tpu.memory_space<vmem>>, vector<1x16xf32>,
        %get3A_196 = vector.shape_cast %get3A_195 : vector<1x16xf32> to vector<16xf32>
        %get3A_197 = arith.index_cast %add3A_110 : i32 to index
        %get3A_198 = arith.constant 16 : index
        %get3A_199 = tpu.vector_load %arg9[%get3A_197, %get3A_198] {strides = array<i32>} : memref<128x128xf32, #tpu.memory_space<vmem>>, vector<1x16xf32>,
        %get3A_200 = vector.shape_cast %get3A_199 : vector<1x16xf32> to vector<16xf32>
        %mul3A_201 = arith.mulf %get3A_196, %gather3A_186 : vector<16xf32>
        %swap3A_202 = arith.index_cast %mul3A_106 : i32 to index
        %swap3A_203 = arith.constant 16 : index
        %swap3A_204 = tpu.vector_load %arg11[%swap3A_202, %swap3A_203] {strides = array<i32>} : memref<128x128xf32, #tpu.memory_space<vmem>>, vector<1x16xf32>,
        %swap3A_205 = vector.shape_cast %swap3A_204 : vector<1x16xf32> to vector<16xf32>
        %swap3A_206 = vector.shape_cast %mul3A_201 : vector<16xf32> to vector<1x16xf32>
        tpu.vector_store %arg11[%swap3A_202, %swap3A_203], %swap3A_206 {strides = array<i32>} : memref<128x128xf32, #tpu.memory_space<vmem>>, vector<1x16xf32>,
        %mul3A_207 = arith.mulf %get3A_200, %gather3A_192 : vector<16xf32>
        %swap3A_208 = arith.index_cast %add3A_110 : i32 to index
        %swap3A_209 = arith.constant 16 : index
        %swap3A_210 = tpu.vector_load %arg11[%swap3A_208, %swap3A_209] {strides = array<i32>} : memref<128x128xf32, #tpu.memory_space<vmem>>, vector<1x16xf32>,
        %swap3A_211 = vector.shape_cast %swap3A_210 : vector<1x16xf32> to vector<16xf32>
        %swap3A_212 = vector.shape_cast %mul3A_207 : vector<16xf32> to vector<1x16xf32>
        tpu.vector_store %arg11[%swap3A_208, %swap3A_209], %swap3A_212 {strides = array<i32>} : memref<128x128xf32, #tpu.memory_space<vmem>>, vector<1x16xf32>,
        %add3A_213 = arith.constant 4 : i32
        %add3A_214 = vector.broadcast %add3A_213 : i32 to vector<16xi32>
        %add3A_215 = arith.addi %shift_right_arithmetic3A_4, %add3A_214 : vector<16xi32>
        %broadcast_in_dim3A_216 = vector.shape_cast %add3A_215 : vector<16xi32> to vector<16x1xi32>
        %gather3A_217 = vector.shape_cast %broadcast_in_dim3A_216 : vector<16x1xi32> to vector<16xi32>
        %gather3A_218 = tpu.dynamic_gather %exp3A[%gather3A_217] in [0] : vector<16xf32>, vector<16xi32> -> vector<16xf32>
        %add3A_219 = arith.constant 8 : i32
        %add3A_220 = vector.broadcast %add3A_219 : i32 to vector<16xi32>
        %add3A_221 = arith.addi %add3A_215, %add3A_220 : vector<16xi32>
        %broadcast_in_dim3A_222 = vector.shape_cast %add3A_221 : vector<16xi32> to vector<16x1xi32>
        %gather3A_223 = vector.shape_cast %broadcast_in_dim3A_222 : vector<16x1xi32> to vector<16xi32>
        %gather3A_224 = tpu.dynamic_gather %exp3A[%gather3A_223] in [0] : vector<16xf32>, vector<16xi32> -> vector<16xf32>
        %get3A_225 = arith.index_cast %mul3A_106 : i32 to index
        %get3A_226 = arith.constant 32 : index
        %get3A_227 = tpu.vector_load %arg9[%get3A_225, %get3A_226] {strides = array<i32>} : memref<128x128xf32, #tpu.memory_space<vmem>>, vector<1x16xf32>,
        %get3A_228 = vector.shape_cast %get3A_227 : vector<1x16xf32> to vector<16xf32>
        %get3A_229 = arith.index_cast %add3A_110 : i32 to index
        %get3A_230 = arith.constant 32 : index
        %get3A_231 = tpu.vector_load %arg9[%get3A_229, %get3A_230] {strides = array<i32>} : memref<128x128xf32, #tpu.memory_space<vmem>>, vector<1x16xf32>,
        %get3A_232 = vector.shape_cast %get3A_231 : vector<1x16xf32> to vector<16xf32>
        %mul3A_233 = arith.mulf %get3A_228, %gather3A_218 : vector<16xf32>
        %swap3A_234 = arith.index_cast %mul3A_106 : i32 to index
        %swap3A_235 = arith.constant 32 : index
        %swap3A_236 = tpu.vector_load %arg11[%swap3A_234, %swap3A_235] {strides = array<i32>} : memref<128x128xf32, #tpu.memory_space<vmem>>, vector<1x16xf32>,
        %swap3A_237 = vector.shape_cast %swap3A_236 : vector<1x16xf32> to vector<16xf32>
        %swap3A_238 = vector.shape_cast %mul3A_233 : vector<16xf32> to vector<1x16xf32>
        tpu.vector_store %arg11[%swap3A_234, %swap3A_235], %swap3A_238 {strides = array<i32>} : memref<128x128xf32, #tpu.memory_space<vmem>>, vector<1x16xf32>,
        %mul3A_239 = arith.mulf %get3A_232, %gather3A_224 : vector<16xf32>
        %swap3A_240 = arith.index_cast %add3A_110 : i32 to index
        %swap3A_241 = arith.constant 32 : index
        %swap3A_242 = tpu.vector_load %arg11[%swap3A_240, %swap3A_241] {strides = array<i32>} : memref<128x128xf32, #tpu.memory_space<vmem>>, vector<1x16xf32>,
        %swap3A_243 = vector.shape_cast %swap3A_242 : vector<1x16xf32> to vector<16xf32>
        %swap3A_244 = vector.shape_cast %mul3A_239 : vector<16xf32> to vector<1x16xf32>
        tpu.vector_store %arg11[%swap3A_240, %swap3A_241], %swap3A_244 {strides = array<i32>} : memref<128x128xf32, #tpu.memory_space<vmem>>, vector<1x16xf32>,
        %add3A_245 = arith.constant 6 : i32
        %add3A_246 = vector.broadcast %add3A_245 : i32 to vector<16xi32>
        %add3A_247 = arith.addi %shift_right_arithmetic3A_4, %add3A_246 : vector<16xi32>
        %broadcast_in_dim3A_248 = vector.shape_cast %add3A_247 : vector<16xi32> to vector<16x1xi32>
        %gather3A_249 = vector.shape_cast %broadcast_in_dim3A_248 : vector<16x1xi32> to vector<16xi32>
        %gather3A_250 = tpu.dynamic_gather %exp3A[%gather3A_249] in [0] : vector<16xf32>, vector<16xi32> -> vector<16xf32>
        %add3A_251 = arith.constant 8 : i32
        %add3A_252 = vector.broadcast %add3A_251 : i32 to vector<16xi32>
        %add3A_253 = arith.addi %add3A_247, %add3A_252 : vector<16xi32>
        %broadcast_in_dim3A_254 = vector.shape_cast %add3A_253 : vector<16xi32> to vector<16x1xi32>
        %gather3A_255 = vector.shape_cast %broadcast_in_dim3A_254 : vector<16x1xi32> to vector<16xi32>
        %gather3A_256 = tpu.dynamic_gather %exp3A[%gather3A_255] in [0] : vector<16xf32>, vector<16xi32> -> vector<16xf32>
        %get3A_257 = arith.index_cast %mul3A_106 : i32 to index
        %get3A_258 = arith.constant 48 : index
        %get3A_259 = tpu.vector_load %arg9[%get3A_257, %get3A_258] {strides = array<i32>} : memref<128x128xf32, #tpu.memory_space<vmem>>, vector<1x16xf32>,
        %get3A_260 = vector.shape_cast %get3A_259 : vector<1x16xf32> to vector<16xf32>
        %get3A_261 = arith.index_cast %add3A_110 : i32 to index
        %get3A_262 = arith.constant 48 : index
        %get3A_263 = tpu.vector_load %arg9[%get3A_261, %get3A_262] {strides = array<i32>} : memref<128x128xf32, #tpu.memory_space<vmem>>, vector<1x16xf32>,
        %get3A_264 = vector.shape_cast %get3A_263 : vector<1x16xf32> to vector<16xf32>
        %mul3A_265 = arith.mulf %get3A_260, %gather3A_250 : vector<16xf32>
        %swap3A_266 = arith.index_cast %mul3A_106 : i32 to index
        %swap3A_267 = arith.constant 48 : index
        %swap3A_268 = tpu.vector_load %arg11[%swap3A_266, %swap3A_267] {strides = array<i32>} : memref<128x128xf32, #tpu.memory_space<vmem>>, vector<1x16xf32>,
        %swap3A_269 = vector.shape_cast %swap3A_268 : vector<1x16xf32> to vector<16xf32>
        %swap3A_270 = vector.shape_cast %mul3A_265 : vector<16xf32> to vector<1x16xf32>
        tpu.vector_store %arg11[%swap3A_266, %swap3A_267], %swap3A_270 {strides = array<i32>} : memref<128x128xf32, #tpu.memory_space<vmem>>, vector<1x16xf32>,
        %mul3A_271 = arith.mulf %get3A_264, %gather3A_256 : vector<16xf32>
        %swap3A_272 = arith.index_cast %add3A_110 : i32 to index
        %swap3A_273 = arith.constant 48 : index
        %swap3A_274 = tpu.vector_load %arg11[%swap3A_272, %swap3A_273] {strides = array<i32>} : memref<128x128xf32, #tpu.memory_space<vmem>>, vector<1x16xf32>,
        %swap3A_275 = vector.shape_cast %swap3A_274 : vector<1x16xf32> to vector<16xf32>
        %swap3A_276 = vector.shape_cast %mul3A_271 : vector<16xf32> to vector<1x16xf32>
        tpu.vector_store %arg11[%swap3A_272, %swap3A_273], %swap3A_276 {strides = array<i32>} : memref<128x128xf32, #tpu.memory_space<vmem>>, vector<1x16xf32>,
        %scan3A_277 = arith.constant 0 : i32
        scf.yield %scan3A_277 : i32
      }
      %scan3A_101 = arith.constant 64 : i32
      "tpu.region"() ({
        %run_scoped3A = tpu.sem_alloc : memref<!tpu.dma_semaphore, #tpu.memory_space<semaphore_mem>>
        %dma_start3A = arith.constant 0 : i32
        %dma_start3A_103 = arith.constant 0 : i32
        %dma_start3A_104 = tpu.memref_slice %arg12[%dma_start3A, %dma_start3A_103] : memref<10112x128xf32, #tpu.memory_space<vmem_shared>> -> memref<10112x128xf32, #tpu.memory_space<vmem_shared>>
        tpu.enqueue_indirect_dma source(%arg11 : memref<128x128xf32, #tpu.memory_space<vmem>>) target(%dma_start3A_104 : memref<10112x128xf32, #tpu.memory_space<vmem_shared>>) offsets(%arg8 : memref<128xi32, #tpu.memory_space<vmem>>) semaphore(%run_scoped3A : memref<!tpu.dma_semaphore, #tpu.memory_space<semaphore_mem>>) {add = true}
        %dma_wait3A = arith.constant 0 : i32
        %dma_wait3A_105 = arith.constant 0 : i32
        %dma_wait3A_106 = tpu.memref_slice %arg12[%dma_wait3A, %dma_wait3A_105] : memref<10112x128xf32, #tpu.memory_space<vmem_shared>> -> memref<10112x128xf32, #tpu.memory_space<vmem_shared>>
        tpu.wait_indirect_dma semaphore(%run_scoped3A : memref<!tpu.dma_semaphore, #tpu.memory_space<semaphore_mem>>) src(%arg11 : memref<128x128xf32, #tpu.memory_space<vmem>>) dst(%dma_wait3A_106 : memref<10112x128xf32, #tpu.memory_space<vmem_shared>>)
        tpu.yield
      }) : () -> ()
      %while3A_102 = arith.constant 0 : i32
      scf.yield %while3A_102 : i32
    }
    %barrier3A_53 = arith.constant 0 : index
    tpu.barrier barrier_id(%barrier3A_53)
    %add3A_54 = arith.constant 0 : i32
    %add3A_55 = arith.addi %arg1, %add3A_54 : i32
    %lt3A_56 = arith.constant 79 : i32
    %lt3A_57 = arith.cmpi slt, %add3A_55, %lt3A_56 : i32
    %convert_element_type3A_58 = arith.extui %lt3A_57 : i1 to i32
    %cond3A_59 = arith.constant 0 : i32
    %cond3A_60 = arith.cmpi ne, %convert_element_type3A_58, %cond3A_59 : i32
    scf.if %cond3A_60 {
      %mul3A_89 = arith.constant 128 : i32
      %mul3A_90 = arith.muli %add3A_55, %mul3A_89 : i32
      %multiple_of3A = tpu.assume_multiple %mul3A_90, 128 : i32
      "tpu.region"() ({
        %run_scoped3A = tpu.sem_alloc : memref<!tpu.dma_semaphore, #tpu.memory_space<semaphore_mem>>
        %dma_start3A = arith.constant 0 : i32
        %dma_start3A_91 = tpu.memref_slice %arg12[%multiple_of3A, %dma_start3A] : memref<10112x128xf32, #tpu.memory_space<vmem_shared>> -> memref<128x128xf32, #tpu.memory_space<vmem_shared>>
        %dma_start3A_92 = arith.constant 0 : i32
        %dma_start3A_93 = tpu.memref_slice %arg12[%multiple_of3A, %dma_start3A_92] : memref<10112x128xf32, #tpu.memory_space<vmem_shared>> -> memref<128x128xf32, #tpu.memory_space<vmem_shared>>
        tpu.enqueue_dma source(%dma_start3A_93 : memref<128x128xf32, #tpu.memory_space<vmem_shared>>) target(%arg9 : memref<128x128xf32, #tpu.memory_space<vmem>>) target_semaphore(%run_scoped3A : memref<!tpu.dma_semaphore, #tpu.memory_space<semaphore_mem>>)
        %dma_wait3A = arith.constant 0 : i32
        %dma_wait3A_94 = tpu.memref_slice %arg12[%multiple_of3A, %dma_wait3A] : memref<10112x128xf32, #tpu.memory_space<vmem_shared>> -> memref<128x128xf32, #tpu.memory_space<vmem_shared>>
        %dma_wait3A_95 = arith.constant 0 : i32
        %dma_wait3A_96 = tpu.memref_slice %arg12[%multiple_of3A, %dma_wait3A_95] : memref<10112x128xf32, #tpu.memory_space<vmem_shared>> -> memref<128x128xf32, #tpu.memory_space<vmem_shared>>
        tpu.wait_dma2 semaphore(%run_scoped3A : memref<!tpu.dma_semaphore, #tpu.memory_space<semaphore_mem>>) src(%dma_wait3A_96 : memref<128x128xf32, #tpu.memory_space<vmem_shared>>) dst(%arg9 : memref<128x128xf32, #tpu.memory_space<vmem>>)
        tpu.yield
      }) : () -> ()
      "tpu.region"() ({
        %run_scoped3A = tpu.sem_alloc : memref<!tpu.dma_semaphore, #tpu.memory_space<semaphore_mem>>
        %dma_start3A = arith.constant 0 : i32
        %dma_start3A_91 = tpu.memref_slice %arg6[%arg0, %multiple_of3A, %dma_start3A] : memref<2x10112x128xf32, #tpu.memory_space<hbm>> -> memref<1x128x128xf32, #tpu.memory_space<hbm>>
        %dma_start3A_92 = tpu.memref_squeeze %dma_start3A_91 : memref<1x128x128xf32, #tpu.memory_space<hbm>> -> memref<128x128xf32, #tpu.memory_space<hbm>>
        %dma_start3A_93 = arith.constant 0 : i32
        %dma_start3A_94 = tpu.memref_slice %arg6[%arg0, %multiple_of3A, %dma_start3A_93] : memref<2x10112x128xf32, #tpu.memory_space<hbm>> -> memref<1x128x128xf32, #tpu.memory_space<hbm>>
        %dma_start3A_95 = tpu.memref_squeeze %dma_start3A_94 : memref<1x128x128xf32, #tpu.memory_space<hbm>> -> memref<128x128xf32, #tpu.memory_space<hbm>>
        tpu.enqueue_dma source(%arg9 : memref<128x128xf32, #tpu.memory_space<vmem>>) target(%dma_start3A_95 : memref<128x128xf32, #tpu.memory_space<hbm>>) target_semaphore(%run_scoped3A : memref<!tpu.dma_semaphore, #tpu.memory_space<semaphore_mem>>)
        %dma_wait3A = arith.constant 0 : i32
        %dma_wait3A_96 = tpu.memref_slice %arg6[%arg0, %multiple_of3A, %dma_wait3A] : memref<2x10112x128xf32, #tpu.memory_space<hbm>> -> memref<1x128x128xf32, #tpu.memory_space<hbm>>
        %dma_wait3A_97 = tpu.memref_squeeze %dma_wait3A_96 : memref<1x128x128xf32, #tpu.memory_space<hbm>> -> memref<128x128xf32, #tpu.memory_space<hbm>>
        %dma_wait3A_98 = arith.constant 0 : i32
        %dma_wait3A_99 = tpu.memref_slice %arg6[%arg0, %multiple_of3A, %dma_wait3A_98] : memref<2x10112x128xf32, #tpu.memory_space<hbm>> -> memref<1x128x128xf32, #tpu.memory_space<hbm>>
        %dma_wait3A_100 = tpu.memref_squeeze %dma_wait3A_99 : memref<1x128x128xf32, #tpu.memory_space<hbm>> -> memref<128x128xf32, #tpu.memory_space<hbm>>
        tpu.wait_dma2 semaphore(%run_scoped3A : memref<!tpu.dma_semaphore, #tpu.memory_space<semaphore_mem>>) src(%arg9 : memref<128x128xf32, #tpu.memory_space<vmem>>) dst(%dma_wait3A_100 : memref<128x128xf32, #tpu.memory_space<hbm>>)
        tpu.yield
      }) : () -> ()
    } else {
    }
    %add3A_61 = arith.constant 16 : i32
    %add3A_62 = arith.addi %arg1, %add3A_61 : i32
    %lt3A_63 = arith.constant 79 : i32
    %lt3A_64 = arith.cmpi slt, %add3A_62, %lt3A_63 : i32
    %convert_element_type3A_65 = arith.extui %lt3A_64 : i1 to i32
    %cond3A_66 = arith.constant 0 : i32
    %cond3A_67 = arith.cmpi ne, %convert_element_type3A_65, %cond3A_66 : i32
    scf.if %cond3A_67 {
      %mul3A_89 = arith.constant 128 : i32
      %mul3A_90 = arith.muli %add3A_62, %mul3A_89 : i32
      %multiple_of3A = tpu.assume_multiple %mul3A_90, 128 : i32
      "tpu.region"() ({
        %run_scoped3A = tpu.sem_alloc : memref<!tpu.dma_semaphore, #tpu.memory_space<semaphore_mem>>
        %dma_start3A = arith.constant 0 : i32
        %dma_start3A_91 = tpu.memref_slice %arg12[%multiple_of3A, %dma_start3A] : memref<10112x128xf32, #tpu.memory_space<vmem_shared>> -> memref<128x128xf32, #tpu.memory_space<vmem_shared>>
        %dma_start3A_92 = arith.constant 0 : i32
        %dma_start3A_93 = tpu.memref_slice %arg12[%multiple_of3A, %dma_start3A_92] : memref<10112x128xf32, #tpu.memory_space<vmem_shared>> -> memref<128x128xf32, #tpu.memory_space<vmem_shared>>
        tpu.enqueue_dma source(%dma_start3A_93 : memref<128x128xf32, #tpu.memory_space<vmem_shared>>) target(%arg9 : memref<128x128xf32, #tpu.memory_space<vmem>>) target_semaphore(%run_scoped3A : memref<!tpu.dma_semaphore, #tpu.memory_space<semaphore_mem>>)
        %dma_wait3A = arith.constant 0 : i32
        %dma_wait3A_94 = tpu.memref_slice %arg12[%multiple_of3A, %dma_wait3A] : memref<10112x128xf32, #tpu.memory_space<vmem_shared>> -> memref<128x128xf32, #tpu.memory_space<vmem_shared>>
        %dma_wait3A_95 = arith.constant 0 : i32
        %dma_wait3A_96 = tpu.memref_slice %arg12[%multiple_of3A, %dma_wait3A_95] : memref<10112x128xf32, #tpu.memory_space<vmem_shared>> -> memref<128x128xf32, #tpu.memory_space<vmem_shared>>
        tpu.wait_dma2 semaphore(%run_scoped3A : memref<!tpu.dma_semaphore, #tpu.memory_space<semaphore_mem>>) src(%dma_wait3A_96 : memref<128x128xf32, #tpu.memory_space<vmem_shared>>) dst(%arg9 : memref<128x128xf32, #tpu.memory_space<vmem>>)
        tpu.yield
      }) : () -> ()
      "tpu.region"() ({
        %run_scoped3A = tpu.sem_alloc : memref<!tpu.dma_semaphore, #tpu.memory_space<semaphore_mem>>
        %dma_start3A = arith.constant 0 : i32
        %dma_start3A_91 = tpu.memref_slice %arg6[%arg0, %multiple_of3A, %dma_start3A] : memref<2x10112x128xf32, #tpu.memory_space<hbm>> -> memref<1x128x128xf32, #tpu.memory_space<hbm>>
        %dma_start3A_92 = tpu.memref_squeeze %dma_start3A_91 : memref<1x128x128xf32, #tpu.memory_space<hbm>> -> memref<128x128xf32, #tpu.memory_space<hbm>>
        %dma_start3A_93 = arith.constant 0 : i32
        %dma_start3A_94 = tpu.memref_slice %arg6[%arg0, %multiple_of3A, %dma_start3A_93] : memref<2x10112x128xf32, #tpu.memory_space<hbm>> -> memref<1x128x128xf32, #tpu.memory_space<hbm>>
        %dma_start3A_95 = tpu.memref_squeeze %dma_start3A_94 : memref<1x128x128xf32, #tpu.memory_space<hbm>> -> memref<128x128xf32, #tpu.memory_space<hbm>>
        tpu.enqueue_dma source(%arg9 : memref<128x128xf32, #tpu.memory_space<vmem>>) target(%dma_start3A_95 : memref<128x128xf32, #tpu.memory_space<hbm>>) target_semaphore(%run_scoped3A : memref<!tpu.dma_semaphore, #tpu.memory_space<semaphore_mem>>)
        %dma_wait3A = arith.constant 0 : i32
        %dma_wait3A_96 = tpu.memref_slice %arg6[%arg0, %multiple_of3A, %dma_wait3A] : memref<2x10112x128xf32, #tpu.memory_space<hbm>> -> memref<1x128x128xf32, #tpu.memory_space<hbm>>
        %dma_wait3A_97 = tpu.memref_squeeze %dma_wait3A_96 : memref<1x128x128xf32, #tpu.memory_space<hbm>> -> memref<128x128xf32, #tpu.memory_space<hbm>>
        %dma_wait3A_98 = arith.constant 0 : i32
        %dma_wait3A_99 = tpu.memref_slice %arg6[%arg0, %multiple_of3A, %dma_wait3A_98] : memref<2x10112x128xf32, #tpu.memory_space<hbm>> -> memref<1x128x128xf32, #tpu.memory_space<hbm>>
        %dma_wait3A_100 = tpu.memref_squeeze %dma_wait3A_99 : memref<1x128x128xf32, #tpu.memory_space<hbm>> -> memref<128x128xf32, #tpu.memory_space<hbm>>
        tpu.wait_dma2 semaphore(%run_scoped3A : memref<!tpu.dma_semaphore, #tpu.memory_space<semaphore_mem>>) src(%arg9 : memref<128x128xf32, #tpu.memory_space<vmem>>) dst(%dma_wait3A_100 : memref<128x128xf32, #tpu.memory_space<hbm>>)
        tpu.yield
      }) : () -> ()
    } else {
    }
    %add3A_68 = arith.constant 32 : i32
    %add3A_69 = arith.addi %arg1, %add3A_68 : i32
    %lt3A_70 = arith.constant 79 : i32
    %lt3A_71 = arith.cmpi slt, %add3A_69, %lt3A_70 : i32
    %convert_element_type3A_72 = arith.extui %lt3A_71 : i1 to i32
    %cond3A_73 = arith.constant 0 : i32
    %cond3A_74 = arith.cmpi ne, %convert_element_type3A_72, %cond3A_73 : i32
    scf.if %cond3A_74 {
      %mul3A_89 = arith.constant 128 : i32
      %mul3A_90 = arith.muli %add3A_69, %mul3A_89 : i32
      %multiple_of3A = tpu.assume_multiple %mul3A_90, 128 : i32
      "tpu.region"() ({
        %run_scoped3A = tpu.sem_alloc : memref<!tpu.dma_semaphore, #tpu.memory_space<semaphore_mem>>
        %dma_start3A = arith.constant 0 : i32
        %dma_start3A_91 = tpu.memref_slice %arg12[%multiple_of3A, %dma_start3A] : memref<10112x128xf32, #tpu.memory_space<vmem_shared>> -> memref<128x128xf32, #tpu.memory_space<vmem_shared>>
        %dma_start3A_92 = arith.constant 0 : i32
        %dma_start3A_93 = tpu.memref_slice %arg12[%multiple_of3A, %dma_start3A_92] : memref<10112x128xf32, #tpu.memory_space<vmem_shared>> -> memref<128x128xf32, #tpu.memory_space<vmem_shared>>
        tpu.enqueue_dma source(%dma_start3A_93 : memref<128x128xf32, #tpu.memory_space<vmem_shared>>) target(%arg9 : memref<128x128xf32, #tpu.memory_space<vmem>>) target_semaphore(%run_scoped3A : memref<!tpu.dma_semaphore, #tpu.memory_space<semaphore_mem>>)
        %dma_wait3A = arith.constant 0 : i32
        %dma_wait3A_94 = tpu.memref_slice %arg12[%multiple_of3A, %dma_wait3A] : memref<10112x128xf32, #tpu.memory_space<vmem_shared>> -> memref<128x128xf32, #tpu.memory_space<vmem_shared>>
        %dma_wait3A_95 = arith.constant 0 : i32
        %dma_wait3A_96 = tpu.memref_slice %arg12[%multiple_of3A, %dma_wait3A_95] : memref<10112x128xf32, #tpu.memory_space<vmem_shared>> -> memref<128x128xf32, #tpu.memory_space<vmem_shared>>
        tpu.wait_dma2 semaphore(%run_scoped3A : memref<!tpu.dma_semaphore, #tpu.memory_space<semaphore_mem>>) src(%dma_wait3A_96 : memref<128x128xf32, #tpu.memory_space<vmem_shared>>) dst(%arg9 : memref<128x128xf32, #tpu.memory_space<vmem>>)
        tpu.yield
      }) : () -> ()
      "tpu.region"() ({
        %run_scoped3A = tpu.sem_alloc : memref<!tpu.dma_semaphore, #tpu.memory_space<semaphore_mem>>
        %dma_start3A = arith.constant 0 : i32
        %dma_start3A_91 = tpu.memref_slice %arg6[%arg0, %multiple_of3A, %dma_start3A] : memref<2x10112x128xf32, #tpu.memory_space<hbm>> -> memref<1x128x128xf32, #tpu.memory_space<hbm>>
        %dma_start3A_92 = tpu.memref_squeeze %dma_start3A_91 : memref<1x128x128xf32, #tpu.memory_space<hbm>> -> memref<128x128xf32, #tpu.memory_space<hbm>>
        %dma_start3A_93 = arith.constant 0 : i32
        %dma_start3A_94 = tpu.memref_slice %arg6[%arg0, %multiple_of3A, %dma_start3A_93] : memref<2x10112x128xf32, #tpu.memory_space<hbm>> -> memref<1x128x128xf32, #tpu.memory_space<hbm>>
        %dma_start3A_95 = tpu.memref_squeeze %dma_start3A_94 : memref<1x128x128xf32, #tpu.memory_space<hbm>> -> memref<128x128xf32, #tpu.memory_space<hbm>>
        tpu.enqueue_dma source(%arg9 : memref<128x128xf32, #tpu.memory_space<vmem>>) target(%dma_start3A_95 : memref<128x128xf32, #tpu.memory_space<hbm>>) target_semaphore(%run_scoped3A : memref<!tpu.dma_semaphore, #tpu.memory_space<semaphore_mem>>)
        %dma_wait3A = arith.constant 0 : i32
        %dma_wait3A_96 = tpu.memref_slice %arg6[%arg0, %multiple_of3A, %dma_wait3A] : memref<2x10112x128xf32, #tpu.memory_space<hbm>> -> memref<1x128x128xf32, #tpu.memory_space<hbm>>
        %dma_wait3A_97 = tpu.memref_squeeze %dma_wait3A_96 : memref<1x128x128xf32, #tpu.memory_space<hbm>> -> memref<128x128xf32, #tpu.memory_space<hbm>>
        %dma_wait3A_98 = arith.constant 0 : i32
        %dma_wait3A_99 = tpu.memref_slice %arg6[%arg0, %multiple_of3A, %dma_wait3A_98] : memref<2x10112x128xf32, #tpu.memory_space<hbm>> -> memref<1x128x128xf32, #tpu.memory_space<hbm>>
        %dma_wait3A_100 = tpu.memref_squeeze %dma_wait3A_99 : memref<1x128x128xf32, #tpu.memory_space<hbm>> -> memref<128x128xf32, #tpu.memory_space<hbm>>
        tpu.wait_dma2 semaphore(%run_scoped3A : memref<!tpu.dma_semaphore, #tpu.memory_space<semaphore_mem>>) src(%arg9 : memref<128x128xf32, #tpu.memory_space<vmem>>) dst(%dma_wait3A_100 : memref<128x128xf32, #tpu.memory_space<hbm>>)
        tpu.yield
      }) : () -> ()
    } else {
    }
    %add3A_75 = arith.constant 48 : i32
    %add3A_76 = arith.addi %arg1, %add3A_75 : i32
    %lt3A_77 = arith.constant 79 : i32
    %lt3A_78 = arith.cmpi slt, %add3A_76, %lt3A_77 : i32
    %convert_element_type3A_79 = arith.extui %lt3A_78 : i1 to i32
    %cond3A_80 = arith.constant 0 : i32
    %cond3A_81 = arith.cmpi ne, %convert_element_type3A_79, %cond3A_80 : i32
    scf.if %cond3A_81 {
      %mul3A_89 = arith.constant 128 : i32
      %mul3A_90 = arith.muli %add3A_76, %mul3A_89 : i32
      %multiple_of3A = tpu.assume_multiple %mul3A_90, 128 : i32
      "tpu.region"() ({
        %run_scoped3A = tpu.sem_alloc : memref<!tpu.dma_semaphore, #tpu.memory_space<semaphore_mem>>
        %dma_start3A = arith.constant 0 : i32
        %dma_start3A_91 = tpu.memref_slice %arg12[%multiple_of3A, %dma_start3A] : memref<10112x128xf32, #tpu.memory_space<vmem_shared>> -> memref<128x128xf32, #tpu.memory_space<vmem_shared>>
        %dma_start3A_92 = arith.constant 0 : i32
        %dma_start3A_93 = tpu.memref_slice %arg12[%multiple_of3A, %dma_start3A_92] : memref<10112x128xf32, #tpu.memory_space<vmem_shared>> -> memref<128x128xf32, #tpu.memory_space<vmem_shared>>
        tpu.enqueue_dma source(%dma_start3A_93 : memref<128x128xf32, #tpu.memory_space<vmem_shared>>) target(%arg9 : memref<128x128xf32, #tpu.memory_space<vmem>>) target_semaphore(%run_scoped3A : memref<!tpu.dma_semaphore, #tpu.memory_space<semaphore_mem>>)
        %dma_wait3A = arith.constant 0 : i32
        %dma_wait3A_94 = tpu.memref_slice %arg12[%multiple_of3A, %dma_wait3A] : memref<10112x128xf32, #tpu.memory_space<vmem_shared>> -> memref<128x128xf32, #tpu.memory_space<vmem_shared>>
        %dma_wait3A_95 = arith.constant 0 : i32
        %dma_wait3A_96 = tpu.memref_slice %arg12[%multiple_of3A, %dma_wait3A_95] : memref<10112x128xf32, #tpu.memory_space<vmem_shared>> -> memref<128x128xf32, #tpu.memory_space<vmem_shared>>
        tpu.wait_dma2 semaphore(%run_scoped3A : memref<!tpu.dma_semaphore, #tpu.memory_space<semaphore_mem>>) src(%dma_wait3A_96 : memref<128x128xf32, #tpu.memory_space<vmem_shared>>) dst(%arg9 : memref<128x128xf32, #tpu.memory_space<vmem>>)
        tpu.yield
      }) : () -> ()
      "tpu.region"() ({
        %run_scoped3A = tpu.sem_alloc : memref<!tpu.dma_semaphore, #tpu.memory_space<semaphore_mem>>
        %dma_start3A = arith.constant 0 : i32
        %dma_start3A_91 = tpu.memref_slice %arg6[%arg0, %multiple_of3A, %dma_start3A] : memref<2x10112x128xf32, #tpu.memory_space<hbm>> -> memref<1x128x128xf32, #tpu.memory_space<hbm>>
        %dma_start3A_92 = tpu.memref_squeeze %dma_start3A_91 : memref<1x128x128xf32, #tpu.memory_space<hbm>> -> memref<128x128xf32, #tpu.memory_space<hbm>>
        %dma_start3A_93 = arith.constant 0 : i32
        %dma_start3A_94 = tpu.memref_slice %arg6[%arg0, %multiple_of3A, %dma_start3A_93] : memref<2x10112x128xf32, #tpu.memory_space<hbm>> -> memref<1x128x128xf32, #tpu.memory_space<hbm>>
        %dma_start3A_95 = tpu.memref_squeeze %dma_start3A_94 : memref<1x128x128xf32, #tpu.memory_space<hbm>> -> memref<128x128xf32, #tpu.memory_space<hbm>>
        tpu.enqueue_dma source(%arg9 : memref<128x128xf32, #tpu.memory_space<vmem>>) target(%dma_start3A_95 : memref<128x128xf32, #tpu.memory_space<hbm>>) target_semaphore(%run_scoped3A : memref<!tpu.dma_semaphore, #tpu.memory_space<semaphore_mem>>)
        %dma_wait3A = arith.constant 0 : i32
        %dma_wait3A_96 = tpu.memref_slice %arg6[%arg0, %multiple_of3A, %dma_wait3A] : memref<2x10112x128xf32, #tpu.memory_space<hbm>> -> memref<1x128x128xf32, #tpu.memory_space<hbm>>
        %dma_wait3A_97 = tpu.memref_squeeze %dma_wait3A_96 : memref<1x128x128xf32, #tpu.memory_space<hbm>> -> memref<128x128xf32, #tpu.memory_space<hbm>>
        %dma_wait3A_98 = arith.constant 0 : i32
        %dma_wait3A_99 = tpu.memref_slice %arg6[%arg0, %multiple_of3A, %dma_wait3A_98] : memref<2x10112x128xf32, #tpu.memory_space<hbm>> -> memref<1x128x128xf32, #tpu.memory_space<hbm>>
        %dma_wait3A_100 = tpu.memref_squeeze %dma_wait3A_99 : memref<1x128x128xf32, #tpu.memory_space<hbm>> -> memref<128x128xf32, #tpu.memory_space<hbm>>
        tpu.wait_dma2 semaphore(%run_scoped3A : memref<!tpu.dma_semaphore, #tpu.memory_space<semaphore_mem>>) src(%arg9 : memref<128x128xf32, #tpu.memory_space<vmem>>) dst(%dma_wait3A_100 : memref<128x128xf32, #tpu.memory_space<hbm>>)
        tpu.yield
      }) : () -> ()
    } else {
    }
    %add3A_82 = arith.constant 64 : i32
    %add3A_83 = arith.addi %arg1, %add3A_82 : i32
    %lt3A_84 = arith.constant 79 : i32
    %lt3A_85 = arith.cmpi slt, %add3A_83, %lt3A_84 : i32
    %convert_element_type3A_86 = arith.extui %lt3A_85 : i1 to i32
    %cond3A_87 = arith.constant 0 : i32
    %cond3A_88 = arith.cmpi ne, %convert_element_type3A_86, %cond3A_87 : i32
    scf.if %cond3A_88 {
      %mul3A_89 = arith.constant 128 : i32
      %mul3A_90 = arith.muli %add3A_83, %mul3A_89 : i32
      %multiple_of3A = tpu.assume_multiple %mul3A_90, 128 : i32
      "tpu.region"() ({
        %run_scoped3A = tpu.sem_alloc : memref<!tpu.dma_semaphore, #tpu.memory_space<semaphore_mem>>
        %dma_start3A = arith.constant 0 : i32
        %dma_start3A_91 = tpu.memref_slice %arg12[%multiple_of3A, %dma_start3A] : memref<10112x128xf32, #tpu.memory_space<vmem_shared>> -> memref<128x128xf32, #tpu.memory_space<vmem_shared>>
        %dma_start3A_92 = arith.constant 0 : i32
        %dma_start3A_93 = tpu.memref_slice %arg12[%multiple_of3A, %dma_start3A_92] : memref<10112x128xf32, #tpu.memory_space<vmem_shared>> -> memref<128x128xf32, #tpu.memory_space<vmem_shared>>
        tpu.enqueue_dma source(%dma_start3A_93 : memref<128x128xf32, #tpu.memory_space<vmem_shared>>) target(%arg9 : memref<128x128xf32, #tpu.memory_space<vmem>>) target_semaphore(%run_scoped3A : memref<!tpu.dma_semaphore, #tpu.memory_space<semaphore_mem>>)
        %dma_wait3A = arith.constant 0 : i32
        %dma_wait3A_94 = tpu.memref_slice %arg12[%multiple_of3A, %dma_wait3A] : memref<10112x128xf32, #tpu.memory_space<vmem_shared>> -> memref<128x128xf32, #tpu.memory_space<vmem_shared>>
        %dma_wait3A_95 = arith.constant 0 : i32
        %dma_wait3A_96 = tpu.memref_slice %arg12[%multiple_of3A, %dma_wait3A_95] : memref<10112x128xf32, #tpu.memory_space<vmem_shared>> -> memref<128x128xf32, #tpu.memory_space<vmem_shared>>
        tpu.wait_dma2 semaphore(%run_scoped3A : memref<!tpu.dma_semaphore, #tpu.memory_space<semaphore_mem>>) src(%dma_wait3A_96 : memref<128x128xf32, #tpu.memory_space<vmem_shared>>) dst(%arg9 : memref<128x128xf32, #tpu.memory_space<vmem>>)
        tpu.yield
      }) : () -> ()
      "tpu.region"() ({
        %run_scoped3A = tpu.sem_alloc : memref<!tpu.dma_semaphore, #tpu.memory_space<semaphore_mem>>
        %dma_start3A = arith.constant 0 : i32
        %dma_start3A_91 = tpu.memref_slice %arg6[%arg0, %multiple_of3A, %dma_start3A] : memref<2x10112x128xf32, #tpu.memory_space<hbm>> -> memref<1x128x128xf32, #tpu.memory_space<hbm>>
        %dma_start3A_92 = tpu.memref_squeeze %dma_start3A_91 : memref<1x128x128xf32, #tpu.memory_space<hbm>> -> memref<128x128xf32, #tpu.memory_space<hbm>>
        %dma_start3A_93 = arith.constant 0 : i32
        %dma_start3A_94 = tpu.memref_slice %arg6[%arg0, %multiple_of3A, %dma_start3A_93] : memref<2x10112x128xf32, #tpu.memory_space<hbm>> -> memref<1x128x128xf32, #tpu.memory_space<hbm>>
        %dma_start3A_95 = tpu.memref_squeeze %dma_start3A_94 : memref<1x128x128xf32, #tpu.memory_space<hbm>> -> memref<128x128xf32, #tpu.memory_space<hbm>>
        tpu.enqueue_dma source(%arg9 : memref<128x128xf32, #tpu.memory_space<vmem>>) target(%dma_start3A_95 : memref<128x128xf32, #tpu.memory_space<hbm>>) target_semaphore(%run_scoped3A : memref<!tpu.dma_semaphore, #tpu.memory_space<semaphore_mem>>)
        %dma_wait3A = arith.constant 0 : i32
        %dma_wait3A_96 = tpu.memref_slice %arg6[%arg0, %multiple_of3A, %dma_wait3A] : memref<2x10112x128xf32, #tpu.memory_space<hbm>> -> memref<1x128x128xf32, #tpu.memory_space<hbm>>
        %dma_wait3A_97 = tpu.memref_squeeze %dma_wait3A_96 : memref<1x128x128xf32, #tpu.memory_space<hbm>> -> memref<128x128xf32, #tpu.memory_space<hbm>>
        %dma_wait3A_98 = arith.constant 0 : i32
        %dma_wait3A_99 = tpu.memref_slice %arg6[%arg0, %multiple_of3A, %dma_wait3A_98] : memref<2x10112x128xf32, #tpu.memory_space<hbm>> -> memref<1x128x128xf32, #tpu.memory_space<hbm>>
        %dma_wait3A_100 = tpu.memref_squeeze %dma_wait3A_99 : memref<1x128x128xf32, #tpu.memory_space<hbm>> -> memref<128x128xf32, #tpu.memory_space<hbm>>
        tpu.wait_dma2 semaphore(%run_scoped3A : memref<!tpu.dma_semaphore, #tpu.memory_space<semaphore_mem>>) src(%arg9 : memref<128x128xf32, #tpu.memory_space<vmem>>) dst(%dma_wait3A_100 : memref<128x128xf32, #tpu.memory_space<hbm>>)
        tpu.yield
      }) : () -> ()
    } else {
    }
    return
  }
}

#map = affine_map<(d0, d1) -> (0)>
#map1 = affine_map<(d0, d1) -> (0, 0)>
#map2 = affine_map<(d0, d1) -> (0, 0, 0)>
module attributes {stable_mosaic.version = 14 : i64} {
  func.func @_edge_sc_body(%arg0: i32, %arg1: i32, %arg2: memref<320000xi32, #tpu.memory_space<hbm>>, %arg3: memref<320000xi32, #tpu.memory_space<hbm>>, %arg4: memref<10000x128xf32, #tpu.memory_space<hbm>>, %arg5: memref<128x128xf32, #tpu.memory_space<hbm>>, %arg6: memref<2x10112x128xf32, #tpu.memory_space<hbm>>, %arg7: memref<128xi32, #tpu.memory_space<vmem>>, %arg8: memref<128xi32, #tpu.memory_space<vmem>>, %arg9: memref<128x128xf32, #tpu.memory_space<vmem>>, %arg10: memref<128x128xf32, #tpu.memory_space<vmem>>, %arg11: memref<128x128xf32, #tpu.memory_space<vmem>>, %arg12: memref<10112x128xf32, #tpu.memory_space<vmem_shared>>) attributes {dimension_semantics = [#tpu.dimension_semantics<core_parallel>, #tpu.dimension_semantics<subcore_parallel>], iteration_bounds = array<i64: 2, 16>, scalar_prefetch = 0 : i64, scratch_operands = 6 : i64, tpu.core_type = #tpu.core_type<sc_vector_subcore>, window_params = [{transform_indices = #map}, {transform_indices = #map}, {transform_indices = #map1}, {transform_indices = #map1}, {transform_indices = #map2}]} {
    %mul3A = arith.constant 2 : i32
    %mul3A_0 = arith.muli %arg1, %mul3A : i32
    %add3A = arith.addi %mul3A_0, %arg0 : i32
    %iota3A = tpu.iota {dimensions = array<i32: 0>} : vector<16xi32>
    %and3A = arith.constant 7 : i32
    %and3A_1 = vector.broadcast %and3A : i32 to vector<16xi32>
    %and3A_2 = arith.andi %iota3A, %and3A_1 : vector<16xi32>
    %shift_right_arithmetic3A = arith.constant 3 : i32
    %shift_right_arithmetic3A_3 = vector.broadcast %shift_right_arithmetic3A : i32 to vector<16xi32>
    %shift_right_arithmetic3A_4 = arith.shrsi %iota3A, %shift_right_arithmetic3A_3 : vector<16xi32>
    %eq3A = arith.constant 1 : i32
    %eq3A_5 = vector.broadcast %eq3A : i32 to vector<16xi32>
    %eq3A_6 = arith.cmpi eq, %shift_right_arithmetic3A_4, %eq3A_5 : vector<16xi32>
    "tpu.region"() ({
      %run_scoped3A = tpu.sem_alloc : memref<!tpu.dma_semaphore, #tpu.memory_space<semaphore_mem>>
      tpu.enqueue_dma source(%arg5 : memref<128x128xf32, #tpu.memory_space<hbm>>) target(%arg11 : memref<128x128xf32, #tpu.memory_space<vmem>>) target_semaphore(%run_scoped3A : memref<!tpu.dma_semaphore, #tpu.memory_space<semaphore_mem>>)
      tpu.wait_dma2 semaphore(%run_scoped3A : memref<!tpu.dma_semaphore, #tpu.memory_space<semaphore_mem>>) src(%arg5 : memref<128x128xf32, #tpu.memory_space<hbm>>) dst(%arg11 : memref<128x128xf32, #tpu.memory_space<vmem>>)
      tpu.yield
    }) : () -> ()
    %add3A_7 = arith.constant 0 : i32
    %add3A_8 = arith.addi %arg1, %add3A_7 : i32
    %lt3A = arith.constant 79 : i32
    %lt3A_9 = arith.cmpi slt, %add3A_8, %lt3A : i32
    %convert_element_type3A = arith.extui %lt3A_9 : i1 to i32
    %cond3A = arith.constant 0 : i32
    %cond3A_10 = arith.cmpi ne, %convert_element_type3A, %cond3A : i32
    scf.if %cond3A_10 {
      %mul3A_89 = arith.constant 128 : i32
      %mul3A_90 = arith.muli %add3A_8, %mul3A_89 : i32
      %multiple_of3A = tpu.assume_multiple %mul3A_90, 128 : i32
      "tpu.region"() ({
        %run_scoped3A = tpu.sem_alloc : memref<!tpu.dma_semaphore, #tpu.memory_space<semaphore_mem>>
        %dma_start3A = arith.constant 0 : i32
        %dma_start3A_91 = tpu.memref_slice %arg12[%multiple_of3A, %dma_start3A] : memref<10112x128xf32, #tpu.memory_space<vmem_shared>> -> memref<128x128xf32, #tpu.memory_space<vmem_shared>>
        %dma_start3A_92 = arith.constant 0 : i32
        %dma_start3A_93 = tpu.memref_slice %arg12[%multiple_of3A, %dma_start3A_92] : memref<10112x128xf32, #tpu.memory_space<vmem_shared>> -> memref<128x128xf32, #tpu.memory_space<vmem_shared>>
        tpu.enqueue_dma source(%arg11 : memref<128x128xf32, #tpu.memory_space<vmem>>) target(%dma_start3A_93 : memref<128x128xf32, #tpu.memory_space<vmem_shared>>) target_semaphore(%run_scoped3A : memref<!tpu.dma_semaphore, #tpu.memory_space<semaphore_mem>>)
        %dma_wait3A = arith.constant 0 : i32
        %dma_wait3A_94 = tpu.memref_slice %arg12[%multiple_of3A, %dma_wait3A] : memref<10112x128xf32, #tpu.memory_space<vmem_shared>> -> memref<128x128xf32, #tpu.memory_space<vmem_shared>>
        %dma_wait3A_95 = arith.constant 0 : i32
        %dma_wait3A_96 = tpu.memref_slice %arg12[%multiple_of3A, %dma_wait3A_95] : memref<10112x128xf32, #tpu.memory_space<vmem_shared>> -> memref<128x128xf32, #tpu.memory_space<vmem_shared>>
        tpu.wait_dma2 semaphore(%run_scoped3A : memref<!tpu.dma_semaphore, #tpu.memory_space<semaphore_mem>>) src(%arg11 : memref<128x128xf32, #tpu.memory_space<vmem>>) dst(%dma_wait3A_96 : memref<128x128xf32, #tpu.memory_space<vmem_shared>>)
        tpu.yield
      }) : () -> ()
    } else {
    }
    %add3A_11 = arith.constant 16 : i32
    %add3A_12 = arith.addi %arg1, %add3A_11 : i32
    %lt3A_13 = arith.constant 79 : i32
    %lt3A_14 = arith.cmpi slt, %add3A_12, %lt3A_13 : i32
    %convert_element_type3A_15 = arith.extui %lt3A_14 : i1 to i32
    %cond3A_16 = arith.constant 0 : i32
    %cond3A_17 = arith.cmpi ne, %convert_element_type3A_15, %cond3A_16 : i32
    scf.if %cond3A_17 {
      %mul3A_89 = arith.constant 128 : i32
      %mul3A_90 = arith.muli %add3A_12, %mul3A_89 : i32
      %multiple_of3A = tpu.assume_multiple %mul3A_90, 128 : i32
      "tpu.region"() ({
        %run_scoped3A = tpu.sem_alloc : memref<!tpu.dma_semaphore, #tpu.memory_space<semaphore_mem>>
        %dma_start3A = arith.constant 0 : i32
        %dma_start3A_91 = tpu.memref_slice %arg12[%multiple_of3A, %dma_start3A] : memref<10112x128xf32, #tpu.memory_space<vmem_shared>> -> memref<128x128xf32, #tpu.memory_space<vmem_shared>>
        %dma_start3A_92 = arith.constant 0 : i32
        %dma_start3A_93 = tpu.memref_slice %arg12[%multiple_of3A, %dma_start3A_92] : memref<10112x128xf32, #tpu.memory_space<vmem_shared>> -> memref<128x128xf32, #tpu.memory_space<vmem_shared>>
        tpu.enqueue_dma source(%arg11 : memref<128x128xf32, #tpu.memory_space<vmem>>) target(%dma_start3A_93 : memref<128x128xf32, #tpu.memory_space<vmem_shared>>) target_semaphore(%run_scoped3A : memref<!tpu.dma_semaphore, #tpu.memory_space<semaphore_mem>>)
        %dma_wait3A = arith.constant 0 : i32
        %dma_wait3A_94 = tpu.memref_slice %arg12[%multiple_of3A, %dma_wait3A] : memref<10112x128xf32, #tpu.memory_space<vmem_shared>> -> memref<128x128xf32, #tpu.memory_space<vmem_shared>>
        %dma_wait3A_95 = arith.constant 0 : i32
        %dma_wait3A_96 = tpu.memref_slice %arg12[%multiple_of3A, %dma_wait3A_95] : memref<10112x128xf32, #tpu.memory_space<vmem_shared>> -> memref<128x128xf32, #tpu.memory_space<vmem_shared>>
        tpu.wait_dma2 semaphore(%run_scoped3A : memref<!tpu.dma_semaphore, #tpu.memory_space<semaphore_mem>>) src(%arg11 : memref<128x128xf32, #tpu.memory_space<vmem>>) dst(%dma_wait3A_96 : memref<128x128xf32, #tpu.memory_space<vmem_shared>>)
        tpu.yield
      }) : () -> ()
    } else {
    }
    %add3A_18 = arith.constant 32 : i32
    %add3A_19 = arith.addi %arg1, %add3A_18 : i32
    %lt3A_20 = arith.constant 79 : i32
    %lt3A_21 = arith.cmpi slt, %add3A_19, %lt3A_20 : i32
    %convert_element_type3A_22 = arith.extui %lt3A_21 : i1 to i32
    %cond3A_23 = arith.constant 0 : i32
    %cond3A_24 = arith.cmpi ne, %convert_element_type3A_22, %cond3A_23 : i32
    scf.if %cond3A_24 {
      %mul3A_89 = arith.constant 128 : i32
      %mul3A_90 = arith.muli %add3A_19, %mul3A_89 : i32
      %multiple_of3A = tpu.assume_multiple %mul3A_90, 128 : i32
      "tpu.region"() ({
        %run_scoped3A = tpu.sem_alloc : memref<!tpu.dma_semaphore, #tpu.memory_space<semaphore_mem>>
        %dma_start3A = arith.constant 0 : i32
        %dma_start3A_91 = tpu.memref_slice %arg12[%multiple_of3A, %dma_start3A] : memref<10112x128xf32, #tpu.memory_space<vmem_shared>> -> memref<128x128xf32, #tpu.memory_space<vmem_shared>>
        %dma_start3A_92 = arith.constant 0 : i32
        %dma_start3A_93 = tpu.memref_slice %arg12[%multiple_of3A, %dma_start3A_92] : memref<10112x128xf32, #tpu.memory_space<vmem_shared>> -> memref<128x128xf32, #tpu.memory_space<vmem_shared>>
        tpu.enqueue_dma source(%arg11 : memref<128x128xf32, #tpu.memory_space<vmem>>) target(%dma_start3A_93 : memref<128x128xf32, #tpu.memory_space<vmem_shared>>) target_semaphore(%run_scoped3A : memref<!tpu.dma_semaphore, #tpu.memory_space<semaphore_mem>>)
        %dma_wait3A = arith.constant 0 : i32
        %dma_wait3A_94 = tpu.memref_slice %arg12[%multiple_of3A, %dma_wait3A] : memref<10112x128xf32, #tpu.memory_space<vmem_shared>> -> memref<128x128xf32, #tpu.memory_space<vmem_shared>>
        %dma_wait3A_95 = arith.constant 0 : i32
        %dma_wait3A_96 = tpu.memref_slice %arg12[%multiple_of3A, %dma_wait3A_95] : memref<10112x128xf32, #tpu.memory_space<vmem_shared>> -> memref<128x128xf32, #tpu.memory_space<vmem_shared>>
        tpu.wait_dma2 semaphore(%run_scoped3A : memref<!tpu.dma_semaphore, #tpu.memory_space<semaphore_mem>>) src(%arg11 : memref<128x128xf32, #tpu.memory_space<vmem>>) dst(%dma_wait3A_96 : memref<128x128xf32, #tpu.memory_space<vmem_shared>>)
        tpu.yield
      }) : () -> ()
    } else {
    }
    %add3A_25 = arith.constant 48 : i32
    %add3A_26 = arith.addi %arg1, %add3A_25 : i32
    %lt3A_27 = arith.constant 79 : i32
    %lt3A_28 = arith.cmpi slt, %add3A_26, %lt3A_27 : i32
    %convert_element_type3A_29 = arith.extui %lt3A_28 : i1 to i32
    %cond3A_30 = arith.constant 0 : i32
    %cond3A_31 = arith.cmpi ne, %convert_element_type3A_29, %cond3A_30 : i32
    scf.if %cond3A_31 {
      %mul3A_89 = arith.constant 128 : i32
      %mul3A_90 = arith.muli %add3A_26, %mul3A_89 : i32
      %multiple_of3A = tpu.assume_multiple %mul3A_90, 128 : i32
      "tpu.region"() ({
        %run_scoped3A = tpu.sem_alloc : memref<!tpu.dma_semaphore, #tpu.memory_space<semaphore_mem>>
        %dma_start3A = arith.constant 0 : i32
        %dma_start3A_91 = tpu.memref_slice %arg12[%multiple_of3A, %dma_start3A] : memref<10112x128xf32, #tpu.memory_space<vmem_shared>> -> memref<128x128xf32, #tpu.memory_space<vmem_shared>>
        %dma_start3A_92 = arith.constant 0 : i32
        %dma_start3A_93 = tpu.memref_slice %arg12[%multiple_of3A, %dma_start3A_92] : memref<10112x128xf32, #tpu.memory_space<vmem_shared>> -> memref<128x128xf32, #tpu.memory_space<vmem_shared>>
        tpu.enqueue_dma source(%arg11 : memref<128x128xf32, #tpu.memory_space<vmem>>) target(%dma_start3A_93 : memref<128x128xf32, #tpu.memory_space<vmem_shared>>) target_semaphore(%run_scoped3A : memref<!tpu.dma_semaphore, #tpu.memory_space<semaphore_mem>>)
        %dma_wait3A = arith.constant 0 : i32
        %dma_wait3A_94 = tpu.memref_slice %arg12[%multiple_of3A, %dma_wait3A] : memref<10112x128xf32, #tpu.memory_space<vmem_shared>> -> memref<128x128xf32, #tpu.memory_space<vmem_shared>>
        %dma_wait3A_95 = arith.constant 0 : i32
        %dma_wait3A_96 = tpu.memref_slice %arg12[%multiple_of3A, %dma_wait3A_95] : memref<10112x128xf32, #tpu.memory_space<vmem_shared>> -> memref<128x128xf32, #tpu.memory_space<vmem_shared>>
        tpu.wait_dma2 semaphore(%run_scoped3A : memref<!tpu.dma_semaphore, #tpu.memory_space<semaphore_mem>>) src(%arg11 : memref<128x128xf32, #tpu.memory_space<vmem>>) dst(%dma_wait3A_96 : memref<128x128xf32, #tpu.memory_space<vmem_shared>>)
        tpu.yield
      }) : () -> ()
    } else {
    }
    %add3A_32 = arith.constant 64 : i32
    %add3A_33 = arith.addi %arg1, %add3A_32 : i32
    %lt3A_34 = arith.constant 79 : i32
    %lt3A_35 = arith.cmpi slt, %add3A_33, %lt3A_34 : i32
    %convert_element_type3A_36 = arith.extui %lt3A_35 : i1 to i32
    %cond3A_37 = arith.constant 0 : i32
    %cond3A_38 = arith.cmpi ne, %convert_element_type3A_36, %cond3A_37 : i32
    scf.if %cond3A_38 {
      %mul3A_89 = arith.constant 128 : i32
      %mul3A_90 = arith.muli %add3A_33, %mul3A_89 : i32
      %multiple_of3A = tpu.assume_multiple %mul3A_90, 128 : i32
      "tpu.region"() ({
        %run_scoped3A = tpu.sem_alloc : memref<!tpu.dma_semaphore, #tpu.memory_space<semaphore_mem>>
        %dma_start3A = arith.constant 0 : i32
        %dma_start3A_91 = tpu.memref_slice %arg12[%multiple_of3A, %dma_start3A] : memref<10112x128xf32, #tpu.memory_space<vmem_shared>> -> memref<128x128xf32, #tpu.memory_space<vmem_shared>>
        %dma_start3A_92 = arith.constant 0 : i32
        %dma_start3A_93 = tpu.memref_slice %arg12[%multiple_of3A, %dma_start3A_92] : memref<10112x128xf32, #tpu.memory_space<vmem_shared>> -> memref<128x128xf32, #tpu.memory_space<vmem_shared>>
        tpu.enqueue_dma source(%arg11 : memref<128x128xf32, #tpu.memory_space<vmem>>) target(%dma_start3A_93 : memref<128x128xf32, #tpu.memory_space<vmem_shared>>) target_semaphore(%run_scoped3A : memref<!tpu.dma_semaphore, #tpu.memory_space<semaphore_mem>>)
        %dma_wait3A = arith.constant 0 : i32
        %dma_wait3A_94 = tpu.memref_slice %arg12[%multiple_of3A, %dma_wait3A] : memref<10112x128xf32, #tpu.memory_space<vmem_shared>> -> memref<128x128xf32, #tpu.memory_space<vmem_shared>>
        %dma_wait3A_95 = arith.constant 0 : i32
        %dma_wait3A_96 = tpu.memref_slice %arg12[%multiple_of3A, %dma_wait3A_95] : memref<10112x128xf32, #tpu.memory_space<vmem_shared>> -> memref<128x128xf32, #tpu.memory_space<vmem_shared>>
        tpu.wait_dma2 semaphore(%run_scoped3A : memref<!tpu.dma_semaphore, #tpu.memory_space<semaphore_mem>>) src(%arg11 : memref<128x128xf32, #tpu.memory_space<vmem>>) dst(%dma_wait3A_96 : memref<128x128xf32, #tpu.memory_space<vmem_shared>>)
        tpu.yield
      }) : () -> ()
    } else {
    }
    %barrier3A = arith.constant 0 : index
    tpu.barrier barrier_id(%barrier3A)
    %lt3A_39 = arith.constant 4 : i32
    %lt3A_40 = arith.cmpi slt, %add3A, %lt3A_39 : i32
    %jit3A = arith.constant 79 : i32
    %jit3A_41 = arith.constant 78 : i32
    %select_n3A = arith.select %lt3A_40, %jit3A, %jit3A_41 : i32
    %while3A = arith.constant 0 : i32
    %while3A_42 = arith.constant 0 : i32
    %while3A_43 = arith.subi %select_n3A, %while3A : i32
    %while3A_44 = arith.addi %while3A, %while3A_43 : i32
    %while3A_45 = arith.constant 1 : i32
    %while3A_46 = arith.divsi %while3A_43, %while3A_45 : i32
    %while3A_47 = arith.muli %while3A_46, %while3A_45 : i32
    %while3A_48 = arith.addi %while3A, %while3A_47 : i32
    %while3A_49 = arith.constant 1 : i32
    %while3A_50 = scf.for %while3A_89 = %while3A to %while3A_48 step %while3A_49 iter_args(%while3A_90 = %while3A_42) -> (i32)  : i32 {
      %mul3A_91 = arith.constant 32 : i32
      %mul3A_92 = arith.muli %mul3A_91, %while3A_89 : i32
      %add3A_93 = arith.addi %add3A, %mul3A_92 : i32
      %mul3A_94 = arith.constant 128 : i32
      %mul3A_95 = arith.muli %add3A_93, %mul3A_94 : i32
      %multiple_of3A = tpu.assume_multiple %mul3A_95, 128 : i32
      "tpu.region"() ({
        %run_scoped3A = tpu.sem_alloc : memref<!tpu.dma_semaphore, #tpu.memory_space<semaphore_mem>>
        %dma_start3A = tpu.memref_slice %arg2[%multiple_of3A] : memref<320000xi32, #tpu.memory_space<hbm>> -> memref<128xi32, #tpu.memory_space<hbm>>
        %dma_start3A_103 = tpu.memref_slice %arg2[%multiple_of3A] : memref<320000xi32, #tpu.memory_space<hbm>> -> memref<128xi32, #tpu.memory_space<hbm>>
        tpu.enqueue_dma source(%dma_start3A_103 : memref<128xi32, #tpu.memory_space<hbm>>) target(%arg7 : memref<128xi32, #tpu.memory_space<vmem>>) target_semaphore(%run_scoped3A : memref<!tpu.dma_semaphore, #tpu.memory_space<semaphore_mem>>)
        %dma_wait3A = tpu.memref_slice %arg2[%multiple_of3A] : memref<320000xi32, #tpu.memory_space<hbm>> -> memref<128xi32, #tpu.memory_space<hbm>>
        %dma_wait3A_104 = tpu.memref_slice %arg2[%multiple_of3A] : memref<320000xi32, #tpu.memory_space<hbm>> -> memref<128xi32, #tpu.memory_space<hbm>>
        tpu.wait_dma2 semaphore(%run_scoped3A : memref<!tpu.dma_semaphore, #tpu.memory_space<semaphore_mem>>) src(%dma_wait3A_104 : memref<128xi32, #tpu.memory_space<hbm>>) dst(%arg7 : memref<128xi32, #tpu.memory_space<vmem>>)
        tpu.yield
      }) : () -> ()
      "tpu.region"() ({
        %run_scoped3A = tpu.sem_alloc : memref<!tpu.dma_semaphore, #tpu.memory_space<semaphore_mem>>
        %dma_start3A = tpu.memref_slice %arg3[%multiple_of3A] : memref<320000xi32, #tpu.memory_space<hbm>> -> memref<128xi32, #tpu.memory_space<hbm>>
        %dma_start3A_103 = tpu.memref_slice %arg3[%multiple_of3A] : memref<320000xi32, #tpu.memory_space<hbm>> -> memref<128xi32, #tpu.memory_space<hbm>>
        tpu.enqueue_dma source(%dma_start3A_103 : memref<128xi32, #tpu.memory_space<hbm>>) target(%arg8 : memref<128xi32, #tpu.memory_space<vmem>>) target_semaphore(%run_scoped3A : memref<!tpu.dma_semaphore, #tpu.memory_space<semaphore_mem>>)
        %dma_wait3A = tpu.memref_slice %arg3[%multiple_of3A] : memref<320000xi32, #tpu.memory_space<hbm>> -> memref<128xi32, #tpu.memory_space<hbm>>
        %dma_wait3A_104 = tpu.memref_slice %arg3[%multiple_of3A] : memref<320000xi32, #tpu.memory_space<hbm>> -> memref<128xi32, #tpu.memory_space<hbm>>
        tpu.wait_dma2 semaphore(%run_scoped3A : memref<!tpu.dma_semaphore, #tpu.memory_space<semaphore_mem>>) src(%dma_wait3A_104 : memref<128xi32, #tpu.memory_space<hbm>>) dst(%arg8 : memref<128xi32, #tpu.memory_space<vmem>>)
        tpu.yield
      }) : () -> ()
      "tpu.region"() ({
        %run_scoped3A = tpu.sem_alloc : memref<!tpu.dma_semaphore, #tpu.memory_space<semaphore_mem>>
        %dma_start3A = arith.constant 0 : i32
        %dma_start3A_103 = arith.constant 0 : i32
        %dma_start3A_104 = tpu.memref_slice %arg4[%dma_start3A, %dma_start3A_103] : memref<10000x128xf32, #tpu.memory_space<hbm>> -> memref<10000x128xf32, #tpu.memory_space<hbm>>
        tpu.enqueue_indirect_dma source(%dma_start3A_104 : memref<10000x128xf32, #tpu.memory_space<hbm>>) target(%arg9 : memref<128x128xf32, #tpu.memory_space<vmem>>) offsets(%arg7 : memref<128xi32, #tpu.memory_space<vmem>>) semaphore(%run_scoped3A : memref<!tpu.dma_semaphore, #tpu.memory_space<semaphore_mem>>)
        %dma_wait3A = arith.constant 0 : i32
        %dma_wait3A_105 = arith.constant 0 : i32
        %dma_wait3A_106 = tpu.memref_slice %arg4[%dma_wait3A, %dma_wait3A_105] : memref<10000x128xf32, #tpu.memory_space<hbm>> -> memref<10000x128xf32, #tpu.memory_space<hbm>>
        tpu.wait_indirect_dma semaphore(%run_scoped3A : memref<!tpu.dma_semaphore, #tpu.memory_space<semaphore_mem>>) src(%dma_wait3A_106 : memref<10000x128xf32, #tpu.memory_space<hbm>>) dst(%arg9 : memref<128x128xf32, #tpu.memory_space<vmem>>)
        tpu.yield
      }) : () -> ()
      "tpu.region"() ({
        %run_scoped3A = tpu.sem_alloc : memref<!tpu.dma_semaphore, #tpu.memory_space<semaphore_mem>>
        %dma_start3A = arith.constant 0 : i32
        %dma_start3A_103 = arith.constant 0 : i32
        %dma_start3A_104 = tpu.memref_slice %arg4[%dma_start3A, %dma_start3A_103] : memref<10000x128xf32, #tpu.memory_space<hbm>> -> memref<10000x128xf32, #tpu.memory_space<hbm>>
        tpu.enqueue_indirect_dma source(%dma_start3A_104 : memref<10000x128xf32, #tpu.memory_space<hbm>>) target(%arg10 : memref<128x128xf32, #tpu.memory_space<vmem>>) offsets(%arg8 : memref<128xi32, #tpu.memory_space<vmem>>) semaphore(%run_scoped3A : memref<!tpu.dma_semaphore, #tpu.memory_space<semaphore_mem>>)
        %dma_wait3A = arith.constant 0 : i32
        %dma_wait3A_105 = arith.constant 0 : i32
        %dma_wait3A_106 = tpu.memref_slice %arg4[%dma_wait3A, %dma_wait3A_105] : memref<10000x128xf32, #tpu.memory_space<hbm>> -> memref<10000x128xf32, #tpu.memory_space<hbm>>
        tpu.wait_indirect_dma semaphore(%run_scoped3A : memref<!tpu.dma_semaphore, #tpu.memory_space<semaphore_mem>>) src(%dma_wait3A_106 : memref<10000x128xf32, #tpu.memory_space<hbm>>) dst(%arg10 : memref<128x128xf32, #tpu.memory_space<vmem>>)
        tpu.yield
      }) : () -> ()
      %scan3A = arith.constant 0 : i32
      %scan3A_96 = arith.constant 0 : i32
      %scan3A_97 = arith.constant 64 : i32
      %scan3A_98 = arith.addi %scan3A_96, %scan3A_97 : i32
      %scan3A_99 = arith.constant 1 : i32
      %scan3A_100 = scf.for %scan3A_103 = %scan3A_96 to %scan3A_98 step %scan3A_99 iter_args(%scan3A_104 = %scan3A) -> (i32)  : i32 {
        %mul3A_105 = arith.constant 2 : i32
        %mul3A_106 = arith.muli %mul3A_105, %scan3A_103 : i32
        %mul3A_107 = arith.constant 2 : i32
        %mul3A_108 = arith.muli %mul3A_107, %scan3A_103 : i32
        %add3A_109 = arith.constant 1 : i32
        %add3A_110 = arith.addi %mul3A_108, %add3A_109 : i32
        %get3A = arith.index_cast %add3A_110 : i32 to index
        %get3A_111 = arith.constant 56 : index
        %get3A_112 = tpu.vector_load %arg9[%get3A, %get3A_111] {strides = array<i32>} : memref<128x128xf32, #tpu.memory_space<vmem>>, vector<1x16xf32>,
        %get3A_113 = vector.shape_cast %get3A_112 : vector<1x16xf32> to vector<16xf32>
        %get3A_114 = arith.index_cast %mul3A_106 : i32 to index
        %get3A_115 = arith.constant 64 : index
        %get3A_116 = tpu.vector_load %arg9[%get3A_114, %get3A_115] {strides = array<i32>} : memref<128x128xf32, #tpu.memory_space<vmem>>, vector<1x16xf32>,
        %get3A_117 = vector.shape_cast %get3A_116 : vector<1x16xf32> to vector<16xf32>
        %select_n3A_118 = arith.select %eq3A_6, %get3A_113, %get3A_117 : vector<16xi1>, vector<16xf32>
        %get3A_119 = arith.index_cast %add3A_110 : i32 to index
        %get3A_120 = arith.constant 72 : index
        %get3A_121 = tpu.vector_load %arg10[%get3A_119, %get3A_120] {strides = array<i32>} : memref<128x128xf32, #tpu.memory_space<vmem>>, vector<1x16xf32>,
        %get3A_122 = vector.shape_cast %get3A_121 : vector<1x16xf32> to vector<16xf32>
        %get3A_123 = arith.index_cast %mul3A_106 : i32 to index
        %get3A_124 = arith.constant 80 : index
        %get3A_125 = tpu.vector_load %arg10[%get3A_123, %get3A_124] {strides = array<i32>} : memref<128x128xf32, #tpu.memory_space<vmem>>, vector<1x16xf32>,
        %get3A_126 = vector.shape_cast %get3A_125 : vector<1x16xf32> to vector<16xf32>
        %select_n3A_127 = arith.select %eq3A_6, %get3A_122, %get3A_126 : vector<16xi1>, vector<16xf32>
        %get3A_128 = arith.index_cast %add3A_110 : i32 to index
        %get3A_129 = arith.constant 80 : index
        %get3A_130 = tpu.vector_load %arg10[%get3A_128, %get3A_129] {strides = array<i32>} : memref<128x128xf32, #tpu.memory_space<vmem>>, vector<1x16xf32>,
        %get3A_131 = vector.shape_cast %get3A_130 : vector<1x16xf32> to vector<16xf32>
        %get3A_132 = arith.index_cast %mul3A_106 : i32 to index
        %get3A_133 = arith.constant 88 : index
        %get3A_134 = tpu.vector_load %arg10[%get3A_132, %get3A_133] {strides = array<i32>} : memref<128x128xf32, #tpu.memory_space<vmem>>, vector<1x16xf32>,
        %get3A_135 = vector.shape_cast %get3A_134 : vector<1x16xf32> to vector<16xf32>
        %select_n3A_136 = arith.select %eq3A_6, %get3A_131, %get3A_135 : vector<16xi1>, vector<16xf32>
        %add3A_137 = arith.addf %select_n3A_118, %select_n3A_127 : vector<16xf32>
        %add3A_138 = arith.addf %select_n3A_118, %select_n3A_136 : vector<16xf32>
        %mul3A_139 = arith.constant 2.000000e-01 : f32
        %mul3A_140 = vector.broadcast %mul3A_139 : f32 to vector<16xf32>
        %mul3A_141 = arith.mulf %mul3A_140, %add3A_138 : vector<16xf32>
        %max3A = arith.maximumf %add3A_137, %mul3A_141 : vector<16xf32>
        %exp3A = math.exp %max3A : vector<16xf32>
        %swap3A = arith.index_cast %mul3A_106 : i32 to index
        %swap3A_142 = arith.constant 64 : index
        %swap3A_143 = tpu.vector_load %arg11[%swap3A, %swap3A_142] {strides = array<i32>} : memref<128x128xf32, #tpu.memory_space<vmem>>, vector<1x16xf32>,
        %swap3A_144 = vector.shape_cast %swap3A_143 : vector<1x16xf32> to vector<16xf32>
        %swap3A_145 = vector.shape_cast %exp3A : vector<16xf32> to vector<1x16xf32>
        tpu.vector_store %arg11[%swap3A, %swap3A_142], %swap3A_145 {strides = array<i32>} : memref<128x128xf32, #tpu.memory_space<vmem>>, vector<1x16xf32>,
        %swap3A_146 = arith.index_cast %add3A_110 : i32 to index
        %swap3A_147 = arith.constant 56 : index
        %swap3A_148 = tpu.vector_load %arg11[%swap3A_146, %swap3A_147] {strides = array<i32>} : memref<128x128xf32, #tpu.memory_space<vmem>>, vector<1x16xf32>,
        %swap3A_149 = vector.shape_cast %swap3A_148 : vector<1x16xf32> to vector<16xf32>
        %swap3A_150 = vector.shape_cast %exp3A : vector<16xf32> to vector<1x16xf32>
        tpu.vector_store %arg11[%swap3A_146, %swap3A_147], %swap3A_150 {strides = array<i32>} : memref<128x128xf32, #tpu.memory_space<vmem>>, vector<1x16xf32>,
        %add3A_151 = arith.constant 0 : i32
        %add3A_152 = vector.broadcast %add3A_151 : i32 to vector<16xi32>
        %add3A_153 = arith.addi %shift_right_arithmetic3A_4, %add3A_152 : vector<16xi32>
        %broadcast_in_dim3A = vector.shape_cast %add3A_153 : vector<16xi32> to vector<16x1xi32>
        %gather3A = vector.shape_cast %broadcast_in_dim3A : vector<16x1xi32> to vector<16xi32>
        %gather3A_154 = tpu.dynamic_gather %exp3A[%gather3A] in [0] : vector<16xf32>, vector<16xi32> -> vector<16xf32>
        %add3A_155 = arith.constant 8 : i32
        %add3A_156 = vector.broadcast %add3A_155 : i32 to vector<16xi32>
        %add3A_157 = arith.addi %add3A_153, %add3A_156 : vector<16xi32>
        %broadcast_in_dim3A_158 = vector.shape_cast %add3A_157 : vector<16xi32> to vector<16x1xi32>
        %gather3A_159 = vector.shape_cast %broadcast_in_dim3A_158 : vector<16x1xi32> to vector<16xi32>
        %gather3A_160 = tpu.dynamic_gather %exp3A[%gather3A_159] in [0] : vector<16xf32>, vector<16xi32> -> vector<16xf32>
        %get3A_161 = arith.index_cast %mul3A_106 : i32 to index
        %get3A_162 = arith.constant 0 : index
        %get3A_163 = tpu.vector_load %arg9[%get3A_161, %get3A_162] {strides = array<i32>} : memref<128x128xf32, #tpu.memory_space<vmem>>, vector<1x16xf32>,
        %get3A_164 = vector.shape_cast %get3A_163 : vector<1x16xf32> to vector<16xf32>
        %get3A_165 = arith.index_cast %add3A_110 : i32 to index
        %get3A_166 = arith.constant 0 : index
        %get3A_167 = tpu.vector_load %arg9[%get3A_165, %get3A_166] {strides = array<i32>} : memref<128x128xf32, #tpu.memory_space<vmem>>, vector<1x16xf32>,
        %get3A_168 = vector.shape_cast %get3A_167 : vector<1x16xf32> to vector<16xf32>
        %mul3A_169 = arith.mulf %get3A_164, %gather3A_154 : vector<16xf32>
        %swap3A_170 = arith.index_cast %mul3A_106 : i32 to index
        %swap3A_171 = arith.constant 0 : index
        %swap3A_172 = tpu.vector_load %arg11[%swap3A_170, %swap3A_171] {strides = array<i32>} : memref<128x128xf32, #tpu.memory_space<vmem>>, vector<1x16xf32>,
        %swap3A_173 = vector.shape_cast %swap3A_172 : vector<1x16xf32> to vector<16xf32>
        %swap3A_174 = vector.shape_cast %mul3A_169 : vector<16xf32> to vector<1x16xf32>
        tpu.vector_store %arg11[%swap3A_170, %swap3A_171], %swap3A_174 {strides = array<i32>} : memref<128x128xf32, #tpu.memory_space<vmem>>, vector<1x16xf32>,
        %mul3A_175 = arith.mulf %get3A_168, %gather3A_160 : vector<16xf32>
        %swap3A_176 = arith.index_cast %add3A_110 : i32 to index
        %swap3A_177 = arith.constant 0 : index
        %swap3A_178 = tpu.vector_load %arg11[%swap3A_176, %swap3A_177] {strides = array<i32>} : memref<128x128xf32, #tpu.memory_space<vmem>>, vector<1x16xf32>,
        %swap3A_179 = vector.shape_cast %swap3A_178 : vector<1x16xf32> to vector<16xf32>
        %swap3A_180 = vector.shape_cast %mul3A_175 : vector<16xf32> to vector<1x16xf32>
        tpu.vector_store %arg11[%swap3A_176, %swap3A_177], %swap3A_180 {strides = array<i32>} : memref<128x128xf32, #tpu.memory_space<vmem>>, vector<1x16xf32>,
        %add3A_181 = arith.constant 2 : i32
        %add3A_182 = vector.broadcast %add3A_181 : i32 to vector<16xi32>
        %add3A_183 = arith.addi %shift_right_arithmetic3A_4, %add3A_182 : vector<16xi32>
        %broadcast_in_dim3A_184 = vector.shape_cast %add3A_183 : vector<16xi32> to vector<16x1xi32>
        %gather3A_185 = vector.shape_cast %broadcast_in_dim3A_184 : vector<16x1xi32> to vector<16xi32>
        %gather3A_186 = tpu.dynamic_gather %exp3A[%gather3A_185] in [0] : vector<16xf32>, vector<16xi32> -> vector<16xf32>
        %add3A_187 = arith.constant 8 : i32
        %add3A_188 = vector.broadcast %add3A_187 : i32 to vector<16xi32>
        %add3A_189 = arith.addi %add3A_183, %add3A_188 : vector<16xi32>
        %broadcast_in_dim3A_190 = vector.shape_cast %add3A_189 : vector<16xi32> to vector<16x1xi32>
        %gather3A_191 = vector.shape_cast %broadcast_in_dim3A_190 : vector<16x1xi32> to vector<16xi32>
        %gather3A_192 = tpu.dynamic_gather %exp3A[%gather3A_191] in [0] : vector<16xf32>, vector<16xi32> -> vector<16xf32>
        %get3A_193 = arith.index_cast %mul3A_106 : i32 to index
        %get3A_194 = arith.constant 16 : index
        %get3A_195 = tpu.vector_load %arg9[%get3A_193, %get3A_194] {strides = array<i32>} : memref<128x128xf32, #tpu.memory_space<vmem>>, vector<1x16xf32>,
        %get3A_196 = vector.shape_cast %get3A_195 : vector<1x16xf32> to vector<16xf32>
        %get3A_197 = arith.index_cast %add3A_110 : i32 to index
        %get3A_198 = arith.constant 16 : index
        %get3A_199 = tpu.vector_load %arg9[%get3A_197, %get3A_198] {strides = array<i32>} : memref<128x128xf32, #tpu.memory_space<vmem>>, vector<1x16xf32>,
        %get3A_200 = vector.shape_cast %get3A_199 : vector<1x16xf32> to vector<16xf32>
        %mul3A_201 = arith.mulf %get3A_196, %gather3A_186 : vector<16xf32>
        %swap3A_202 = arith.index_cast %mul3A_106 : i32 to index
        %swap3A_203 = arith.constant 16 : index
        %swap3A_204 = tpu.vector_load %arg11[%swap3A_202, %swap3A_203] {strides = array<i32>} : memref<128x128xf32, #tpu.memory_space<vmem>>, vector<1x16xf32>,
        %swap3A_205 = vector.shape_cast %swap3A_204 : vector<1x16xf32> to vector<16xf32>
        %swap3A_206 = vector.shape_cast %mul3A_201 : vector<16xf32> to vector<1x16xf32>
        tpu.vector_store %arg11[%swap3A_202, %swap3A_203], %swap3A_206 {strides = array<i32>} : memref<128x128xf32, #tpu.memory_space<vmem>>, vector<1x16xf32>,
        %mul3A_207 = arith.mulf %get3A_200, %gather3A_192 : vector<16xf32>
        %swap3A_208 = arith.index_cast %add3A_110 : i32 to index
        %swap3A_209 = arith.constant 16 : index
        %swap3A_210 = tpu.vector_load %arg11[%swap3A_208, %swap3A_209] {strides = array<i32>} : memref<128x128xf32, #tpu.memory_space<vmem>>, vector<1x16xf32>,
        %swap3A_211 = vector.shape_cast %swap3A_210 : vector<1x16xf32> to vector<16xf32>
        %swap3A_212 = vector.shape_cast %mul3A_207 : vector<16xf32> to vector<1x16xf32>
        tpu.vector_store %arg11[%swap3A_208, %swap3A_209], %swap3A_212 {strides = array<i32>} : memref<128x128xf32, #tpu.memory_space<vmem>>, vector<1x16xf32>,
        %add3A_213 = arith.constant 4 : i32
        %add3A_214 = vector.broadcast %add3A_213 : i32 to vector<16xi32>
        %add3A_215 = arith.addi %shift_right_arithmetic3A_4, %add3A_214 : vector<16xi32>
        %broadcast_in_dim3A_216 = vector.shape_cast %add3A_215 : vector<16xi32> to vector<16x1xi32>
        %gather3A_217 = vector.shape_cast %broadcast_in_dim3A_216 : vector<16x1xi32> to vector<16xi32>
        %gather3A_218 = tpu.dynamic_gather %exp3A[%gather3A_217] in [0] : vector<16xf32>, vector<16xi32> -> vector<16xf32>
        %add3A_219 = arith.constant 8 : i32
        %add3A_220 = vector.broadcast %add3A_219 : i32 to vector<16xi32>
        %add3A_221 = arith.addi %add3A_215, %add3A_220 : vector<16xi32>
        %broadcast_in_dim3A_222 = vector.shape_cast %add3A_221 : vector<16xi32> to vector<16x1xi32>
        %gather3A_223 = vector.shape_cast %broadcast_in_dim3A_222 : vector<16x1xi32> to vector<16xi32>
        %gather3A_224 = tpu.dynamic_gather %exp3A[%gather3A_223] in [0] : vector<16xf32>, vector<16xi32> -> vector<16xf32>
        %get3A_225 = arith.index_cast %mul3A_106 : i32 to index
        %get3A_226 = arith.constant 32 : index
        %get3A_227 = tpu.vector_load %arg9[%get3A_225, %get3A_226] {strides = array<i32>} : memref<128x128xf32, #tpu.memory_space<vmem>>, vector<1x16xf32>,
        %get3A_228 = vector.shape_cast %get3A_227 : vector<1x16xf32> to vector<16xf32>
        %get3A_229 = arith.index_cast %add3A_110 : i32 to index
        %get3A_230 = arith.constant 32 : index
        %get3A_231 = tpu.vector_load %arg9[%get3A_229, %get3A_230] {strides = array<i32>} : memref<128x128xf32, #tpu.memory_space<vmem>>, vector<1x16xf32>,
        %get3A_232 = vector.shape_cast %get3A_231 : vector<1x16xf32> to vector<16xf32>
        %mul3A_233 = arith.mulf %get3A_228, %gather3A_218 : vector<16xf32>
        %swap3A_234 = arith.index_cast %mul3A_106 : i32 to index
        %swap3A_235 = arith.constant 32 : index
        %swap3A_236 = tpu.vector_load %arg11[%swap3A_234, %swap3A_235] {strides = array<i32>} : memref<128x128xf32, #tpu.memory_space<vmem>>, vector<1x16xf32>,
        %swap3A_237 = vector.shape_cast %swap3A_236 : vector<1x16xf32> to vector<16xf32>
        %swap3A_238 = vector.shape_cast %mul3A_233 : vector<16xf32> to vector<1x16xf32>
        tpu.vector_store %arg11[%swap3A_234, %swap3A_235], %swap3A_238 {strides = array<i32>} : memref<128x128xf32, #tpu.memory_space<vmem>>, vector<1x16xf32>,
        %mul3A_239 = arith.mulf %get3A_232, %gather3A_224 : vector<16xf32>
        %swap3A_240 = arith.index_cast %add3A_110 : i32 to index
        %swap3A_241 = arith.constant 32 : index
        %swap3A_242 = tpu.vector_load %arg11[%swap3A_240, %swap3A_241] {strides = array<i32>} : memref<128x128xf32, #tpu.memory_space<vmem>>, vector<1x16xf32>,
        %swap3A_243 = vector.shape_cast %swap3A_242 : vector<1x16xf32> to vector<16xf32>
        %swap3A_244 = vector.shape_cast %mul3A_239 : vector<16xf32> to vector<1x16xf32>
        tpu.vector_store %arg11[%swap3A_240, %swap3A_241], %swap3A_244 {strides = array<i32>} : memref<128x128xf32, #tpu.memory_space<vmem>>, vector<1x16xf32>,
        %add3A_245 = arith.constant 6 : i32
        %add3A_246 = vector.broadcast %add3A_245 : i32 to vector<16xi32>
        %add3A_247 = arith.addi %shift_right_arithmetic3A_4, %add3A_246 : vector<16xi32>
        %broadcast_in_dim3A_248 = vector.shape_cast %add3A_247 : vector<16xi32> to vector<16x1xi32>
        %gather3A_249 = vector.shape_cast %broadcast_in_dim3A_248 : vector<16x1xi32> to vector<16xi32>
        %gather3A_250 = tpu.dynamic_gather %exp3A[%gather3A_249] in [0] : vector<16xf32>, vector<16xi32> -> vector<16xf32>
        %add3A_251 = arith.constant 8 : i32
        %add3A_252 = vector.broadcast %add3A_251 : i32 to vector<16xi32>
        %add3A_253 = arith.addi %add3A_247, %add3A_252 : vector<16xi32>
        %broadcast_in_dim3A_254 = vector.shape_cast %add3A_253 : vector<16xi32> to vector<16x1xi32>
        %gather3A_255 = vector.shape_cast %broadcast_in_dim3A_254 : vector<16x1xi32> to vector<16xi32>
        %gather3A_256 = tpu.dynamic_gather %exp3A[%gather3A_255] in [0] : vector<16xf32>, vector<16xi32> -> vector<16xf32>
        %get3A_257 = arith.index_cast %mul3A_106 : i32 to index
        %get3A_258 = arith.constant 48 : index
        %get3A_259 = tpu.vector_load %arg9[%get3A_257, %get3A_258] {strides = array<i32>} : memref<128x128xf32, #tpu.memory_space<vmem>>, vector<1x16xf32>,
        %get3A_260 = vector.shape_cast %get3A_259 : vector<1x16xf32> to vector<16xf32>
        %get3A_261 = arith.index_cast %add3A_110 : i32 to index
        %get3A_262 = arith.constant 48 : index
        %get3A_263 = tpu.vector_load %arg9[%get3A_261, %get3A_262] {strides = array<i32>} : memref<128x128xf32, #tpu.memory_space<vmem>>, vector<1x16xf32>,
        %get3A_264 = vector.shape_cast %get3A_263 : vector<1x16xf32> to vector<16xf32>
        %mul3A_265 = arith.mulf %get3A_260, %gather3A_250 : vector<16xf32>
        %swap3A_266 = arith.index_cast %mul3A_106 : i32 to index
        %swap3A_267 = arith.constant 48 : index
        %swap3A_268 = tpu.vector_load %arg11[%swap3A_266, %swap3A_267] {strides = array<i32>} : memref<128x128xf32, #tpu.memory_space<vmem>>, vector<1x16xf32>,
        %swap3A_269 = vector.shape_cast %swap3A_268 : vector<1x16xf32> to vector<16xf32>
        %swap3A_270 = vector.shape_cast %mul3A_265 : vector<16xf32> to vector<1x16xf32>
        tpu.vector_store %arg11[%swap3A_266, %swap3A_267], %swap3A_270 {strides = array<i32>} : memref<128x128xf32, #tpu.memory_space<vmem>>, vector<1x16xf32>,
        %mul3A_271 = arith.mulf %get3A_264, %gather3A_256 : vector<16xf32>
        %swap3A_272 = arith.index_cast %add3A_110 : i32 to index
        %swap3A_273 = arith.constant 48 : index
        %swap3A_274 = tpu.vector_load %arg11[%swap3A_272, %swap3A_273] {strides = array<i32>} : memref<128x128xf32, #tpu.memory_space<vmem>>, vector<1x16xf32>,
        %swap3A_275 = vector.shape_cast %swap3A_274 : vector<1x16xf32> to vector<16xf32>
        %swap3A_276 = vector.shape_cast %mul3A_271 : vector<16xf32> to vector<1x16xf32>
        tpu.vector_store %arg11[%swap3A_272, %swap3A_273], %swap3A_276 {strides = array<i32>} : memref<128x128xf32, #tpu.memory_space<vmem>>, vector<1x16xf32>,
        %scan3A_277 = arith.constant 0 : i32
        scf.yield %scan3A_277 : i32
      }
      %scan3A_101 = arith.constant 64 : i32
      "tpu.region"() ({
        %run_scoped3A = tpu.sem_alloc : memref<!tpu.dma_semaphore, #tpu.memory_space<semaphore_mem>>
        %dma_start3A = arith.constant 0 : i32
        %dma_start3A_103 = arith.constant 0 : i32
        %dma_start3A_104 = tpu.memref_slice %arg12[%dma_start3A, %dma_start3A_103] : memref<10112x128xf32, #tpu.memory_space<vmem_shared>> -> memref<10112x128xf32, #tpu.memory_space<vmem_shared>>
        tpu.enqueue_indirect_dma source(%arg11 : memref<128x128xf32, #tpu.memory_space<vmem>>) target(%dma_start3A_104 : memref<10112x128xf32, #tpu.memory_space<vmem_shared>>) offsets(%arg8 : memref<128xi32, #tpu.memory_space<vmem>>) semaphore(%run_scoped3A : memref<!tpu.dma_semaphore, #tpu.memory_space<semaphore_mem>>) {add = true}
        %dma_wait3A = arith.constant 0 : i32
        %dma_wait3A_105 = arith.constant 0 : i32
        %dma_wait3A_106 = tpu.memref_slice %arg12[%dma_wait3A, %dma_wait3A_105] : memref<10112x128xf32, #tpu.memory_space<vmem_shared>> -> memref<10112x128xf32, #tpu.memory_space<vmem_shared>>
        tpu.wait_indirect_dma semaphore(%run_scoped3A : memref<!tpu.dma_semaphore, #tpu.memory_space<semaphore_mem>>) src(%arg11 : memref<128x128xf32, #tpu.memory_space<vmem>>) dst(%dma_wait3A_106 : memref<10112x128xf32, #tpu.memory_space<vmem_shared>>)
        tpu.yield
      }) : () -> ()
      %while3A_102 = arith.constant 0 : i32
      scf.yield %while3A_102 : i32
    }
    %while3A_51 = arith.constant 1 : i32
    %while3A_52 = scf.for %while3A_89 = %while3A_48 to %while3A_44 step %while3A_51 iter_args(%while3A_90 = %while3A_50) -> (i32)  : i32 {
      %mul3A_91 = arith.constant 32 : i32
      %mul3A_92 = arith.muli %mul3A_91, %while3A_89 : i32
      %add3A_93 = arith.addi %add3A, %mul3A_92 : i32
      %mul3A_94 = arith.constant 128 : i32
      %mul3A_95 = arith.muli %add3A_93, %mul3A_94 : i32
      %multiple_of3A = tpu.assume_multiple %mul3A_95, 128 : i32
      "tpu.region"() ({
        %run_scoped3A = tpu.sem_alloc : memref<!tpu.dma_semaphore, #tpu.memory_space<semaphore_mem>>
        %dma_start3A = tpu.memref_slice %arg2[%multiple_of3A] : memref<320000xi32, #tpu.memory_space<hbm>> -> memref<128xi32, #tpu.memory_space<hbm>>
        %dma_start3A_103 = tpu.memref_slice %arg2[%multiple_of3A] : memref<320000xi32, #tpu.memory_space<hbm>> -> memref<128xi32, #tpu.memory_space<hbm>>
        tpu.enqueue_dma source(%dma_start3A_103 : memref<128xi32, #tpu.memory_space<hbm>>) target(%arg7 : memref<128xi32, #tpu.memory_space<vmem>>) target_semaphore(%run_scoped3A : memref<!tpu.dma_semaphore, #tpu.memory_space<semaphore_mem>>)
        %dma_wait3A = tpu.memref_slice %arg2[%multiple_of3A] : memref<320000xi32, #tpu.memory_space<hbm>> -> memref<128xi32, #tpu.memory_space<hbm>>
        %dma_wait3A_104 = tpu.memref_slice %arg2[%multiple_of3A] : memref<320000xi32, #tpu.memory_space<hbm>> -> memref<128xi32, #tpu.memory_space<hbm>>
        tpu.wait_dma2 semaphore(%run_scoped3A : memref<!tpu.dma_semaphore, #tpu.memory_space<semaphore_mem>>) src(%dma_wait3A_104 : memref<128xi32, #tpu.memory_space<hbm>>) dst(%arg7 : memref<128xi32, #tpu.memory_space<vmem>>)
        tpu.yield
      }) : () -> ()
      "tpu.region"() ({
        %run_scoped3A = tpu.sem_alloc : memref<!tpu.dma_semaphore, #tpu.memory_space<semaphore_mem>>
        %dma_start3A = tpu.memref_slice %arg3[%multiple_of3A] : memref<320000xi32, #tpu.memory_space<hbm>> -> memref<128xi32, #tpu.memory_space<hbm>>
        %dma_start3A_103 = tpu.memref_slice %arg3[%multiple_of3A] : memref<320000xi32, #tpu.memory_space<hbm>> -> memref<128xi32, #tpu.memory_space<hbm>>
        tpu.enqueue_dma source(%dma_start3A_103 : memref<128xi32, #tpu.memory_space<hbm>>) target(%arg8 : memref<128xi32, #tpu.memory_space<vmem>>) target_semaphore(%run_scoped3A : memref<!tpu.dma_semaphore, #tpu.memory_space<semaphore_mem>>)
        %dma_wait3A = tpu.memref_slice %arg3[%multiple_of3A] : memref<320000xi32, #tpu.memory_space<hbm>> -> memref<128xi32, #tpu.memory_space<hbm>>
        %dma_wait3A_104 = tpu.memref_slice %arg3[%multiple_of3A] : memref<320000xi32, #tpu.memory_space<hbm>> -> memref<128xi32, #tpu.memory_space<hbm>>
        tpu.wait_dma2 semaphore(%run_scoped3A : memref<!tpu.dma_semaphore, #tpu.memory_space<semaphore_mem>>) src(%dma_wait3A_104 : memref<128xi32, #tpu.memory_space<hbm>>) dst(%arg8 : memref<128xi32, #tpu.memory_space<vmem>>)
        tpu.yield
      }) : () -> ()
      "tpu.region"() ({
        %run_scoped3A = tpu.sem_alloc : memref<!tpu.dma_semaphore, #tpu.memory_space<semaphore_mem>>
        %dma_start3A = arith.constant 0 : i32
        %dma_start3A_103 = arith.constant 0 : i32
        %dma_start3A_104 = tpu.memref_slice %arg4[%dma_start3A, %dma_start3A_103] : memref<10000x128xf32, #tpu.memory_space<hbm>> -> memref<10000x128xf32, #tpu.memory_space<hbm>>
        tpu.enqueue_indirect_dma source(%dma_start3A_104 : memref<10000x128xf32, #tpu.memory_space<hbm>>) target(%arg9 : memref<128x128xf32, #tpu.memory_space<vmem>>) offsets(%arg7 : memref<128xi32, #tpu.memory_space<vmem>>) semaphore(%run_scoped3A : memref<!tpu.dma_semaphore, #tpu.memory_space<semaphore_mem>>)
        %dma_wait3A = arith.constant 0 : i32
        %dma_wait3A_105 = arith.constant 0 : i32
        %dma_wait3A_106 = tpu.memref_slice %arg4[%dma_wait3A, %dma_wait3A_105] : memref<10000x128xf32, #tpu.memory_space<hbm>> -> memref<10000x128xf32, #tpu.memory_space<hbm>>
        tpu.wait_indirect_dma semaphore(%run_scoped3A : memref<!tpu.dma_semaphore, #tpu.memory_space<semaphore_mem>>) src(%dma_wait3A_106 : memref<10000x128xf32, #tpu.memory_space<hbm>>) dst(%arg9 : memref<128x128xf32, #tpu.memory_space<vmem>>)
        tpu.yield
      }) : () -> ()
      "tpu.region"() ({
        %run_scoped3A = tpu.sem_alloc : memref<!tpu.dma_semaphore, #tpu.memory_space<semaphore_mem>>
        %dma_start3A = arith.constant 0 : i32
        %dma_start3A_103 = arith.constant 0 : i32
        %dma_start3A_104 = tpu.memref_slice %arg4[%dma_start3A, %dma_start3A_103] : memref<10000x128xf32, #tpu.memory_space<hbm>> -> memref<10000x128xf32, #tpu.memory_space<hbm>>
        tpu.enqueue_indirect_dma source(%dma_start3A_104 : memref<10000x128xf32, #tpu.memory_space<hbm>>) target(%arg10 : memref<128x128xf32, #tpu.memory_space<vmem>>) offsets(%arg8 : memref<128xi32, #tpu.memory_space<vmem>>) semaphore(%run_scoped3A : memref<!tpu.dma_semaphore, #tpu.memory_space<semaphore_mem>>)
        %dma_wait3A = arith.constant 0 : i32
        %dma_wait3A_105 = arith.constant 0 : i32
        %dma_wait3A_106 = tpu.memref_slice %arg4[%dma_wait3A, %dma_wait3A_105] : memref<10000x128xf32, #tpu.memory_space<hbm>> -> memref<10000x128xf32, #tpu.memory_space<hbm>>
        tpu.wait_indirect_dma semaphore(%run_scoped3A : memref<!tpu.dma_semaphore, #tpu.memory_space<semaphore_mem>>) src(%dma_wait3A_106 : memref<10000x128xf32, #tpu.memory_space<hbm>>) dst(%arg10 : memref<128x128xf32, #tpu.memory_space<vmem>>)
        tpu.yield
      }) : () -> ()
      %scan3A = arith.constant 0 : i32
      %scan3A_96 = arith.constant 0 : i32
      %scan3A_97 = arith.constant 64 : i32
      %scan3A_98 = arith.addi %scan3A_96, %scan3A_97 : i32
      %scan3A_99 = arith.constant 1 : i32
      %scan3A_100 = scf.for %scan3A_103 = %scan3A_96 to %scan3A_98 step %scan3A_99 iter_args(%scan3A_104 = %scan3A) -> (i32)  : i32 {
        %mul3A_105 = arith.constant 2 : i32
        %mul3A_106 = arith.muli %mul3A_105, %scan3A_103 : i32
        %mul3A_107 = arith.constant 2 : i32
        %mul3A_108 = arith.muli %mul3A_107, %scan3A_103 : i32
        %add3A_109 = arith.constant 1 : i32
        %add3A_110 = arith.addi %mul3A_108, %add3A_109 : i32
        %get3A = arith.index_cast %add3A_110 : i32 to index
        %get3A_111 = arith.constant 56 : index
        %get3A_112 = tpu.vector_load %arg9[%get3A, %get3A_111] {strides = array<i32>} : memref<128x128xf32, #tpu.memory_space<vmem>>, vector<1x16xf32>,
        %get3A_113 = vector.shape_cast %get3A_112 : vector<1x16xf32> to vector<16xf32>
        %get3A_114 = arith.index_cast %mul3A_106 : i32 to index
        %get3A_115 = arith.constant 64 : index
        %get3A_116 = tpu.vector_load %arg9[%get3A_114, %get3A_115] {strides = array<i32>} : memref<128x128xf32, #tpu.memory_space<vmem>>, vector<1x16xf32>,
        %get3A_117 = vector.shape_cast %get3A_116 : vector<1x16xf32> to vector<16xf32>
        %select_n3A_118 = arith.select %eq3A_6, %get3A_113, %get3A_117 : vector<16xi1>, vector<16xf32>
        %get3A_119 = arith.index_cast %add3A_110 : i32 to index
        %get3A_120 = arith.constant 72 : index
        %get3A_121 = tpu.vector_load %arg10[%get3A_119, %get3A_120] {strides = array<i32>} : memref<128x128xf32, #tpu.memory_space<vmem>>, vector<1x16xf32>,
        %get3A_122 = vector.shape_cast %get3A_121 : vector<1x16xf32> to vector<16xf32>
        %get3A_123 = arith.index_cast %mul3A_106 : i32 to index
        %get3A_124 = arith.constant 80 : index
        %get3A_125 = tpu.vector_load %arg10[%get3A_123, %get3A_124] {strides = array<i32>} : memref<128x128xf32, #tpu.memory_space<vmem>>, vector<1x16xf32>,
        %get3A_126 = vector.shape_cast %get3A_125 : vector<1x16xf32> to vector<16xf32>
        %select_n3A_127 = arith.select %eq3A_6, %get3A_122, %get3A_126 : vector<16xi1>, vector<16xf32>
        %get3A_128 = arith.index_cast %add3A_110 : i32 to index
        %get3A_129 = arith.constant 80 : index
        %get3A_130 = tpu.vector_load %arg10[%get3A_128, %get3A_129] {strides = array<i32>} : memref<128x128xf32, #tpu.memory_space<vmem>>, vector<1x16xf32>,
        %get3A_131 = vector.shape_cast %get3A_130 : vector<1x16xf32> to vector<16xf32>
        %get3A_132 = arith.index_cast %mul3A_106 : i32 to index
        %get3A_133 = arith.constant 88 : index
        %get3A_134 = tpu.vector_load %arg10[%get3A_132, %get3A_133] {strides = array<i32>} : memref<128x128xf32, #tpu.memory_space<vmem>>, vector<1x16xf32>,
        %get3A_135 = vector.shape_cast %get3A_134 : vector<1x16xf32> to vector<16xf32>
        %select_n3A_136 = arith.select %eq3A_6, %get3A_131, %get3A_135 : vector<16xi1>, vector<16xf32>
        %add3A_137 = arith.addf %select_n3A_118, %select_n3A_127 : vector<16xf32>
        %add3A_138 = arith.addf %select_n3A_118, %select_n3A_136 : vector<16xf32>
        %mul3A_139 = arith.constant 2.000000e-01 : f32
        %mul3A_140 = vector.broadcast %mul3A_139 : f32 to vector<16xf32>
        %mul3A_141 = arith.mulf %mul3A_140, %add3A_138 : vector<16xf32>
        %max3A = arith.maximumf %add3A_137, %mul3A_141 : vector<16xf32>
        %exp3A = math.exp %max3A : vector<16xf32>
        %swap3A = arith.index_cast %mul3A_106 : i32 to index
        %swap3A_142 = arith.constant 64 : index
        %swap3A_143 = tpu.vector_load %arg11[%swap3A, %swap3A_142] {strides = array<i32>} : memref<128x128xf32, #tpu.memory_space<vmem>>, vector<1x16xf32>,
        %swap3A_144 = vector.shape_cast %swap3A_143 : vector<1x16xf32> to vector<16xf32>
        %swap3A_145 = vector.shape_cast %exp3A : vector<16xf32> to vector<1x16xf32>
        tpu.vector_store %arg11[%swap3A, %swap3A_142], %swap3A_145 {strides = array<i32>} : memref<128x128xf32, #tpu.memory_space<vmem>>, vector<1x16xf32>,
        %swap3A_146 = arith.index_cast %add3A_110 : i32 to index
        %swap3A_147 = arith.constant 56 : index
        %swap3A_148 = tpu.vector_load %arg11[%swap3A_146, %swap3A_147] {strides = array<i32>} : memref<128x128xf32, #tpu.memory_space<vmem>>, vector<1x16xf32>,
        %swap3A_149 = vector.shape_cast %swap3A_148 : vector<1x16xf32> to vector<16xf32>
        %swap3A_150 = vector.shape_cast %exp3A : vector<16xf32> to vector<1x16xf32>
        tpu.vector_store %arg11[%swap3A_146, %swap3A_147], %swap3A_150 {strides = array<i32>} : memref<128x128xf32, #tpu.memory_space<vmem>>, vector<1x16xf32>,
        %add3A_151 = arith.constant 0 : i32
        %add3A_152 = vector.broadcast %add3A_151 : i32 to vector<16xi32>
        %add3A_153 = arith.addi %shift_right_arithmetic3A_4, %add3A_152 : vector<16xi32>
        %broadcast_in_dim3A = vector.shape_cast %add3A_153 : vector<16xi32> to vector<16x1xi32>
        %gather3A = vector.shape_cast %broadcast_in_dim3A : vector<16x1xi32> to vector<16xi32>
        %gather3A_154 = tpu.dynamic_gather %exp3A[%gather3A] in [0] : vector<16xf32>, vector<16xi32> -> vector<16xf32>
        %add3A_155 = arith.constant 8 : i32
        %add3A_156 = vector.broadcast %add3A_155 : i32 to vector<16xi32>
        %add3A_157 = arith.addi %add3A_153, %add3A_156 : vector<16xi32>
        %broadcast_in_dim3A_158 = vector.shape_cast %add3A_157 : vector<16xi32> to vector<16x1xi32>
        %gather3A_159 = vector.shape_cast %broadcast_in_dim3A_158 : vector<16x1xi32> to vector<16xi32>
        %gather3A_160 = tpu.dynamic_gather %exp3A[%gather3A_159] in [0] : vector<16xf32>, vector<16xi32> -> vector<16xf32>
        %get3A_161 = arith.index_cast %mul3A_106 : i32 to index
        %get3A_162 = arith.constant 0 : index
        %get3A_163 = tpu.vector_load %arg9[%get3A_161, %get3A_162] {strides = array<i32>} : memref<128x128xf32, #tpu.memory_space<vmem>>, vector<1x16xf32>,
        %get3A_164 = vector.shape_cast %get3A_163 : vector<1x16xf32> to vector<16xf32>
        %get3A_165 = arith.index_cast %add3A_110 : i32 to index
        %get3A_166 = arith.constant 0 : index
        %get3A_167 = tpu.vector_load %arg9[%get3A_165, %get3A_166] {strides = array<i32>} : memref<128x128xf32, #tpu.memory_space<vmem>>, vector<1x16xf32>,
        %get3A_168 = vector.shape_cast %get3A_167 : vector<1x16xf32> to vector<16xf32>
        %mul3A_169 = arith.mulf %get3A_164, %gather3A_154 : vector<16xf32>
        %swap3A_170 = arith.index_cast %mul3A_106 : i32 to index
        %swap3A_171 = arith.constant 0 : index
        %swap3A_172 = tpu.vector_load %arg11[%swap3A_170, %swap3A_171] {strides = array<i32>} : memref<128x128xf32, #tpu.memory_space<vmem>>, vector<1x16xf32>,
        %swap3A_173 = vector.shape_cast %swap3A_172 : vector<1x16xf32> to vector<16xf32>
        %swap3A_174 = vector.shape_cast %mul3A_169 : vector<16xf32> to vector<1x16xf32>
        tpu.vector_store %arg11[%swap3A_170, %swap3A_171], %swap3A_174 {strides = array<i32>} : memref<128x128xf32, #tpu.memory_space<vmem>>, vector<1x16xf32>,
        %mul3A_175 = arith.mulf %get3A_168, %gather3A_160 : vector<16xf32>
        %swap3A_176 = arith.index_cast %add3A_110 : i32 to index
        %swap3A_177 = arith.constant 0 : index
        %swap3A_178 = tpu.vector_load %arg11[%swap3A_176, %swap3A_177] {strides = array<i32>} : memref<128x128xf32, #tpu.memory_space<vmem>>, vector<1x16xf32>,
        %swap3A_179 = vector.shape_cast %swap3A_178 : vector<1x16xf32> to vector<16xf32>
        %swap3A_180 = vector.shape_cast %mul3A_175 : vector<16xf32> to vector<1x16xf32>
        tpu.vector_store %arg11[%swap3A_176, %swap3A_177], %swap3A_180 {strides = array<i32>} : memref<128x128xf32, #tpu.memory_space<vmem>>, vector<1x16xf32>,
        %add3A_181 = arith.constant 2 : i32
        %add3A_182 = vector.broadcast %add3A_181 : i32 to vector<16xi32>
        %add3A_183 = arith.addi %shift_right_arithmetic3A_4, %add3A_182 : vector<16xi32>
        %broadcast_in_dim3A_184 = vector.shape_cast %add3A_183 : vector<16xi32> to vector<16x1xi32>
        %gather3A_185 = vector.shape_cast %broadcast_in_dim3A_184 : vector<16x1xi32> to vector<16xi32>
        %gather3A_186 = tpu.dynamic_gather %exp3A[%gather3A_185] in [0] : vector<16xf32>, vector<16xi32> -> vector<16xf32>
        %add3A_187 = arith.constant 8 : i32
        %add3A_188 = vector.broadcast %add3A_187 : i32 to vector<16xi32>
        %add3A_189 = arith.addi %add3A_183, %add3A_188 : vector<16xi32>
        %broadcast_in_dim3A_190 = vector.shape_cast %add3A_189 : vector<16xi32> to vector<16x1xi32>
        %gather3A_191 = vector.shape_cast %broadcast_in_dim3A_190 : vector<16x1xi32> to vector<16xi32>
        %gather3A_192 = tpu.dynamic_gather %exp3A[%gather3A_191] in [0] : vector<16xf32>, vector<16xi32> -> vector<16xf32>
        %get3A_193 = arith.index_cast %mul3A_106 : i32 to index
        %get3A_194 = arith.constant 16 : index
        %get3A_195 = tpu.vector_load %arg9[%get3A_193, %get3A_194] {strides = array<i32>} : memref<128x128xf32, #tpu.memory_space<vmem>>, vector<1x16xf32>,
        %get3A_196 = vector.shape_cast %get3A_195 : vector<1x16xf32> to vector<16xf32>
        %get3A_197 = arith.index_cast %add3A_110 : i32 to index
        %get3A_198 = arith.constant 16 : index
        %get3A_199 = tpu.vector_load %arg9[%get3A_197, %get3A_198] {strides = array<i32>} : memref<128x128xf32, #tpu.memory_space<vmem>>, vector<1x16xf32>,
        %get3A_200 = vector.shape_cast %get3A_199 : vector<1x16xf32> to vector<16xf32>
        %mul3A_201 = arith.mulf %get3A_196, %gather3A_186 : vector<16xf32>
        %swap3A_202 = arith.index_cast %mul3A_106 : i32 to index
        %swap3A_203 = arith.constant 16 : index
        %swap3A_204 = tpu.vector_load %arg11[%swap3A_202, %swap3A_203] {strides = array<i32>} : memref<128x128xf32, #tpu.memory_space<vmem>>, vector<1x16xf32>,
        %swap3A_205 = vector.shape_cast %swap3A_204 : vector<1x16xf32> to vector<16xf32>
        %swap3A_206 = vector.shape_cast %mul3A_201 : vector<16xf32> to vector<1x16xf32>
        tpu.vector_store %arg11[%swap3A_202, %swap3A_203], %swap3A_206 {strides = array<i32>} : memref<128x128xf32, #tpu.memory_space<vmem>>, vector<1x16xf32>,
        %mul3A_207 = arith.mulf %get3A_200, %gather3A_192 : vector<16xf32>
        %swap3A_208 = arith.index_cast %add3A_110 : i32 to index
        %swap3A_209 = arith.constant 16 : index
        %swap3A_210 = tpu.vector_load %arg11[%swap3A_208, %swap3A_209] {strides = array<i32>} : memref<128x128xf32, #tpu.memory_space<vmem>>, vector<1x16xf32>,
        %swap3A_211 = vector.shape_cast %swap3A_210 : vector<1x16xf32> to vector<16xf32>
        %swap3A_212 = vector.shape_cast %mul3A_207 : vector<16xf32> to vector<1x16xf32>
        tpu.vector_store %arg11[%swap3A_208, %swap3A_209], %swap3A_212 {strides = array<i32>} : memref<128x128xf32, #tpu.memory_space<vmem>>, vector<1x16xf32>,
        %add3A_213 = arith.constant 4 : i32
        %add3A_214 = vector.broadcast %add3A_213 : i32 to vector<16xi32>
        %add3A_215 = arith.addi %shift_right_arithmetic3A_4, %add3A_214 : vector<16xi32>
        %broadcast_in_dim3A_216 = vector.shape_cast %add3A_215 : vector<16xi32> to vector<16x1xi32>
        %gather3A_217 = vector.shape_cast %broadcast_in_dim3A_216 : vector<16x1xi32> to vector<16xi32>
        %gather3A_218 = tpu.dynamic_gather %exp3A[%gather3A_217] in [0] : vector<16xf32>, vector<16xi32> -> vector<16xf32>
        %add3A_219 = arith.constant 8 : i32
        %add3A_220 = vector.broadcast %add3A_219 : i32 to vector<16xi32>
        %add3A_221 = arith.addi %add3A_215, %add3A_220 : vector<16xi32>
        %broadcast_in_dim3A_222 = vector.shape_cast %add3A_221 : vector<16xi32> to vector<16x1xi32>
        %gather3A_223 = vector.shape_cast %broadcast_in_dim3A_222 : vector<16x1xi32> to vector<16xi32>
        %gather3A_224 = tpu.dynamic_gather %exp3A[%gather3A_223] in [0] : vector<16xf32>, vector<16xi32> -> vector<16xf32>
        %get3A_225 = arith.index_cast %mul3A_106 : i32 to index
        %get3A_226 = arith.constant 32 : index
        %get3A_227 = tpu.vector_load %arg9[%get3A_225, %get3A_226] {strides = array<i32>} : memref<128x128xf32, #tpu.memory_space<vmem>>, vector<1x16xf32>,
        %get3A_228 = vector.shape_cast %get3A_227 : vector<1x16xf32> to vector<16xf32>
        %get3A_229 = arith.index_cast %add3A_110 : i32 to index
        %get3A_230 = arith.constant 32 : index
        %get3A_231 = tpu.vector_load %arg9[%get3A_229, %get3A_230] {strides = array<i32>} : memref<128x128xf32, #tpu.memory_space<vmem>>, vector<1x16xf32>,
        %get3A_232 = vector.shape_cast %get3A_231 : vector<1x16xf32> to vector<16xf32>
        %mul3A_233 = arith.mulf %get3A_228, %gather3A_218 : vector<16xf32>
        %swap3A_234 = arith.index_cast %mul3A_106 : i32 to index
        %swap3A_235 = arith.constant 32 : index
        %swap3A_236 = tpu.vector_load %arg11[%swap3A_234, %swap3A_235] {strides = array<i32>} : memref<128x128xf32, #tpu.memory_space<vmem>>, vector<1x16xf32>,
        %swap3A_237 = vector.shape_cast %swap3A_236 : vector<1x16xf32> to vector<16xf32>
        %swap3A_238 = vector.shape_cast %mul3A_233 : vector<16xf32> to vector<1x16xf32>
        tpu.vector_store %arg11[%swap3A_234, %swap3A_235], %swap3A_238 {strides = array<i32>} : memref<128x128xf32, #tpu.memory_space<vmem>>, vector<1x16xf32>,
        %mul3A_239 = arith.mulf %get3A_232, %gather3A_224 : vector<16xf32>
        %swap3A_240 = arith.index_cast %add3A_110 : i32 to index
        %swap3A_241 = arith.constant 32 : index
        %swap3A_242 = tpu.vector_load %arg11[%swap3A_240, %swap3A_241] {strides = array<i32>} : memref<128x128xf32, #tpu.memory_space<vmem>>, vector<1x16xf32>,
        %swap3A_243 = vector.shape_cast %swap3A_242 : vector<1x16xf32> to vector<16xf32>
        %swap3A_244 = vector.shape_cast %mul3A_239 : vector<16xf32> to vector<1x16xf32>
        tpu.vector_store %arg11[%swap3A_240, %swap3A_241], %swap3A_244 {strides = array<i32>} : memref<128x128xf32, #tpu.memory_space<vmem>>, vector<1x16xf32>,
        %add3A_245 = arith.constant 6 : i32
        %add3A_246 = vector.broadcast %add3A_245 : i32 to vector<16xi32>
        %add3A_247 = arith.addi %shift_right_arithmetic3A_4, %add3A_246 : vector<16xi32>
        %broadcast_in_dim3A_248 = vector.shape_cast %add3A_247 : vector<16xi32> to vector<16x1xi32>
        %gather3A_249 = vector.shape_cast %broadcast_in_dim3A_248 : vector<16x1xi32> to vector<16xi32>
        %gather3A_250 = tpu.dynamic_gather %exp3A[%gather3A_249] in [0] : vector<16xf32>, vector<16xi32> -> vector<16xf32>
        %add3A_251 = arith.constant 8 : i32
        %add3A_252 = vector.broadcast %add3A_251 : i32 to vector<16xi32>
        %add3A_253 = arith.addi %add3A_247, %add3A_252 : vector<16xi32>
        %broadcast_in_dim3A_254 = vector.shape_cast %add3A_253 : vector<16xi32> to vector<16x1xi32>
        %gather3A_255 = vector.shape_cast %broadcast_in_dim3A_254 : vector<16x1xi32> to vector<16xi32>
        %gather3A_256 = tpu.dynamic_gather %exp3A[%gather3A_255] in [0] : vector<16xf32>, vector<16xi32> -> vector<16xf32>
        %get3A_257 = arith.index_cast %mul3A_106 : i32 to index
        %get3A_258 = arith.constant 48 : index
        %get3A_259 = tpu.vector_load %arg9[%get3A_257, %get3A_258] {strides = array<i32>} : memref<128x128xf32, #tpu.memory_space<vmem>>, vector<1x16xf32>,
        %get3A_260 = vector.shape_cast %get3A_259 : vector<1x16xf32> to vector<16xf32>
        %get3A_261 = arith.index_cast %add3A_110 : i32 to index
        %get3A_262 = arith.constant 48 : index
        %get3A_263 = tpu.vector_load %arg9[%get3A_261, %get3A_262] {strides = array<i32>} : memref<128x128xf32, #tpu.memory_space<vmem>>, vector<1x16xf32>,
        %get3A_264 = vector.shape_cast %get3A_263 : vector<1x16xf32> to vector<16xf32>
        %mul3A_265 = arith.mulf %get3A_260, %gather3A_250 : vector<16xf32>
        %swap3A_266 = arith.index_cast %mul3A_106 : i32 to index
        %swap3A_267 = arith.constant 48 : index
        %swap3A_268 = tpu.vector_load %arg11[%swap3A_266, %swap3A_267] {strides = array<i32>} : memref<128x128xf32, #tpu.memory_space<vmem>>, vector<1x16xf32>,
        %swap3A_269 = vector.shape_cast %swap3A_268 : vector<1x16xf32> to vector<16xf32>
        %swap3A_270 = vector.shape_cast %mul3A_265 : vector<16xf32> to vector<1x16xf32>
        tpu.vector_store %arg11[%swap3A_266, %swap3A_267], %swap3A_270 {strides = array<i32>} : memref<128x128xf32, #tpu.memory_space<vmem>>, vector<1x16xf32>,
        %mul3A_271 = arith.mulf %get3A_264, %gather3A_256 : vector<16xf32>
        %swap3A_272 = arith.index_cast %add3A_110 : i32 to index
        %swap3A_273 = arith.constant 48 : index
        %swap3A_274 = tpu.vector_load %arg11[%swap3A_272, %swap3A_273] {strides = array<i32>} : memref<128x128xf32, #tpu.memory_space<vmem>>, vector<1x16xf32>,
        %swap3A_275 = vector.shape_cast %swap3A_274 : vector<1x16xf32> to vector<16xf32>
        %swap3A_276 = vector.shape_cast %mul3A_271 : vector<16xf32> to vector<1x16xf32>
        tpu.vector_store %arg11[%swap3A_272, %swap3A_273], %swap3A_276 {strides = array<i32>} : memref<128x128xf32, #tpu.memory_space<vmem>>, vector<1x16xf32>,
        %scan3A_277 = arith.constant 0 : i32
        scf.yield %scan3A_277 : i32
      }
      %scan3A_101 = arith.constant 64 : i32
      "tpu.region"() ({
        %run_scoped3A = tpu.sem_alloc : memref<!tpu.dma_semaphore, #tpu.memory_space<semaphore_mem>>
        %dma_start3A = arith.constant 0 : i32
        %dma_start3A_103 = arith.constant 0 : i32
        %dma_start3A_104 = tpu.memref_slice %arg12[%dma_start3A, %dma_start3A_103] : memref<10112x128xf32, #tpu.memory_space<vmem_shared>> -> memref<10112x128xf32, #tpu.memory_space<vmem_shared>>
        tpu.enqueue_indirect_dma source(%arg11 : memref<128x128xf32, #tpu.memory_space<vmem>>) target(%dma_start3A_104 : memref<10112x128xf32, #tpu.memory_space<vmem_shared>>) offsets(%arg8 : memref<128xi32, #tpu.memory_space<vmem>>) semaphore(%run_scoped3A : memref<!tpu.dma_semaphore, #tpu.memory_space<semaphore_mem>>) {add = true}
        %dma_wait3A = arith.constant 0 : i32
        %dma_wait3A_105 = arith.constant 0 : i32
        %dma_wait3A_106 = tpu.memref_slice %arg12[%dma_wait3A, %dma_wait3A_105] : memref<10112x128xf32, #tpu.memory_space<vmem_shared>> -> memref<10112x128xf32, #tpu.memory_space<vmem_shared>>
        tpu.wait_indirect_dma semaphore(%run_scoped3A : memref<!tpu.dma_semaphore, #tpu.memory_space<semaphore_mem>>) src(%arg11 : memref<128x128xf32, #tpu.memory_space<vmem>>) dst(%dma_wait3A_106 : memref<10112x128xf32, #tpu.memory_space<vmem_shared>>)
        tpu.yield
      }) : () -> ()
      %while3A_102 = arith.constant 0 : i32
      scf.yield %while3A_102 : i32
    }
    %barrier3A_53 = arith.constant 0 : index
    tpu.barrier barrier_id(%barrier3A_53)
    %add3A_54 = arith.constant 0 : i32
    %add3A_55 = arith.addi %arg1, %add3A_54 : i32
    %lt3A_56 = arith.constant 79 : i32
    %lt3A_57 = arith.cmpi slt, %add3A_55, %lt3A_56 : i32
    %convert_element_type3A_58 = arith.extui %lt3A_57 : i1 to i32
    %cond3A_59 = arith.constant 0 : i32
    %cond3A_60 = arith.cmpi ne, %convert_element_type3A_58, %cond3A_59 : i32
    scf.if %cond3A_60 {
      %mul3A_89 = arith.constant 128 : i32
      %mul3A_90 = arith.muli %add3A_55, %mul3A_89 : i32
      %multiple_of3A = tpu.assume_multiple %mul3A_90, 128 : i32
      "tpu.region"() ({
        %run_scoped3A = tpu.sem_alloc : memref<!tpu.dma_semaphore, #tpu.memory_space<semaphore_mem>>
        %dma_start3A = arith.constant 0 : i32
        %dma_start3A_91 = tpu.memref_slice %arg12[%multiple_of3A, %dma_start3A] : memref<10112x128xf32, #tpu.memory_space<vmem_shared>> -> memref<128x128xf32, #tpu.memory_space<vmem_shared>>
        %dma_start3A_92 = arith.constant 0 : i32
        %dma_start3A_93 = tpu.memref_slice %arg12[%multiple_of3A, %dma_start3A_92] : memref<10112x128xf32, #tpu.memory_space<vmem_shared>> -> memref<128x128xf32, #tpu.memory_space<vmem_shared>>
        tpu.enqueue_dma source(%dma_start3A_93 : memref<128x128xf32, #tpu.memory_space<vmem_shared>>) target(%arg9 : memref<128x128xf32, #tpu.memory_space<vmem>>) target_semaphore(%run_scoped3A : memref<!tpu.dma_semaphore, #tpu.memory_space<semaphore_mem>>)
        %dma_wait3A = arith.constant 0 : i32
        %dma_wait3A_94 = tpu.memref_slice %arg12[%multiple_of3A, %dma_wait3A] : memref<10112x128xf32, #tpu.memory_space<vmem_shared>> -> memref<128x128xf32, #tpu.memory_space<vmem_shared>>
        %dma_wait3A_95 = arith.constant 0 : i32
        %dma_wait3A_96 = tpu.memref_slice %arg12[%multiple_of3A, %dma_wait3A_95] : memref<10112x128xf32, #tpu.memory_space<vmem_shared>> -> memref<128x128xf32, #tpu.memory_space<vmem_shared>>
        tpu.wait_dma2 semaphore(%run_scoped3A : memref<!tpu.dma_semaphore, #tpu.memory_space<semaphore_mem>>) src(%dma_wait3A_96 : memref<128x128xf32, #tpu.memory_space<vmem_shared>>) dst(%arg9 : memref<128x128xf32, #tpu.memory_space<vmem>>)
        tpu.yield
      }) : () -> ()
      "tpu.region"() ({
        %run_scoped3A = tpu.sem_alloc : memref<!tpu.dma_semaphore, #tpu.memory_space<semaphore_mem>>
        %dma_start3A = arith.constant 0 : i32
        %dma_start3A_91 = tpu.memref_slice %arg6[%arg0, %multiple_of3A, %dma_start3A] : memref<2x10112x128xf32, #tpu.memory_space<hbm>> -> memref<1x128x128xf32, #tpu.memory_space<hbm>>
        %dma_start3A_92 = tpu.memref_squeeze %dma_start3A_91 : memref<1x128x128xf32, #tpu.memory_space<hbm>> -> memref<128x128xf32, #tpu.memory_space<hbm>>
        %dma_start3A_93 = arith.constant 0 : i32
        %dma_start3A_94 = tpu.memref_slice %arg6[%arg0, %multiple_of3A, %dma_start3A_93] : memref<2x10112x128xf32, #tpu.memory_space<hbm>> -> memref<1x128x128xf32, #tpu.memory_space<hbm>>
        %dma_start3A_95 = tpu.memref_squeeze %dma_start3A_94 : memref<1x128x128xf32, #tpu.memory_space<hbm>> -> memref<128x128xf32, #tpu.memory_space<hbm>>
        tpu.enqueue_dma source(%arg9 : memref<128x128xf32, #tpu.memory_space<vmem>>) target(%dma_start3A_95 : memref<128x128xf32, #tpu.memory_space<hbm>>) target_semaphore(%run_scoped3A : memref<!tpu.dma_semaphore, #tpu.memory_space<semaphore_mem>>)
        %dma_wait3A = arith.constant 0 : i32
        %dma_wait3A_96 = tpu.memref_slice %arg6[%arg0, %multiple_of3A, %dma_wait3A] : memref<2x10112x128xf32, #tpu.memory_space<hbm>> -> memref<1x128x128xf32, #tpu.memory_space<hbm>>
        %dma_wait3A_97 = tpu.memref_squeeze %dma_wait3A_96 : memref<1x128x128xf32, #tpu.memory_space<hbm>> -> memref<128x128xf32, #tpu.memory_space<hbm>>
        %dma_wait3A_98 = arith.constant 0 : i32
        %dma_wait3A_99 = tpu.memref_slice %arg6[%arg0, %multiple_of3A, %dma_wait3A_98] : memref<2x10112x128xf32, #tpu.memory_space<hbm>> -> memref<1x128x128xf32, #tpu.memory_space<hbm>>
        %dma_wait3A_100 = tpu.memref_squeeze %dma_wait3A_99 : memref<1x128x128xf32, #tpu.memory_space<hbm>> -> memref<128x128xf32, #tpu.memory_space<hbm>>
        tpu.wait_dma2 semaphore(%run_scoped3A : memref<!tpu.dma_semaphore, #tpu.memory_space<semaphore_mem>>) src(%arg9 : memref<128x128xf32, #tpu.memory_space<vmem>>) dst(%dma_wait3A_100 : memref<128x128xf32, #tpu.memory_space<hbm>>)
        tpu.yield
      }) : () -> ()
    } else {
    }
    %add3A_61 = arith.constant 16 : i32
    %add3A_62 = arith.addi %arg1, %add3A_61 : i32
    %lt3A_63 = arith.constant 79 : i32
    %lt3A_64 = arith.cmpi slt, %add3A_62, %lt3A_63 : i32
    %convert_element_type3A_65 = arith.extui %lt3A_64 : i1 to i32
    %cond3A_66 = arith.constant 0 : i32
    %cond3A_67 = arith.cmpi ne, %convert_element_type3A_65, %cond3A_66 : i32
    scf.if %cond3A_67 {
      %mul3A_89 = arith.constant 128 : i32
      %mul3A_90 = arith.muli %add3A_62, %mul3A_89 : i32
      %multiple_of3A = tpu.assume_multiple %mul3A_90, 128 : i32
      "tpu.region"() ({
        %run_scoped3A = tpu.sem_alloc : memref<!tpu.dma_semaphore, #tpu.memory_space<semaphore_mem>>
        %dma_start3A = arith.constant 0 : i32
        %dma_start3A_91 = tpu.memref_slice %arg12[%multiple_of3A, %dma_start3A] : memref<10112x128xf32, #tpu.memory_space<vmem_shared>> -> memref<128x128xf32, #tpu.memory_space<vmem_shared>>
        %dma_start3A_92 = arith.constant 0 : i32
        %dma_start3A_93 = tpu.memref_slice %arg12[%multiple_of3A, %dma_start3A_92] : memref<10112x128xf32, #tpu.memory_space<vmem_shared>> -> memref<128x128xf32, #tpu.memory_space<vmem_shared>>
        tpu.enqueue_dma source(%dma_start3A_93 : memref<128x128xf32, #tpu.memory_space<vmem_shared>>) target(%arg9 : memref<128x128xf32, #tpu.memory_space<vmem>>) target_semaphore(%run_scoped3A : memref<!tpu.dma_semaphore, #tpu.memory_space<semaphore_mem>>)
        %dma_wait3A = arith.constant 0 : i32
        %dma_wait3A_94 = tpu.memref_slice %arg12[%multiple_of3A, %dma_wait3A] : memref<10112x128xf32, #tpu.memory_space<vmem_shared>> -> memref<128x128xf32, #tpu.memory_space<vmem_shared>>
        %dma_wait3A_95 = arith.constant 0 : i32
        %dma_wait3A_96 = tpu.memref_slice %arg12[%multiple_of3A, %dma_wait3A_95] : memref<10112x128xf32, #tpu.memory_space<vmem_shared>> -> memref<128x128xf32, #tpu.memory_space<vmem_shared>>
        tpu.wait_dma2 semaphore(%run_scoped3A : memref<!tpu.dma_semaphore, #tpu.memory_space<semaphore_mem>>) src(%dma_wait3A_96 : memref<128x128xf32, #tpu.memory_space<vmem_shared>>) dst(%arg9 : memref<128x128xf32, #tpu.memory_space<vmem>>)
        tpu.yield
      }) : () -> ()
      "tpu.region"() ({
        %run_scoped3A = tpu.sem_alloc : memref<!tpu.dma_semaphore, #tpu.memory_space<semaphore_mem>>
        %dma_start3A = arith.constant 0 : i32
        %dma_start3A_91 = tpu.memref_slice %arg6[%arg0, %multiple_of3A, %dma_start3A] : memref<2x10112x128xf32, #tpu.memory_space<hbm>> -> memref<1x128x128xf32, #tpu.memory_space<hbm>>
        %dma_start3A_92 = tpu.memref_squeeze %dma_start3A_91 : memref<1x128x128xf32, #tpu.memory_space<hbm>> -> memref<128x128xf32, #tpu.memory_space<hbm>>
        %dma_start3A_93 = arith.constant 0 : i32
        %dma_start3A_94 = tpu.memref_slice %arg6[%arg0, %multiple_of3A, %dma_start3A_93] : memref<2x10112x128xf32, #tpu.memory_space<hbm>> -> memref<1x128x128xf32, #tpu.memory_space<hbm>>
        %dma_start3A_95 = tpu.memref_squeeze %dma_start3A_94 : memref<1x128x128xf32, #tpu.memory_space<hbm>> -> memref<128x128xf32, #tpu.memory_space<hbm>>
        tpu.enqueue_dma source(%arg9 : memref<128x128xf32, #tpu.memory_space<vmem>>) target(%dma_start3A_95 : memref<128x128xf32, #tpu.memory_space<hbm>>) target_semaphore(%run_scoped3A : memref<!tpu.dma_semaphore, #tpu.memory_space<semaphore_mem>>)
        %dma_wait3A = arith.constant 0 : i32
        %dma_wait3A_96 = tpu.memref_slice %arg6[%arg0, %multiple_of3A, %dma_wait3A] : memref<2x10112x128xf32, #tpu.memory_space<hbm>> -> memref<1x128x128xf32, #tpu.memory_space<hbm>>
        %dma_wait3A_97 = tpu.memref_squeeze %dma_wait3A_96 : memref<1x128x128xf32, #tpu.memory_space<hbm>> -> memref<128x128xf32, #tpu.memory_space<hbm>>
        %dma_wait3A_98 = arith.constant 0 : i32
        %dma_wait3A_99 = tpu.memref_slice %arg6[%arg0, %multiple_of3A, %dma_wait3A_98] : memref<2x10112x128xf32, #tpu.memory_space<hbm>> -> memref<1x128x128xf32, #tpu.memory_space<hbm>>
        %dma_wait3A_100 = tpu.memref_squeeze %dma_wait3A_99 : memref<1x128x128xf32, #tpu.memory_space<hbm>> -> memref<128x128xf32, #tpu.memory_space<hbm>>
        tpu.wait_dma2 semaphore(%run_scoped3A : memref<!tpu.dma_semaphore, #tpu.memory_space<semaphore_mem>>) src(%arg9 : memref<128x128xf32, #tpu.memory_space<vmem>>) dst(%dma_wait3A_100 : memref<128x128xf32, #tpu.memory_space<hbm>>)
        tpu.yield
      }) : () -> ()
    } else {
    }
    %add3A_68 = arith.constant 32 : i32
    %add3A_69 = arith.addi %arg1, %add3A_68 : i32
    %lt3A_70 = arith.constant 79 : i32
    %lt3A_71 = arith.cmpi slt, %add3A_69, %lt3A_70 : i32
    %convert_element_type3A_72 = arith.extui %lt3A_71 : i1 to i32
    %cond3A_73 = arith.constant 0 : i32
    %cond3A_74 = arith.cmpi ne, %convert_element_type3A_72, %cond3A_73 : i32
    scf.if %cond3A_74 {
      %mul3A_89 = arith.constant 128 : i32
      %mul3A_90 = arith.muli %add3A_69, %mul3A_89 : i32
      %multiple_of3A = tpu.assume_multiple %mul3A_90, 128 : i32
      "tpu.region"() ({
        %run_scoped3A = tpu.sem_alloc : memref<!tpu.dma_semaphore, #tpu.memory_space<semaphore_mem>>
        %dma_start3A = arith.constant 0 : i32
        %dma_start3A_91 = tpu.memref_slice %arg12[%multiple_of3A, %dma_start3A] : memref<10112x128xf32, #tpu.memory_space<vmem_shared>> -> memref<128x128xf32, #tpu.memory_space<vmem_shared>>
        %dma_start3A_92 = arith.constant 0 : i32
        %dma_start3A_93 = tpu.memref_slice %arg12[%multiple_of3A, %dma_start3A_92] : memref<10112x128xf32, #tpu.memory_space<vmem_shared>> -> memref<128x128xf32, #tpu.memory_space<vmem_shared>>
        tpu.enqueue_dma source(%dma_start3A_93 : memref<128x128xf32, #tpu.memory_space<vmem_shared>>) target(%arg9 : memref<128x128xf32, #tpu.memory_space<vmem>>) target_semaphore(%run_scoped3A : memref<!tpu.dma_semaphore, #tpu.memory_space<semaphore_mem>>)
        %dma_wait3A = arith.constant 0 : i32
        %dma_wait3A_94 = tpu.memref_slice %arg12[%multiple_of3A, %dma_wait3A] : memref<10112x128xf32, #tpu.memory_space<vmem_shared>> -> memref<128x128xf32, #tpu.memory_space<vmem_shared>>
        %dma_wait3A_95 = arith.constant 0 : i32
        %dma_wait3A_96 = tpu.memref_slice %arg12[%multiple_of3A, %dma_wait3A_95] : memref<10112x128xf32, #tpu.memory_space<vmem_shared>> -> memref<128x128xf32, #tpu.memory_space<vmem_shared>>
        tpu.wait_dma2 semaphore(%run_scoped3A : memref<!tpu.dma_semaphore, #tpu.memory_space<semaphore_mem>>) src(%dma_wait3A_96 : memref<128x128xf32, #tpu.memory_space<vmem_shared>>) dst(%arg9 : memref<128x128xf32, #tpu.memory_space<vmem>>)
        tpu.yield
      }) : () -> ()
      "tpu.region"() ({
        %run_scoped3A = tpu.sem_alloc : memref<!tpu.dma_semaphore, #tpu.memory_space<semaphore_mem>>
        %dma_start3A = arith.constant 0 : i32
        %dma_start3A_91 = tpu.memref_slice %arg6[%arg0, %multiple_of3A, %dma_start3A] : memref<2x10112x128xf32, #tpu.memory_space<hbm>> -> memref<1x128x128xf32, #tpu.memory_space<hbm>>
        %dma_start3A_92 = tpu.memref_squeeze %dma_start3A_91 : memref<1x128x128xf32, #tpu.memory_space<hbm>> -> memref<128x128xf32, #tpu.memory_space<hbm>>
        %dma_start3A_93 = arith.constant 0 : i32
        %dma_start3A_94 = tpu.memref_slice %arg6[%arg0, %multiple_of3A, %dma_start3A_93] : memref<2x10112x128xf32, #tpu.memory_space<hbm>> -> memref<1x128x128xf32, #tpu.memory_space<hbm>>
        %dma_start3A_95 = tpu.memref_squeeze %dma_start3A_94 : memref<1x128x128xf32, #tpu.memory_space<hbm>> -> memref<128x128xf32, #tpu.memory_space<hbm>>
        tpu.enqueue_dma source(%arg9 : memref<128x128xf32, #tpu.memory_space<vmem>>) target(%dma_start3A_95 : memref<128x128xf32, #tpu.memory_space<hbm>>) target_semaphore(%run_scoped3A : memref<!tpu.dma_semaphore, #tpu.memory_space<semaphore_mem>>)
        %dma_wait3A = arith.constant 0 : i32
        %dma_wait3A_96 = tpu.memref_slice %arg6[%arg0, %multiple_of3A, %dma_wait3A] : memref<2x10112x128xf32, #tpu.memory_space<hbm>> -> memref<1x128x128xf32, #tpu.memory_space<hbm>>
        %dma_wait3A_97 = tpu.memref_squeeze %dma_wait3A_96 : memref<1x128x128xf32, #tpu.memory_space<hbm>> -> memref<128x128xf32, #tpu.memory_space<hbm>>
        %dma_wait3A_98 = arith.constant 0 : i32
        %dma_wait3A_99 = tpu.memref_slice %arg6[%arg0, %multiple_of3A, %dma_wait3A_98] : memref<2x10112x128xf32, #tpu.memory_space<hbm>> -> memref<1x128x128xf32, #tpu.memory_space<hbm>>
        %dma_wait3A_100 = tpu.memref_squeeze %dma_wait3A_99 : memref<1x128x128xf32, #tpu.memory_space<hbm>> -> memref<128x128xf32, #tpu.memory_space<hbm>>
        tpu.wait_dma2 semaphore(%run_scoped3A : memref<!tpu.dma_semaphore, #tpu.memory_space<semaphore_mem>>) src(%arg9 : memref<128x128xf32, #tpu.memory_space<vmem>>) dst(%dma_wait3A_100 : memref<128x128xf32, #tpu.memory_space<hbm>>)
        tpu.yield
      }) : () -> ()
    } else {
    }
    %add3A_75 = arith.constant 48 : i32
    %add3A_76 = arith.addi %arg1, %add3A_75 : i32
    %lt3A_77 = arith.constant 79 : i32
    %lt3A_78 = arith.cmpi slt, %add3A_76, %lt3A_77 : i32
    %convert_element_type3A_79 = arith.extui %lt3A_78 : i1 to i32
    %cond3A_80 = arith.constant 0 : i32
    %cond3A_81 = arith.cmpi ne, %convert_element_type3A_79, %cond3A_80 : i32
    scf.if %cond3A_81 {
      %mul3A_89 = arith.constant 128 : i32
      %mul3A_90 = arith.muli %add3A_76, %mul3A_89 : i32
      %multiple_of3A = tpu.assume_multiple %mul3A_90, 128 : i32
      "tpu.region"() ({
        %run_scoped3A = tpu.sem_alloc : memref<!tpu.dma_semaphore, #tpu.memory_space<semaphore_mem>>
        %dma_start3A = arith.constant 0 : i32
        %dma_start3A_91 = tpu.memref_slice %arg12[%multiple_of3A, %dma_start3A] : memref<10112x128xf32, #tpu.memory_space<vmem_shared>> -> memref<128x128xf32, #tpu.memory_space<vmem_shared>>
        %dma_start3A_92 = arith.constant 0 : i32
        %dma_start3A_93 = tpu.memref_slice %arg12[%multiple_of3A, %dma_start3A_92] : memref<10112x128xf32, #tpu.memory_space<vmem_shared>> -> memref<128x128xf32, #tpu.memory_space<vmem_shared>>
        tpu.enqueue_dma source(%dma_start3A_93 : memref<128x128xf32, #tpu.memory_space<vmem_shared>>) target(%arg9 : memref<128x128xf32, #tpu.memory_space<vmem>>) target_semaphore(%run_scoped3A : memref<!tpu.dma_semaphore, #tpu.memory_space<semaphore_mem>>)
        %dma_wait3A = arith.constant 0 : i32
        %dma_wait3A_94 = tpu.memref_slice %arg12[%multiple_of3A, %dma_wait3A] : memref<10112x128xf32, #tpu.memory_space<vmem_shared>> -> memref<128x128xf32, #tpu.memory_space<vmem_shared>>
        %dma_wait3A_95 = arith.constant 0 : i32
        %dma_wait3A_96 = tpu.memref_slice %arg12[%multiple_of3A, %dma_wait3A_95] : memref<10112x128xf32, #tpu.memory_space<vmem_shared>> -> memref<128x128xf32, #tpu.memory_space<vmem_shared>>
        tpu.wait_dma2 semaphore(%run_scoped3A : memref<!tpu.dma_semaphore, #tpu.memory_space<semaphore_mem>>) src(%dma_wait3A_96 : memref<128x128xf32, #tpu.memory_space<vmem_shared>>) dst(%arg9 : memref<128x128xf32, #tpu.memory_space<vmem>>)
        tpu.yield
      }) : () -> ()
      "tpu.region"() ({
        %run_scoped3A = tpu.sem_alloc : memref<!tpu.dma_semaphore, #tpu.memory_space<semaphore_mem>>
        %dma_start3A = arith.constant 0 : i32
        %dma_start3A_91 = tpu.memref_slice %arg6[%arg0, %multiple_of3A, %dma_start3A] : memref<2x10112x128xf32, #tpu.memory_space<hbm>> -> memref<1x128x128xf32, #tpu.memory_space<hbm>>
        %dma_start3A_92 = tpu.memref_squeeze %dma_start3A_91 : memref<1x128x128xf32, #tpu.memory_space<hbm>> -> memref<128x128xf32, #tpu.memory_space<hbm>>
        %dma_start3A_93 = arith.constant 0 : i32
        %dma_start3A_94 = tpu.memref_slice %arg6[%arg0, %multiple_of3A, %dma_start3A_93] : memref<2x10112x128xf32, #tpu.memory_space<hbm>> -> memref<1x128x128xf32, #tpu.memory_space<hbm>>
        %dma_start3A_95 = tpu.memref_squeeze %dma_start3A_94 : memref<1x128x128xf32, #tpu.memory_space<hbm>> -> memref<128x128xf32, #tpu.memory_space<hbm>>
        tpu.enqueue_dma source(%arg9 : memref<128x128xf32, #tpu.memory_space<vmem>>) target(%dma_start3A_95 : memref<128x128xf32, #tpu.memory_space<hbm>>) target_semaphore(%run_scoped3A : memref<!tpu.dma_semaphore, #tpu.memory_space<semaphore_mem>>)
        %dma_wait3A = arith.constant 0 : i32
        %dma_wait3A_96 = tpu.memref_slice %arg6[%arg0, %multiple_of3A, %dma_wait3A] : memref<2x10112x128xf32, #tpu.memory_space<hbm>> -> memref<1x128x128xf32, #tpu.memory_space<hbm>>
        %dma_wait3A_97 = tpu.memref_squeeze %dma_wait3A_96 : memref<1x128x128xf32, #tpu.memory_space<hbm>> -> memref<128x128xf32, #tpu.memory_space<hbm>>
        %dma_wait3A_98 = arith.constant 0 : i32
        %dma_wait3A_99 = tpu.memref_slice %arg6[%arg0, %multiple_of3A, %dma_wait3A_98] : memref<2x10112x128xf32, #tpu.memory_space<hbm>> -> memref<1x128x128xf32, #tpu.memory_space<hbm>>
        %dma_wait3A_100 = tpu.memref_squeeze %dma_wait3A_99 : memref<1x128x128xf32, #tpu.memory_space<hbm>> -> memref<128x128xf32, #tpu.memory_space<hbm>>
        tpu.wait_dma2 semaphore(%run_scoped3A : memref<!tpu.dma_semaphore, #tpu.memory_space<semaphore_mem>>) src(%arg9 : memref<128x128xf32, #tpu.memory_space<vmem>>) dst(%dma_wait3A_100 : memref<128x128xf32, #tpu.memory_space<hbm>>)
        tpu.yield
      }) : () -> ()
    } else {
    }
    %add3A_82 = arith.constant 64 : i32
    %add3A_83 = arith.addi %arg1, %add3A_82 : i32
    %lt3A_84 = arith.constant 79 : i32
    %lt3A_85 = arith.cmpi slt, %add3A_83, %lt3A_84 : i32
    %convert_element_type3A_86 = arith.extui %lt3A_85 : i1 to i32
    %cond3A_87 = arith.constant 0 : i32
    %cond3A_88 = arith.cmpi ne, %convert_element_type3A_86, %cond3A_87 : i32
    scf.if %cond3A_88 {
      %mul3A_89 = arith.constant 128 : i32
      %mul3A_90 = arith.muli %add3A_83, %mul3A_89 : i32
      %multiple_of3A = tpu.assume_multiple %mul3A_90, 128 : i32
      "tpu.region"() ({
        %run_scoped3A = tpu.sem_alloc : memref<!tpu.dma_semaphore, #tpu.memory_space<semaphore_mem>>
        %dma_start3A = arith.constant 0 : i32
        %dma_start3A_91 = tpu.memref_slice %arg12[%multiple_of3A, %dma_start3A] : memref<10112x128xf32, #tpu.memory_space<vmem_shared>> -> memref<128x128xf32, #tpu.memory_space<vmem_shared>>
        %dma_start3A_92 = arith.constant 0 : i32
        %dma_start3A_93 = tpu.memref_slice %arg12[%multiple_of3A, %dma_start3A_92] : memref<10112x128xf32, #tpu.memory_space<vmem_shared>> -> memref<128x128xf32, #tpu.memory_space<vmem_shared>>
        tpu.enqueue_dma source(%dma_start3A_93 : memref<128x128xf32, #tpu.memory_space<vmem_shared>>) target(%arg9 : memref<128x128xf32, #tpu.memory_space<vmem>>) target_semaphore(%run_scoped3A : memref<!tpu.dma_semaphore, #tpu.memory_space<semaphore_mem>>)
        %dma_wait3A = arith.constant 0 : i32
        %dma_wait3A_94 = tpu.memref_slice %arg12[%multiple_of3A, %dma_wait3A] : memref<10112x128xf32, #tpu.memory_space<vmem_shared>> -> memref<128x128xf32, #tpu.memory_space<vmem_shared>>
        %dma_wait3A_95 = arith.constant 0 : i32
        %dma_wait3A_96 = tpu.memref_slice %arg12[%multiple_of3A, %dma_wait3A_95] : memref<10112x128xf32, #tpu.memory_space<vmem_shared>> -> memref<128x128xf32, #tpu.memory_space<vmem_shared>>
        tpu.wait_dma2 semaphore(%run_scoped3A : memref<!tpu.dma_semaphore, #tpu.memory_space<semaphore_mem>>) src(%dma_wait3A_96 : memref<128x128xf32, #tpu.memory_space<vmem_shared>>) dst(%arg9 : memref<128x128xf32, #tpu.memory_space<vmem>>)
        tpu.yield
      }) : () -> ()
      "tpu.region"() ({
        %run_scoped3A = tpu.sem_alloc : memref<!tpu.dma_semaphore, #tpu.memory_space<semaphore_mem>>
        %dma_start3A = arith.constant 0 : i32
        %dma_start3A_91 = tpu.memref_slice %arg6[%arg0, %multiple_of3A, %dma_start3A] : memref<2x10112x128xf32, #tpu.memory_space<hbm>> -> memref<1x128x128xf32, #tpu.memory_space<hbm>>
        %dma_start3A_92 = tpu.memref_squeeze %dma_start3A_91 : memref<1x128x128xf32, #tpu.memory_space<hbm>> -> memref<128x128xf32, #tpu.memory_space<hbm>>
        %dma_start3A_93 = arith.constant 0 : i32
        %dma_start3A_94 = tpu.memref_slice %arg6[%arg0, %multiple_of3A, %dma_start3A_93] : memref<2x10112x128xf32, #tpu.memory_space<hbm>> -> memref<1x128x128xf32, #tpu.memory_space<hbm>>
        %dma_start3A_95 = tpu.memref_squeeze %dma_start3A_94 : memref<1x128x128xf32, #tpu.memory_space<hbm>> -> memref<128x128xf32, #tpu.memory_space<hbm>>
        tpu.enqueue_dma source(%arg9 : memref<128x128xf32, #tpu.memory_space<vmem>>) target(%dma_start3A_95 : memref<128x128xf32, #tpu.memory_space<hbm>>) target_semaphore(%run_scoped3A : memref<!tpu.dma_semaphore, #tpu.memory_space<semaphore_mem>>)
        %dma_wait3A = arith.constant 0 : i32
        %dma_wait3A_96 = tpu.memref_slice %arg6[%arg0, %multiple_of3A, %dma_wait3A] : memref<2x10112x128xf32, #tpu.memory_space<hbm>> -> memref<1x128x128xf32, #tpu.memory_space<hbm>>
        %dma_wait3A_97 = tpu.memref_squeeze %dma_wait3A_96 : memref<1x128x128xf32, #tpu.memory_space<hbm>> -> memref<128x128xf32, #tpu.memory_space<hbm>>
        %dma_wait3A_98 = arith.constant 0 : i32
        %dma_wait3A_99 = tpu.memref_slice %arg6[%arg0, %multiple_of3A, %dma_wait3A_98] : memref<2x10112x128xf32, #tpu.memory_space<hbm>> -> memref<1x128x128xf32, #tpu.memory_space<hbm>>
        %dma_wait3A_100 = tpu.memref_squeeze %dma_wait3A_99 : memref<1x128x128xf32, #tpu.memory_space<hbm>> -> memref<128x128xf32, #tpu.memory_space<hbm>>
        tpu.wait_dma2 semaphore(%run_scoped3A : memref<!tpu.dma_semaphore, #tpu.memory_space<semaphore_mem>>) src(%arg9 : memref<128x128xf32, #tpu.memory_space<vmem>>) dst(%dma_wait3A_100 : memref<128x128xf32, #tpu.memory_space<hbm>>)
        tpu.yield
      }) : () -> ()
    } else {
    }
    return
  }
}

module attributes {stable_mosaic.version = 14 : i64} {
  func.func @_prep_body(%arg0: memref<10000x128xf32, #tpu.memory_space<vmem>>, %arg1: memref<128x64xf32, #tpu.memory_space<vmem>>, %arg2: memref<64x8xf32, #tpu.memory_space<vmem>>, %arg3: memref<64x8xf32, #tpu.memory_space<vmem>>, %arg4: memref<10000x128xf32, #tpu.memory_space<vmem>>) attributes {dimension_semantics = [], scalar_prefetch = 0 : i64, scratch_operands = 0 : i64, tpu.core_type = #tpu.core_type<tc>} {
    %get3A = arith.constant 0 : index
    %get3A_0 = arith.constant 0 : index
    %get3A_1 = vector.load %arg0[%get3A, %get3A_0] : memref<10000x128xf32, #tpu.memory_space<vmem>>, vector<10000x128xf32>
    %get3A_2 = arith.constant 0 : index
    %get3A_3 = arith.constant 0 : index
    %get3A_4 = vector.load %arg1[%get3A_2, %get3A_3] : memref<128x64xf32, #tpu.memory_space<vmem>>, vector<128x64xf32>
    %dot_general3A = arith.constant dense<0.000000e+00> : vector<10000x64xf32>
    %dot_general3A_5 = tpu.matmul %get3A_1, %get3A_4, %dot_general3A {dimension_numbers = #tpu.dot_dimension_numbers<[1], [0], [0], [1], [0, 0, 1, 1], [], []>, transpose_lhs_hint = false} : vector<10000x128xf32>, vector<128x64xf32>, vector<10000x64xf32> -> vector<10000x64xf32>
    %get3A_6 = arith.constant 0 : index
    %get3A_7 = arith.constant 0 : index
    %get3A_8 = vector.load %arg2[%get3A_6, %get3A_7] : memref<64x8xf32, #tpu.memory_space<vmem>>, vector<64x8xf32>
    %dot_general3A_9 = arith.constant dense<0.000000e+00> : vector<10000x8xf32>
    %dot_general3A_10 = tpu.matmul %dot_general3A_5, %get3A_8, %dot_general3A_9 {dimension_numbers = #tpu.dot_dimension_numbers<[1], [0], [0], [1], [0, 0, 1, 1], [], []>, transpose_lhs_hint = false} : vector<10000x64xf32>, vector<64x8xf32>, vector<10000x8xf32> -> vector<10000x8xf32>
    %get3A_11 = arith.constant 0 : index
    %get3A_12 = arith.constant 0 : index
    %get3A_13 = vector.load %arg3[%get3A_11, %get3A_12] : memref<64x8xf32, #tpu.memory_space<vmem>>, vector<64x8xf32>
    %dot_general3A_14 = arith.constant dense<0.000000e+00> : vector<10000x8xf32>
    %dot_general3A_15 = tpu.matmul %dot_general3A_5, %get3A_13, %dot_general3A_14 {dimension_numbers = #tpu.dot_dimension_numbers<[1], [0], [0], [1], [0, 0, 1, 1], [], []>, transpose_lhs_hint = false} : vector<10000x64xf32>, vector<64x8xf32>, vector<10000x8xf32> -> vector<10000x8xf32>
    %reduce_max3A = vector.shape_cast %dot_general3A_10 : vector<10000x8xf32> to vector<1x10000x8xf32>
    %reduce_max3A_16 = arith.constant dense<0xFF800000> : vector<1xf32>
    %reduce_max3A_17 = vector.multi_reduction <maximumf>, %reduce_max3A, %reduce_max3A_16 [1, 2] : vector<1x10000x8xf32> to vector<1xf32>
    %reduce_max3A_18 = vector.shape_cast %reduce_max3A_17 : vector<1xf32> to vector<1x1x1xf32>
    %reduce_max3A_19 = vector.extract %reduce_max3A_18[0, 0, 0] : f32 from vector<1x1x1xf32>
    %reduce_max3A_20 = vector.shape_cast %dot_general3A_15 : vector<10000x8xf32> to vector<1x10000x8xf32>
    %reduce_max3A_21 = arith.constant dense<0xFF800000> : vector<1xf32>
    %reduce_max3A_22 = vector.multi_reduction <maximumf>, %reduce_max3A_20, %reduce_max3A_21 [1, 2] : vector<1x10000x8xf32> to vector<1xf32>
    %reduce_max3A_23 = vector.shape_cast %reduce_max3A_22 : vector<1xf32> to vector<1x1x1xf32>
    %reduce_max3A_24 = vector.extract %reduce_max3A_23[0, 0, 0] : f32 from vector<1x1x1xf32>
    %add3A = arith.addf %reduce_max3A_19, %reduce_max3A_24 : f32
    %gt3A = arith.constant 0.000000e+00 : f32
    %gt3A_25 = arith.cmpf ogt, %add3A, %gt3A : f32
    %mul3A = arith.constant 2.000000e-01 : f32
    %mul3A_26 = arith.mulf %mul3A, %add3A : f32
    %select_n3A = arith.select %gt3A_25, %add3A, %mul3A_26 : f32
    %swap3A = arith.constant 0 : index
    %swap3A_27 = arith.constant 0 : index
    %swap3A_28 = vector.load %arg4[%swap3A, %swap3A_27] : memref<10000x128xf32, #tpu.memory_space<vmem>>, vector<10000x64xf32>
    tpu.vector_store %arg4[%swap3A, %swap3A_27], %dot_general3A_5 {strides = array<i32>} : memref<10000x128xf32, #tpu.memory_space<vmem>>, vector<10000x64xf32>,
    %swap3A_29 = arith.constant 0 : index
    %swap3A_30 = arith.constant 64 : index
    %swap3A_31 = vector.load %arg4[%swap3A_29, %swap3A_30] : memref<10000x128xf32, #tpu.memory_space<vmem>>, vector<10000x8xf32>
    tpu.vector_store %arg4[%swap3A_29, %swap3A_30], %dot_general3A_10 {strides = array<i32>} : memref<10000x128xf32, #tpu.memory_space<vmem>>, vector<10000x8xf32>,
    %broadcast_in_dim3A = arith.constant 0.000000e+00 : f32
    %broadcast_in_dim3A_32 = vector.broadcast %broadcast_in_dim3A : f32 to vector<10000x8xf32>
    %swap3A_33 = arith.constant 0 : index
    %swap3A_34 = arith.constant 72 : index
    %swap3A_35 = vector.load %arg4[%swap3A_33, %swap3A_34] : memref<10000x128xf32, #tpu.memory_space<vmem>>, vector<10000x8xf32>
    tpu.vector_store %arg4[%swap3A_33, %swap3A_34], %broadcast_in_dim3A_32 {strides = array<i32>} : memref<10000x128xf32, #tpu.memory_space<vmem>>, vector<10000x8xf32>,
    %sub3A = vector.broadcast %select_n3A : f32 to vector<10000x8xf32>
    %sub3A_36 = arith.subf %dot_general3A_15, %sub3A : vector<10000x8xf32>
    %swap3A_37 = arith.constant 0 : index
    %swap3A_38 = arith.constant 80 : index
    %swap3A_39 = vector.load %arg4[%swap3A_37, %swap3A_38] : memref<10000x128xf32, #tpu.memory_space<vmem>>, vector<10000x8xf32>
    tpu.vector_store %arg4[%swap3A_37, %swap3A_38], %sub3A_36 {strides = array<i32>} : memref<10000x128xf32, #tpu.memory_space<vmem>>, vector<10000x8xf32>,
    %mul3A_40 = arith.constant 5.000000e+00 : f32
    %mul3A_41 = arith.mulf %mul3A_40, %select_n3A : f32
    %sub3A_42 = vector.broadcast %mul3A_41 : f32 to vector<10000x8xf32>
    %sub3A_43 = arith.subf %dot_general3A_15, %sub3A_42 : vector<10000x8xf32>
    %swap3A_44 = arith.constant 0 : index
    %swap3A_45 = arith.constant 88 : index
    %swap3A_46 = vector.load %arg4[%swap3A_44, %swap3A_45] : memref<10000x128xf32, #tpu.memory_space<vmem>>, vector<10000x8xf32>
    tpu.vector_store %arg4[%swap3A_44, %swap3A_45], %sub3A_43 {strides = array<i32>} : memref<10000x128xf32, #tpu.memory_space<vmem>>, vector<10000x8xf32>,
    %broadcast_in_dim3A_47 = arith.constant 0.000000e+00 : f32
    %broadcast_in_dim3A_48 = vector.broadcast %broadcast_in_dim3A_47 : f32 to vector<10000x32xf32>
    %swap3A_49 = arith.constant 0 : index
    %swap3A_50 = arith.constant 96 : index
    %swap3A_51 = vector.load %arg4[%swap3A_49, %swap3A_50] : memref<10000x128xf32, #tpu.memory_space<vmem>>, vector<10000x32xf32>
    tpu.vector_store %arg4[%swap3A_49, %swap3A_50], %broadcast_in_dim3A_48 {strides = array<i32>} : memref<10000x128xf32, #tpu.memory_space<vmem>>, vector<10000x32xf32>,
    return
  }
}

module attributes {stable_mosaic.version = 14 : i64} {
  func.func @_combine_body(%arg0: memref<2x10112x128xf32, #tpu.memory_space<vmem>>, %arg1: memref<10000x128xf32, #tpu.memory_space<vmem>>, %arg2: memref<8x64xf32, #tpu.memory_space<vmem>>, %arg3: memref<64xf32, #tpu.memory_space<vmem>>, %arg4: memref<10000x64xf32, #tpu.memory_space<vmem>>) attributes {dimension_semantics = [], scalar_prefetch = 0 : i64, scratch_operands = 0 : i64, tpu.core_type = #tpu.core_type<tc>} {
    %get3A = arith.constant 0 : index
    %get3A_0 = arith.constant 0 : index
    %get3A_1 = arith.constant 0 : index
    %get3A_2 = vector.load %arg0[%get3A, %get3A_0, %get3A_1] : memref<2x10112x128xf32, #tpu.memory_space<vmem>>, vector<1x10000x64xf32>
    %get3A_3 = vector.shape_cast %get3A_2 : vector<1x10000x64xf32> to vector<10000x64xf32>
    %get3A_4 = arith.constant 1 : index
    %get3A_5 = arith.constant 0 : index
    %get3A_6 = arith.constant 0 : index
    %get3A_7 = vector.load %arg0[%get3A_4, %get3A_5, %get3A_6] : memref<2x10112x128xf32, #tpu.memory_space<vmem>>, vector<1x10000x64xf32>
    %get3A_8 = vector.shape_cast %get3A_7 : vector<1x10000x64xf32> to vector<10000x64xf32>
    %add3A = arith.addf %get3A_3, %get3A_8 : vector<10000x64xf32>
    %get3A_9 = arith.constant 0 : index
    %get3A_10 = arith.constant 0 : index
    %get3A_11 = arith.constant 64 : index
    %get3A_12 = vector.load %arg0[%get3A_9, %get3A_10, %get3A_11] : memref<2x10112x128xf32, #tpu.memory_space<vmem>>, vector<1x10000x8xf32>
    %get3A_13 = vector.shape_cast %get3A_12 : vector<1x10000x8xf32> to vector<10000x8xf32>
    %get3A_14 = arith.constant 1 : index
    %get3A_15 = arith.constant 0 : index
    %get3A_16 = arith.constant 64 : index
    %get3A_17 = vector.load %arg0[%get3A_14, %get3A_15, %get3A_16] : memref<2x10112x128xf32, #tpu.memory_space<vmem>>, vector<1x10000x8xf32>
    %get3A_18 = vector.shape_cast %get3A_17 : vector<1x10000x8xf32> to vector<10000x8xf32>
    %add3A_19 = arith.addf %get3A_13, %get3A_18 : vector<10000x8xf32>
    %get3A_20 = arith.constant 0 : index
    %get3A_21 = arith.constant 0 : index
    %get3A_22 = vector.load %arg1[%get3A_20, %get3A_21] : memref<10000x128xf32, #tpu.memory_space<vmem>>, vector<10000x64xf32>
    %get3A_23 = arith.constant 0 : index
    %get3A_24 = arith.constant 64 : index
    %get3A_25 = vector.load %arg1[%get3A_23, %get3A_24] : memref<10000x128xf32, #tpu.memory_space<vmem>>, vector<10000x8xf32>
    %get3A_26 = arith.constant 0 : index
    %get3A_27 = arith.constant 80 : index
    %get3A_28 = vector.load %arg1[%get3A_26, %get3A_27] : memref<10000x128xf32, #tpu.memory_space<vmem>>, vector<10000x8xf32>
    %get3A_29 = arith.constant 0 : index
    %get3A_30 = arith.constant 88 : index
    %get3A_31 = vector.load %arg1[%get3A_29, %get3A_30] : memref<10000x128xf32, #tpu.memory_space<vmem>>, vector<10000x8xf32>
    %add3A_32 = arith.addf %get3A_25, %get3A_28 : vector<10000x8xf32>
    %add3A_33 = arith.addf %get3A_25, %get3A_31 : vector<10000x8xf32>
    %mul3A = arith.constant 2.000000e-01 : f32
    %mul3A_34 = vector.broadcast %mul3A : f32 to vector<10000x8xf32>
    %mul3A_35 = arith.mulf %mul3A_34, %add3A_33 : vector<10000x8xf32>
    %max3A = arith.maximumf %add3A_32, %mul3A_35 : vector<10000x8xf32>
    %exp3A = math.exp %max3A : vector<10000x8xf32>
    %get3A_36 = arith.constant 0 : index
    %get3A_37 = arith.constant 0 : index
    %get3A_38 = vector.load %arg2[%get3A_36, %get3A_37] : memref<8x64xf32, #tpu.memory_space<vmem>>, vector<8x64xf32>
    %add3A_39 = arith.addf %add3A_19, %exp3A : vector<10000x8xf32>
    %dot_general3A = arith.constant dense<0.000000e+00> : vector<10000x64xf32>
    %dot_general3A_40 = tpu.matmul %add3A_39, %get3A_38, %dot_general3A {dimension_numbers = #tpu.dot_dimension_numbers<[1], [0], [0], [1], [0, 0, 1, 1], [], []>, transpose_lhs_hint = false} : vector<10000x8xf32>, vector<8x64xf32>, vector<10000x64xf32> -> vector<10000x64xf32>
    %dot_general3A_41 = arith.constant dense<0.000000e+00> : vector<10000x64xf32>
    %dot_general3A_42 = tpu.matmul %exp3A, %get3A_38, %dot_general3A_41 {dimension_numbers = #tpu.dot_dimension_numbers<[1], [0], [0], [1], [0, 0, 1, 1], [], []>, transpose_lhs_hint = false} : vector<10000x8xf32>, vector<8x64xf32>, vector<10000x64xf32> -> vector<10000x64xf32>
    %mul3A_43 = arith.mulf %get3A_22, %dot_general3A_42 : vector<10000x64xf32>
    %add3A_44 = arith.addf %add3A, %mul3A_43 : vector<10000x64xf32>
    %add3A_45 = arith.constant 1.000000e-16 : f32
    %add3A_46 = vector.broadcast %add3A_45 : f32 to vector<10000x64xf32>
    %add3A_47 = arith.addf %dot_general3A_40, %add3A_46 : vector<10000x64xf32>
    %div3A = arith.divf %add3A_44, %add3A_47 : vector<10000x64xf32>
    %get3A_48 = arith.constant 0 : index
    %get3A_49 = vector.load %arg3[%get3A_48] : memref<64xf32, #tpu.memory_space<vmem>>, vector<64xf32>
    %broadcast_in_dim3A = vector.shape_cast %get3A_49 : vector<64xf32> to vector<1x64xf32>
    %add3A_50 = vector.broadcast %broadcast_in_dim3A : vector<1x64xf32> to vector<10000x64xf32>
    %add3A_51 = arith.addf %div3A, %add3A_50 : vector<10000x64xf32>
    %gt3A = arith.constant 0.000000e+00 : f32
    %gt3A_52 = vector.broadcast %gt3A : f32 to vector<10000x64xf32>
    %gt3A_53 = arith.cmpf ogt, %add3A_51, %gt3A_52 : vector<10000x64xf32>
    %min3A = arith.constant 0.000000e+00 : f32
    %min3A_54 = vector.broadcast %min3A : f32 to vector<10000x64xf32>
    %min3A_55 = arith.minimumf %add3A_51, %min3A_54 : vector<10000x64xf32>
    %exp3A_56 = math.exp %min3A_55 : vector<10000x64xf32>
    %sub3A = arith.constant 1.000000e+00 : f32
    %sub3A_57 = vector.broadcast %sub3A : f32 to vector<10000x64xf32>
    %sub3A_58 = arith.subf %exp3A_56, %sub3A_57 : vector<10000x64xf32>
    %select_n3A = arith.select %gt3A_53, %add3A_51, %sub3A_58 : vector<10000x64xi1>, vector<10000x64xf32>
    %swap3A = arith.constant 0 : index
    %swap3A_59 = arith.constant 0 : index
    %swap3A_60 = vector.load %arg4[%swap3A, %swap3A_59] : memref<10000x64xf32, #tpu.memory_space<vmem>>, vector<10000x64xf32>
    tpu.vector_store %arg4[%swap3A, %swap3A_59], %select_n3A {strides = array<i32>} : memref<10000x64xf32, #tpu.memory_space<vmem>>, vector<10000x64xf32>,
    return
  }
}

module attributes {stable_mosaic.version = 14 : i64} {
  func.func @_prep_body(%arg0: memref<10000x64xf32, #tpu.memory_space<vmem>>, %arg1: memref<64x64xf32, #tpu.memory_space<vmem>>, %arg2: memref<64x8xf32, #tpu.memory_space<vmem>>, %arg3: memref<64x8xf32, #tpu.memory_space<vmem>>, %arg4: memref<10000x128xf32, #tpu.memory_space<vmem>>) attributes {dimension_semantics = [], scalar_prefetch = 0 : i64, scratch_operands = 0 : i64, tpu.core_type = #tpu.core_type<tc>} {
    %get3A = arith.constant 0 : index
    %get3A_0 = arith.constant 0 : index
    %get3A_1 = vector.load %arg0[%get3A, %get3A_0] : memref<10000x64xf32, #tpu.memory_space<vmem>>, vector<10000x64xf32>
    %get3A_2 = arith.constant 0 : index
    %get3A_3 = arith.constant 0 : index
    %get3A_4 = vector.load %arg1[%get3A_2, %get3A_3] : memref<64x64xf32, #tpu.memory_space<vmem>>, vector<64x64xf32>
    %dot_general3A = arith.constant dense<0.000000e+00> : vector<10000x64xf32>
    %dot_general3A_5 = tpu.matmul %get3A_1, %get3A_4, %dot_general3A {dimension_numbers = #tpu.dot_dimension_numbers<[1], [0], [0], [1], [0, 0, 1, 1], [], []>, transpose_lhs_hint = false} : vector<10000x64xf32>, vector<64x64xf32>, vector<10000x64xf32> -> vector<10000x64xf32>
    %get3A_6 = arith.constant 0 : index
    %get3A_7 = arith.constant 0 : index
    %get3A_8 = vector.load %arg2[%get3A_6, %get3A_7] : memref<64x8xf32, #tpu.memory_space<vmem>>, vector<64x8xf32>
    %dot_general3A_9 = arith.constant dense<0.000000e+00> : vector<10000x8xf32>
    %dot_general3A_10 = tpu.matmul %dot_general3A_5, %get3A_8, %dot_general3A_9 {dimension_numbers = #tpu.dot_dimension_numbers<[1], [0], [0], [1], [0, 0, 1, 1], [], []>, transpose_lhs_hint = false} : vector<10000x64xf32>, vector<64x8xf32>, vector<10000x8xf32> -> vector<10000x8xf32>
    %get3A_11 = arith.constant 0 : index
    %get3A_12 = arith.constant 0 : index
    %get3A_13 = vector.load %arg3[%get3A_11, %get3A_12] : memref<64x8xf32, #tpu.memory_space<vmem>>, vector<64x8xf32>
    %dot_general3A_14 = arith.constant dense<0.000000e+00> : vector<10000x8xf32>
    %dot_general3A_15 = tpu.matmul %dot_general3A_5, %get3A_13, %dot_general3A_14 {dimension_numbers = #tpu.dot_dimension_numbers<[1], [0], [0], [1], [0, 0, 1, 1], [], []>, transpose_lhs_hint = false} : vector<10000x64xf32>, vector<64x8xf32>, vector<10000x8xf32> -> vector<10000x8xf32>
    %reduce_max3A = vector.shape_cast %dot_general3A_10 : vector<10000x8xf32> to vector<1x10000x8xf32>
    %reduce_max3A_16 = arith.constant dense<0xFF800000> : vector<1xf32>
    %reduce_max3A_17 = vector.multi_reduction <maximumf>, %reduce_max3A, %reduce_max3A_16 [1, 2] : vector<1x10000x8xf32> to vector<1xf32>
    %reduce_max3A_18 = vector.shape_cast %reduce_max3A_17 : vector<1xf32> to vector<1x1x1xf32>
    %reduce_max3A_19 = vector.extract %reduce_max3A_18[0, 0, 0] : f32 from vector<1x1x1xf32>
    %reduce_max3A_20 = vector.shape_cast %dot_general3A_15 : vector<10000x8xf32> to vector<1x10000x8xf32>
    %reduce_max3A_21 = arith.constant dense<0xFF800000> : vector<1xf32>
    %reduce_max3A_22 = vector.multi_reduction <maximumf>, %reduce_max3A_20, %reduce_max3A_21 [1, 2] : vector<1x10000x8xf32> to vector<1xf32>
    %reduce_max3A_23 = vector.shape_cast %reduce_max3A_22 : vector<1xf32> to vector<1x1x1xf32>
    %reduce_max3A_24 = vector.extract %reduce_max3A_23[0, 0, 0] : f32 from vector<1x1x1xf32>
    %add3A = arith.addf %reduce_max3A_19, %reduce_max3A_24 : f32
    %gt3A = arith.constant 0.000000e+00 : f32
    %gt3A_25 = arith.cmpf ogt, %add3A, %gt3A : f32
    %mul3A = arith.constant 2.000000e-01 : f32
    %mul3A_26 = arith.mulf %mul3A, %add3A : f32
    %select_n3A = arith.select %gt3A_25, %add3A, %mul3A_26 : f32
    %swap3A = arith.constant 0 : index
    %swap3A_27 = arith.constant 0 : index
    %swap3A_28 = vector.load %arg4[%swap3A, %swap3A_27] : memref<10000x128xf32, #tpu.memory_space<vmem>>, vector<10000x64xf32>
    tpu.vector_store %arg4[%swap3A, %swap3A_27], %dot_general3A_5 {strides = array<i32>} : memref<10000x128xf32, #tpu.memory_space<vmem>>, vector<10000x64xf32>,
    %swap3A_29 = arith.constant 0 : index
    %swap3A_30 = arith.constant 64 : index
    %swap3A_31 = vector.load %arg4[%swap3A_29, %swap3A_30] : memref<10000x128xf32, #tpu.memory_space<vmem>>, vector<10000x8xf32>
    tpu.vector_store %arg4[%swap3A_29, %swap3A_30], %dot_general3A_10 {strides = array<i32>} : memref<10000x128xf32, #tpu.memory_space<vmem>>, vector<10000x8xf32>,
    %broadcast_in_dim3A = arith.constant 0.000000e+00 : f32
    %broadcast_in_dim3A_32 = vector.broadcast %broadcast_in_dim3A : f32 to vector<10000x8xf32>
    %swap3A_33 = arith.constant 0 : index
    %swap3A_34 = arith.constant 72 : index
    %swap3A_35 = vector.load %arg4[%swap3A_33, %swap3A_34] : memref<10000x128xf32, #tpu.memory_space<vmem>>, vector<10000x8xf32>
    tpu.vector_store %arg4[%swap3A_33, %swap3A_34], %broadcast_in_dim3A_32 {strides = array<i32>} : memref<10000x128xf32, #tpu.memory_space<vmem>>, vector<10000x8xf32>,
    %sub3A = vector.broadcast %select_n3A : f32 to vector<10000x8xf32>
    %sub3A_36 = arith.subf %dot_general3A_15, %sub3A : vector<10000x8xf32>
    %swap3A_37 = arith.constant 0 : index
    %swap3A_38 = arith.constant 80 : index
    %swap3A_39 = vector.load %arg4[%swap3A_37, %swap3A_38] : memref<10000x128xf32, #tpu.memory_space<vmem>>, vector<10000x8xf32>
    tpu.vector_store %arg4[%swap3A_37, %swap3A_38], %sub3A_36 {strides = array<i32>} : memref<10000x128xf32, #tpu.memory_space<vmem>>, vector<10000x8xf32>,
    %mul3A_40 = arith.constant 5.000000e+00 : f32
    %mul3A_41 = arith.mulf %mul3A_40, %select_n3A : f32
    %sub3A_42 = vector.broadcast %mul3A_41 : f32 to vector<10000x8xf32>
    %sub3A_43 = arith.subf %dot_general3A_15, %sub3A_42 : vector<10000x8xf32>
    %swap3A_44 = arith.constant 0 : index
    %swap3A_45 = arith.constant 88 : index
    %swap3A_46 = vector.load %arg4[%swap3A_44, %swap3A_45] : memref<10000x128xf32, #tpu.memory_space<vmem>>, vector<10000x8xf32>
    tpu.vector_store %arg4[%swap3A_44, %swap3A_45], %sub3A_43 {strides = array<i32>} : memref<10000x128xf32, #tpu.memory_space<vmem>>, vector<10000x8xf32>,
    %broadcast_in_dim3A_47 = arith.constant 0.000000e+00 : f32
    %broadcast_in_dim3A_48 = vector.broadcast %broadcast_in_dim3A_47 : f32 to vector<10000x32xf32>
    %swap3A_49 = arith.constant 0 : index
    %swap3A_50 = arith.constant 96 : index
    %swap3A_51 = vector.load %arg4[%swap3A_49, %swap3A_50] : memref<10000x128xf32, #tpu.memory_space<vmem>>, vector<10000x32xf32>
    tpu.vector_store %arg4[%swap3A_49, %swap3A_50], %broadcast_in_dim3A_48 {strides = array<i32>} : memref<10000x128xf32, #tpu.memory_space<vmem>>, vector<10000x32xf32>,
    return
  }
}

module attributes {stable_mosaic.version = 14 : i64} {
  func.func @_combine_body(%arg0: memref<2x10112x128xf32, #tpu.memory_space<vmem>>, %arg1: memref<10000x128xf32, #tpu.memory_space<vmem>>, %arg2: memref<8x64xf32, #tpu.memory_space<vmem>>, %arg3: memref<64xf32, #tpu.memory_space<vmem>>, %arg4: memref<10000x64xf32, #tpu.memory_space<vmem>>) attributes {dimension_semantics = [], scalar_prefetch = 0 : i64, scratch_operands = 0 : i64, tpu.core_type = #tpu.core_type<tc>} {
    %get3A = arith.constant 0 : index
    %get3A_0 = arith.constant 0 : index
    %get3A_1 = arith.constant 0 : index
    %get3A_2 = vector.load %arg0[%get3A, %get3A_0, %get3A_1] : memref<2x10112x128xf32, #tpu.memory_space<vmem>>, vector<1x10000x64xf32>
    %get3A_3 = vector.shape_cast %get3A_2 : vector<1x10000x64xf32> to vector<10000x64xf32>
    %get3A_4 = arith.constant 1 : index
    %get3A_5 = arith.constant 0 : index
    %get3A_6 = arith.constant 0 : index
    %get3A_7 = vector.load %arg0[%get3A_4, %get3A_5, %get3A_6] : memref<2x10112x128xf32, #tpu.memory_space<vmem>>, vector<1x10000x64xf32>
    %get3A_8 = vector.shape_cast %get3A_7 : vector<1x10000x64xf32> to vector<10000x64xf32>
    %add3A = arith.addf %get3A_3, %get3A_8 : vector<10000x64xf32>
    %get3A_9 = arith.constant 0 : index
    %get3A_10 = arith.constant 0 : index
    %get3A_11 = arith.constant 64 : index
    %get3A_12 = vector.load %arg0[%get3A_9, %get3A_10, %get3A_11] : memref<2x10112x128xf32, #tpu.memory_space<vmem>>, vector<1x10000x8xf32>
    %get3A_13 = vector.shape_cast %get3A_12 : vector<1x10000x8xf32> to vector<10000x8xf32>
    %get3A_14 = arith.constant 1 : index
    %get3A_15 = arith.constant 0 : index
    %get3A_16 = arith.constant 64 : index
    %get3A_17 = vector.load %arg0[%get3A_14, %get3A_15, %get3A_16] : memref<2x10112x128xf32, #tpu.memory_space<vmem>>, vector<1x10000x8xf32>
    %get3A_18 = vector.shape_cast %get3A_17 : vector<1x10000x8xf32> to vector<10000x8xf32>
    %add3A_19 = arith.addf %get3A_13, %get3A_18 : vector<10000x8xf32>
    %get3A_20 = arith.constant 0 : index
    %get3A_21 = arith.constant 0 : index
    %get3A_22 = vector.load %arg1[%get3A_20, %get3A_21] : memref<10000x128xf32, #tpu.memory_space<vmem>>, vector<10000x64xf32>
    %get3A_23 = arith.constant 0 : index
    %get3A_24 = arith.constant 64 : index
    %get3A_25 = vector.load %arg1[%get3A_23, %get3A_24] : memref<10000x128xf32, #tpu.memory_space<vmem>>, vector<10000x8xf32>
    %get3A_26 = arith.constant 0 : index
    %get3A_27 = arith.constant 80 : index
    %get3A_28 = vector.load %arg1[%get3A_26, %get3A_27] : memref<10000x128xf32, #tpu.memory_space<vmem>>, vector<10000x8xf32>
    %get3A_29 = arith.constant 0 : index
    %get3A_30 = arith.constant 88 : index
    %get3A_31 = vector.load %arg1[%get3A_29, %get3A_30] : memref<10000x128xf32, #tpu.memory_space<vmem>>, vector<10000x8xf32>
    %add3A_32 = arith.addf %get3A_25, %get3A_28 : vector<10000x8xf32>
    %add3A_33 = arith.addf %get3A_25, %get3A_31 : vector<10000x8xf32>
    %mul3A = arith.constant 2.000000e-01 : f32
    %mul3A_34 = vector.broadcast %mul3A : f32 to vector<10000x8xf32>
    %mul3A_35 = arith.mulf %mul3A_34, %add3A_33 : vector<10000x8xf32>
    %max3A = arith.maximumf %add3A_32, %mul3A_35 : vector<10000x8xf32>
    %exp3A = math.exp %max3A : vector<10000x8xf32>
    %get3A_36 = arith.constant 0 : index
    %get3A_37 = arith.constant 0 : index
    %get3A_38 = vector.load %arg2[%get3A_36, %get3A_37] : memref<8x64xf32, #tpu.memory_space<vmem>>, vector<8x64xf32>
    %add3A_39 = arith.addf %add3A_19, %exp3A : vector<10000x8xf32>
    %dot_general3A = arith.constant dense<0.000000e+00> : vector<10000x64xf32>
    %dot_general3A_40 = tpu.matmul %add3A_39, %get3A_38, %dot_general3A {dimension_numbers = #tpu.dot_dimension_numbers<[1], [0], [0], [1], [0, 0, 1, 1], [], []>, transpose_lhs_hint = false} : vector<10000x8xf32>, vector<8x64xf32>, vector<10000x64xf32> -> vector<10000x64xf32>
    %dot_general3A_41 = arith.constant dense<0.000000e+00> : vector<10000x64xf32>
    %dot_general3A_42 = tpu.matmul %exp3A, %get3A_38, %dot_general3A_41 {dimension_numbers = #tpu.dot_dimension_numbers<[1], [0], [0], [1], [0, 0, 1, 1], [], []>, transpose_lhs_hint = false} : vector<10000x8xf32>, vector<8x64xf32>, vector<10000x64xf32> -> vector<10000x64xf32>
    %mul3A_43 = arith.mulf %get3A_22, %dot_general3A_42 : vector<10000x64xf32>
    %add3A_44 = arith.addf %add3A, %mul3A_43 : vector<10000x64xf32>
    %add3A_45 = arith.constant 1.000000e-16 : f32
    %add3A_46 = vector.broadcast %add3A_45 : f32 to vector<10000x64xf32>
    %add3A_47 = arith.addf %dot_general3A_40, %add3A_46 : vector<10000x64xf32>
    %div3A = arith.divf %add3A_44, %add3A_47 : vector<10000x64xf32>
    %get3A_48 = arith.constant 0 : index
    %get3A_49 = vector.load %arg3[%get3A_48] : memref<64xf32, #tpu.memory_space<vmem>>, vector<64xf32>
    %broadcast_in_dim3A = vector.shape_cast %get3A_49 : vector<64xf32> to vector<1x64xf32>
    %add3A_50 = vector.broadcast %broadcast_in_dim3A : vector<1x64xf32> to vector<10000x64xf32>
    %add3A_51 = arith.addf %div3A, %add3A_50 : vector<10000x64xf32>
    %reduce_max3A = arith.constant dense<0xFF800000> : vector<10000xf32>
    %reduce_max3A_52 = vector.multi_reduction <maximumf>, %add3A_51, %reduce_max3A [1] : vector<10000x64xf32> to vector<10000xf32>
    %broadcast_in_dim3A_53 = vector.shape_cast %reduce_max3A_52 : vector<10000xf32> to vector<10000x1xf32>
    %sub3A = vector.broadcast %broadcast_in_dim3A_53 : vector<10000x1xf32> to vector<10000x64xf32>
    %sub3A_54 = arith.subf %add3A_51, %sub3A : vector<10000x64xf32>
    %exp3A_55 = math.exp %sub3A_54 : vector<10000x64xf32>
    %reduce_sum3A = arith.constant dense<0.000000e+00> : vector<10000xf32>
    %reduce_sum3A_56 = vector.multi_reduction <add>, %exp3A_55, %reduce_sum3A [1] : vector<10000x64xf32> to vector<10000xf32>
    %broadcast_in_dim3A_57 = vector.shape_cast %reduce_sum3A_56 : vector<10000xf32> to vector<10000x1xf32>
    %log3A = math.log %broadcast_in_dim3A_57 : vector<10000x1xf32>
    %add3A_58 = arith.addf %log3A, %broadcast_in_dim3A_53 : vector<10000x1xf32>
    %sub3A_59 = vector.broadcast %add3A_58 : vector<10000x1xf32> to vector<10000x64xf32>
    %sub3A_60 = arith.subf %add3A_51, %sub3A_59 : vector<10000x64xf32>
    %swap3A = arith.constant 0 : index
    %swap3A_61 = arith.constant 0 : index
    %swap3A_62 = vector.load %arg4[%swap3A, %swap3A_61] : memref<10000x64xf32, #tpu.memory_space<vmem>>, vector<10000x64xf32>
    tpu.vector_store %arg4[%swap3A, %swap3A_61], %sub3A_60 {strides = array<i32>} : memref<10000x64xf32, #tpu.memory_space<vmem>>, vector<10000x64xf32>,
    return
  }
}

</mosaic_0001>

<sc_bundles>
// kernel: kernel.11.cloned.1.call-start
scs
__scs_entry_jumppad:
0x0: {  	(pc) =	sbr.rel $0x88, $3  }
0x1: {  	(tag) =	ssettag $0x0;
	lr =	simm.s32 $0x1  }
0x2: {  	[smem:$0x3F97] =	sst lr;
	_ =	strace $0xD0000000  }
0x3: {  	_ = 	snop  }
0x4: {  	_ = 	snop  }
0x5: {  	_ = 	snop  }
0x6: {  	_ = 	snop  }
0x7: {  	_ = 	snop  }
__scs_overlays_trampoline_lowered:
0x8: {  	[smem:$0x3FA6] =	sst s0  }
0x9: {  	[smem:$0x3FA7] =	sst s1  }
0xa: {  	[smem:$0x3FA8] =	sst s2  }
0xb: {  	[smem:$0x3FA9] =	sst s3  }
0xc: {  	[smem:$0x3FAA] =	sst s4  }
0xd: {  	[smem:$0x3FAB] =	sst s5  }
0xe: {  	[smem:$0x3FAC] =	sst s6  }
0xf: {  	[smem:$0x3FAD] =	sst s7  }
0x10: {  	[smem:$0x3FAE] =	sst s8  }
0x11: {  	[smem:$0x3FAF] =	sst s9;
	s0 =	simm.s32 @!p0 $0x0  }
0x12: {  	s1 =	sld [smem:$0x3F95];
	s0 =	simm.s32 @p0 $0x1  }
0x13: {  	[smem:$0x3FB0] =	sst s0;
	s0 =	simm.s32 @!p1 $0x0  }
0x14: {  	s2 =	sld [smem:$0x3F94];
	s0 =	simm.s32 @p1 $0x1  }
0x15: {  	[smem:$0x3FB1] =	sst s0;
	s0 =	simm.s32 @!p2 $0x0  }
0x16: {  	s3 =	sld [smem:$0x3FDB];
	s0 =	simm.s32 @p2 $0x1  }
0x17: {  	s4 =	simm.s32 $0x1BF5;
	[smem:$0x3FB3] =	sst s0  }
0x18: {  	s0 =	sld [smem:$0x3F96];
	_ =	swait.ge [sflag:s4], $0x0  }
0x19: {  	s7 =	sld [smem:$0x3F97]  }
0x1a: {  	s8 =	sadd.s32 $0xFFFFE003, lr  }
0x1b: {  	s9 =	sadd.s32 $0xFFFFFEF7, lr;
	s5 =	simm.s32 $0xFFFFFFFF;
	p2 =	slt.u32 s8, $0xFFFFF086  }
0x1c: {  	p1 =	slt.u32 s9, $0xF7A;
	s5 =	simm.s32 @!p2 $0x0  }
0x1d: {  	s5 =	simm.s32 @p1 $0x1;
	p0 =	seq.s32 s7, s2  }
0x1e: {  	s7 =	smul.u32 @!p0 $0xF7A, s2;
	p2 =	seq.s32 @!p0 s5, $0x0  }
0x1f: {  	s9 =	smul.u32 $0xF7A, s1;
	s8 =	simm.s32 @!p0 $0x1BF5;
	p2 =	por !p2, p0  }
0x20: {  	[sflag:s8] =	ssyncset.s32 @!p0 $0xFFFFF086;
	s6 =	sadd.s32 @!p0 s3, s7;
	s7 =	simm.s32 @!p0 $0x108  }
0x21: {  	s3 =	sadd.s32 s3, s9;
	s6 =	sadd.s32 @!p0 $0x88, s6;
	s7 =	simm.s32 @p2 $0x1082  }
0x22: {  	[simem:s7], [sflag:s8] =	dma.local @!p0 [hbm:s6], $0xF7A  }
0x23: {  	s9 =	sor.u32 $0xD0000000, s2;
	s6 =	simm.s32 $0x108;
	_ =	swait.ge @!p0 [sflag:s8], $0x0  }
0x24: {  	s3 =	sadd.s32 $0x88, s3;
	s6 =	simm.s32 @!p1 $0x1082;
	[sflag:s4] =	ssyncset.s32 $0xFFFFF086  }
0x25: {  	[simem:s6], [sflag:s4] =	dma.local [hbm:s3], $0xF7A  }
0x26: {  	[smem:$0x3F97] =	sst s1;
	(tag) =	ssettag s2;
	_ =	strace s9  }
0x27: {  	s1 =	sld [smem:$0x3FA7]  }
0x28: {  	s2 =	sld [smem:$0x3FA8]  }
0x29: {  	s4 =	sld [smem:$0x3FAA]  }
0x2a: {  	p0 =	seq.s32 s5, $0x0;
	s5 =	sld [smem:$0x3FAB]  }
0x2b: {  	s6 =	sld [smem:$0x3FAC]  }
0x2c: {  	s7 =	sld [smem:$0x3FAD]  }
0x2d: {  	s3 =	simm.s32 $0x108;
	s8 =	sld [smem:$0x3FAE]  }
0x2e: {  	s3 =	simm.s32 @!p0 $0x1082;
	s9 =	sld [smem:$0x3FAF]  }
0x2f: {  	lr =	sadd.s32 s0, s3;
	s0 =	sld [smem:$0x3FA6]  }
0x30: {  	s3 =	sld [smem:$0x3FA9]  }
0x31: {  	[smem:$0x3FB2] =	sst s10  }
0x32: {  	s10 =	sld [smem:$0x3FB0];
	_ =	sdelay $0x3  }
0x33: {  	p0 =	seq.s32 s10, $0x1;
	s10 =	sld [smem:$0x3FB2];
	_ =	sdelay $0x3  }
0x34: {  	[smem:$0x3FB2] =	sst s10  }
0x35: {  	s10 =	sld [smem:$0x3FB1];
	_ =	sdelay $0x3  }
0x36: {  	p1 =	seq.s32 s10, $0x1;
	s10 =	sld [smem:$0x3FB2];
	_ =	sdelay $0x3  }
0x37: {  	[smem:$0x3FB2] =	sst s10  }
0x38: {  	s10 =	sld [smem:$0x3FB3]  }
0x39: {  	_ = 	snop;
	(pc) =	sbr.ind lr, $3  }
0x3a: {  	_ = 	snop  }
0x3b: {  	_ = 	snop  }
0x3c: {  	p2 =	seq.s32 s10, $0x1;
	s10 =	sld [smem:$0x3FB2]  }
0x3d: {  	_ =	shalt  }
0x3e: {  	_ =	shalt  }
0x3f: {  	_ =	shalt  }
0x40: {  	_ =	shalt  }
0x41: {  	_ =	shalt  }
0x42: {  	_ =	shalt  }
0x43: {  	_ =	shalt  }
0x44: {  	_ =	shalt  }
0x45: {  	_ =	shalt  }
0x46: {  	_ =	shalt  }
0x47: {  	_ =	shalt  }
0x48: {  	_ =	shalt  }
0x49: {  	_ =	shalt  }
0x4a: {  	_ =	shalt  }
0x4b: {  	_ =	shalt  }
0x4c: {  	_ =	shalt  }
0x4d: {  	_ =	shalt  }
0x4e: {  	_ =	shalt  }
0x4f: {  	_ =	shalt  }
0x50: {  	_ =	shalt  }
0x51: {  	_ =	shalt  }
0x52: {  	_ =	shalt  }
0x53: {  	_ =	shalt  }
0x54: {  	_ =	shalt  }
0x55: {  	_ =	shalt  }
0x56: {  	_ =	shalt  }
0x57: {  	_ =	shalt  }
0x58: {  	_ =	shalt  }
0x59: {  	_ =	shalt  }
0x5a: {  	_ =	shalt  }
0x5b: {  	_ =	shalt  }
0x5c: {  	_ =	shalt  }
0x5d: {  	_ =	shalt  }
0x5e: {  	_ =	shalt  }
0x5f: {  	_ =	shalt  }
0x60: {  	_ =	shalt  }
0x61: {  	_ =	shalt  }
0x62: {  	_ =	shalt  }
0x63: {  	_ =	shalt  }
0x64: {  	_ =	shalt  }
0x65: {  	_ =	shalt  }
0x66: {  	_ =	shalt  }
0x67: {  	_ =	shalt  }
0x68: {  	_ =	shalt  }
0x69: {  	_ =	shalt  }
0x6a: {  	_ =	shalt  }
0x6b: {  	_ =	shalt  }
0x6c: {  	_ =	shalt  }
0x6d: {  	_ =	shalt  }
0x6e: {  	_ =	shalt  }
0x6f: {  	_ =	shalt  }
0x70: {  	_ =	shalt  }
0x71: {  	_ =	shalt  }
0x72: {  	_ =	shalt  }
0x73: {  	_ =	shalt  }
0x74: {  	_ =	shalt  }
0x75: {  	_ =	shalt  }
0x76: {  	_ =	shalt  }
0x77: {  	_ =	shalt  }
0x78: {  	_ =	shalt  }
0x79: {  	_ =	shalt  }
0x7a: {  	_ =	shalt  }
0x7b: {  	_ =	shalt  }
0x7c: {  	_ =	shalt  }
0x7d: {  	_ =	shalt  }
0x7e: {  	_ =	shalt  }
0x7f: {  	_ =	shalt  }
0x80: {  	_ =	shalt  }
0x81: {  	_ =	shalt  }
0x82: {  	_ =	shalt  }
0x83: {  	_ =	shalt  }
0x84: {  	_ =	shalt  }
0x85: {  	_ =	shalt  }
0x86: {  	_ =	shalt  }
0x87: {  	_ =	shalt  }
.Lfunc_end0:
.L_simem_size_0:
called_computation.1_lowered:
.L_overlay_start_0:
0x88: {  	s2 =	sld [smem:$0x3FD9]  }
0x89: {  	s3 =	sld [smem:$0x3FFE];
	_ =	sdelay $0x1  }
0x8a: {  	s1 =	srdreg.scid  }
0x8b: {  	s0 =	sand.u32 $0x1, s1  }
0x8c: {  	s17 =	sshll.u32 s0, $0xA;
	s2 =	sadd.s32 s3, s2  }
0x8d: {  	s2 =	sadd.s32 s2, s17  }
0x8e: {  	[smem:$0x3FBE] =	sst s2  }
0x8f: {  	_ = 	snop  }
0x90: {  	s2 =	sld [smem:$0x3FD0];
	(tm) =	ssettm $0x1  }
0x91: {  	s18 =	sld [smem:$0x3FFB];
	_ =	sdelay $0x3  }
0x92: {  	_ =	strace s18  }
0x93: {  	s3 =	sld [smem:$0x3FFC];
	_ =	sdelay $0x3  }
0x94: {  	_ =	strace s3  }
0x95: {  	s3 =	sld [smem:$0x3FFD];
	_ =	sdelay $0x3  }
0x96: {  	_ =	strace s3  }
0x97: {  	_ =	strace $0x8FFFFFFF  }
0x98: {  	s19 =	sld [smem:$0x3FDB];
	_ =	sdelay $0x1  }
0x99: {  	s4 =	simm.s32 $_scs_section_size  }
0x9a: {  	s5 =	simm.s32 $_size__tile_overlayer_lowered;
	s6 =	simm.s32 $_tile_overlayer_lowered  }
0x9b: {  	s22 =	simm.s32 $0x1BFF;
	s21 =	sshll.u32 s6, $0x1;
	s3 =	sadd.s32 s4, s19  }
0x9c: {  	s7 =	simm.s32 $0x0;
	s20 =	sshll.u32 s5, $0x1;
	s5 =	sadd.s32 s21, s3  }
0x9d: {  	[timem:s7], [sflag:s22] =	dma.local [hbm:s5], s20  }
0x9e: {  	_ =	swait.ge [sflag:s22], s20  }
0x9f: {  	s4 =	ssub.s32 $0x0, s20;
	[sflag:s22] =	ssyncset.done $0x0  }
0xa0: {  	[sflag:s22] =	ssyncadd.s32 s4;
	_ =	sdelay $0x1  }
0xa1: {  	s23 =	simm.s32 $0x1B8B  }
0xa2: {  	_ =	swait.ge [sflag:s23], $0x1  }
0xa3: {  	[sflag:s23] =	ssyncset.done $0x0  }
0xa4: {  	s25 =	simm.s32 $0x1B8E;
	s24 =	sld [smem:$0x3FFE];
	[sflag:s23] =	ssyncadd.s32 $0xFFFFFFFF  }
0xa5: {  	s26 =	simm.s32 $execute0_lowered;
	[smem:$0x3FD2] =	sst s25  }
0xa6: {  	s5 =	sshll.u32 s26, $0x1;
	_ =	strace $0x80000049;
	[dreg:$0x1] =	wrdreg $0xFFFFFFFF  }
0xa7: {  	s28 =	simm.s32 $_size_execute0_lowered;
	s3 =	sadd.s32 s3, s5;
	[dreg:$0x0] =	wrdreg $0x0  }
0xa8: {  	s5 =	sshll.u32 s28, $0x1;
	[dreg:$0x2] =	wrdreg s3  }
0xa9: {  	[dreg:$0x3] =	wrdreg s5  }
0xaa: {  	[dreg:$0x4] =	wrdreg $0xC0  }
0xab: {  	_ =	task [dreg:s7], $0x5FFFF  }
0xac: {  	[dreg:$0x1] =	wrdreg $0xFFFFFFFF  }
0xad: {  	[dreg:$0x0] =	wrdreg $0x60  }
0xae: {  	[dreg:$0x2] =	wrdreg s24  }
0xaf: {  	[dreg:$0x3] =	wrdreg s2  }
0xb0: {  	[dreg:$0x4] =	wrdreg $0xC1000  }
0xb1: {  	[dreg:$0x5] =	wrdreg $0x9  }
0xb2: {  	_ =	task.clear_ibuf [dreg:s7], $0x6FFFF;
	_ =	strace $0x90000049  }
0xb3: {  	s29 =	simm.s32 $0x9;
	_ =	strace $0x8000004B  }
0xb4: {  	_ =	swait.ge [sflag:s29], $0x1  }
0xb5: {  	[sflag:s29] =	ssyncadd.s32 $0xFFFFFFFF  }
0xb6: {  	_ =	strace $0x9000004B  }
0xb7: {  	_ =	sfence  }
0xb8: {  	s30 =	sld [smem:$0x0];
	_ =	sdelay $0x2  }
0xb9: {  	s31 =	sshll.u32 s1, $0xD;
	s1 =	sshrl.u32 s1, $0x2  }
0xba: {  	s3 =	sand.u32 $0x4000, s31;
	s1 =	sadd.s32 s1, s30  }
0xbb: {  	s0 =	sor.u32 s3, s0;
	s1 =	sshll.u32 s1, $0x11  }
0xbc: {  	s0 =	sor.u32 s1, s0  }
0xbd: {  	s0 =	sadd.s32 $0x8F2B, s0  }
0xbe: {  	[sflag:s0] =	ssyncadd.remote.s32 $0x1  }
0xbf: {  	_ =	sfence.sel $0xFFFF  }
0xc0: {  	[dreg:$0x0] =	wrdreg $0xFFFFFFFF;
	(pc) =	sbr.abs _section_cstart, $3  }
0xc1: {  	[dreg:$0x1] =	wrdreg $0xFFFFFFFF  }
0xc2: {  	_ =	task.clear_ibuf [dreg:s7], $0x2FFFF;
	_ =	strace $0x9FFFFFFF  }
0xc3: {  	(tm) =	ssettm $0x7FFFFFFF  }
tec
execute0_lowered:
.L_overlay_start_1:
0x0: {  	(tag) =	ssettag $0x1  }
0x1: {  	s0 =	rddreg [dreg:$0x0]  }
0x2: {  	s1 =	rddreg [dreg:$0x1]  }
0x3: {  	s2 =	rddreg [dreg:$0x2];
	s3 =	simm.s32 $0x0;
	s4 =	srdreg.scid  }
0x4: {  	s13 =	simm.s32 $0x4F;
	s23 =	simm.s32 $0x80;
	s24 =	simm.s32 $0x100  }
0x5: {  	s25 =	simm.s32 $0x4100;
	s26 =	simm.s32 $0x0;
	[smem:$0x7FF] =	sst s3  }
0x6: {  	s14 =	sand.u32 $0x1, s4;
	s5 =	sadd.s32 $0x2000, s0;
	s6 =	sadd.s32 $0xBE00, s0  }
0x7: {  	s7 =	sadd.s32 $0x33000, s0;
	s4 =	stileid.u32;
	s0 =	sadd.s32 $0x33800, s0  }
0x8: {  	_ =	strace $0x8000004A;
	s8 =	ssub.s32 $0x2, s14;
	s15 =	sshll.u32 s4, $0xE  }
0x9: {  	s21 =	smul.u32 $0x13C000, s14;
	p0 =	slt.u32 s4, $0x2;
	s22 =	sshll.u32 s4, $0x8  }
0xa: {  	s14 =	sshll.u32 s14, $0x7;
	s9 =	sshrl.u32 s8, $0x1;
	s16 =	sor.u32 $0x40000, s15  }
0xb: {  	s17 =	sor.u32 $0x80000, s15;
	s18 =	sor.u32 $0xC0000, s15;
	s19 =	sor.u32 $0x100000, s15  }
0xc: {  	s13 =	simm.s32 @!p0 $0x4E;
	s14 =	sor.u32 s14, s22;
	p0 =	seq.s32 s4, $0xF  }
0xd: {  	s22 =	simm.s32 $0x1;
	s20 =	ssub.s32 s8, s9;
	s8 =	sadd.s32 s15, s2  }
0xe: {  	s9 =	sadd.s32 s16, s2;
	s10 =	sadd.s32 s17, s2;
	s11 =	sadd.s32 s18, s2  }
0xf: {  	s12 =	sadd.s32 s19, s2;
	s15 =	sadd.s32 s15, s21;
	s16 =	sadd.s32 s21, s16  }
0x10: {  	v0 =	vlaneseq.u32;
	s17 =	sadd.s32 s21, s17;
	s18 =	sadd.s32 s21, s18;
	s19 =	sadd.s32 s21, s19  }
0x11: {  	v0 =	vshrl.u32 v0, $0x3;
	s21 =	simm.s32 $0x8100;
	s15 =	sshrl.u32 s15, $0x3;
	s16 =	sshrl.u32 s16, $0x3  }
0x12: {  	vm0 =	vmmov $0xff;
	v1 =	vor.u32 $0x8, v0;
	s17 =	sshrl.u32 s17, $0x3;
	s18 =	sshrl.u32 s18, $0x3;
	s19 =	sshrl.u32 s19, $0x3  }
0x13: {  	v2 =	vor.u32 $0x2, v0;
	v3 =	vor.u32 $0xA, v0;
	v4 =	vor.u32 $0x4, v0;
	s20 =	smax.u32 s20, $0x1;
	s15 =	sadd.s32 s0, s15;
	s16 =	sadd.s32 s0, s16  }
0x14: {  	v5 =	vor.u32 $0xC, v0;
	v6 =	vor.u32 $0x6, v0;
	v7 =	vor.u32 $0xE, v0;
	s17 =	sadd.s32 s0, s17;
	s18 =	sadd.s32 s0, s18;
	s19 =	sadd.s32 s0, s19  }
.LBB2_1:
0x15: {  	[tilespmem:s21], [sflag:$0x1] =	stream.linear.gather [hbm4b:s7+s3], $0x4000, $0x38;
	[tilespmem:$0x1FD00] =	vst v63  }
0x16: {  	_ =	swait.ge [sflag:s22], $0x4000  }
0x17: {  	[sflag:s22] =	ssyncset.done $0x0  }
0x18: {  	[sflag:s22] =	ssyncadd.s32 $0xFFFFC000  }
0x19: {  	[spmem:s8] =	stream.linear.scatter [tilespmem:s21], [sflag:$0x1], $0x4000, $0x38;
	[tilespmem:$0x1FD00] =	vst v63  }
0x1a: {  	_ =	swait.ge [sflag:s22], $0x4000  }
0x1b: {  	[sflag:s22] =	ssyncset.done $0x0  }
0x1c: {  	[sflag:s22] =	ssyncadd.s32 $0xFFFFC000  }
0x1d: {  	[spmem:s9] =	stream.linear.scatter [tilespmem:s21], [sflag:$0x1], $0x4000, $0x38;
	[tilespmem:$0x1FD00] =	vst v63  }
0x1e: {  	_ =	swait.ge [sflag:s22], $0x4000  }
0x1f: {  	[sflag:s22] =	ssyncset.done $0x0  }
0x20: {  	[sflag:s22] =	ssyncadd.s32 $0xFFFFC000  }
0x21: {  	[spmem:s10] =	stream.linear.scatter [tilespmem:s21], [sflag:$0x1], $0x4000, $0x38;
	[tilespmem:$0x1FD00] =	vst v63  }
0x22: {  	_ =	swait.ge [sflag:s22], $0x4000  }
0x23: {  	[sflag:s22] =	ssyncset.done $0x0  }
0x24: {  	[sflag:s22] =	ssyncadd.s32 $0xFFFFC000  }
0x25: {  	[spmem:s11] =	stream.linear.scatter [tilespmem:s21], [sflag:$0x1], $0x4000, $0x38;
	[tilespmem:$0x1FD00] =	vst v63  }
0x26: {  	_ =	swait.ge [sflag:s22], $0x4000  }
0x27: {  	[sflag:s22] =	ssyncset.done $0x0  }
0x28: {  	s0 =	simm.s32 @!p0 $0x8100;
	[sflag:s22] =	ssyncadd.s32 $0xFFFFC000  }
0x29: {  	[spmem:s12] =	stream.linear.scatter @!p0 [tilespmem:s0], [sflag:$0x1], $0x4000, $0x38;
	[tilespmem:$0x1FD00] =	vst v63  }
0x2a: {  	s0 =	simm.s32 @!p0 $0x1  }
0x2b: {  	_ =	swait.ge @!p0 [sflag:s0], $0x4000  }
0x2c: {  	[sflag:s0] =	ssyncset.done @!p0 $0x0  }
0x2d: {  	[sflag:s0] =	ssyncadd.s32 @!p0 $0xFFFFC000  }
0x2e: {  	s28 =	simm.s32 $0x0;
	[bflag:$0x0] =	sbarrier.arrive $0xFFFF  }
.LBB2_2:
0x2f: {  	s0 =	sshll.u32 s28, $0xC  }
0x30: {  	s0 =	sor.u32 s14, s0  }
0x31: {  	s0 =	sshrl.u32 s0, $0x3  }
0x32: {  	s30 =	simm.s32 $0x0;
	s29 =	sadd.s32 s5, s0  }
0x33: {  	[tilespmem:s30], [sflag:$0x1] =	stream.linear.gather [hbm4b:s29+s30], $0x80, $0x38;
	[tilespmem:$0x1FD00] =	vst v63  }
0x34: {  	_ =	swait.ge [sflag:s22], $0x80  }
0x35: {  	[sflag:s22] =	ssyncset.done $0x0  }
0x36: {  	s0 =	sadd.s32 s1, s0;
	[sflag:s22] =	ssyncadd.s32 $0xFFFFFF80  }
0x37: {  	[tilespmem:s23], [sflag:$0x1] =	stream.linear.gather [hbm4b:s0+s30], $0x80, $0x38;
	[tilespmem:$0x1FD00] =	vst v63  }
0x38: {  	_ =	swait.ge [sflag:s22], $0x80  }
0x39: {  	[sflag:s22] =	ssyncset.done $0x0  }
0x3a: {  	[sflag:s22] =	ssyncadd.s32 $0xFFFFFF80  }
0x3b: {  	[tilespmem:s24], [sflag:$0x1] =	stream.indirect.gather [hbm4b:s6+s23], $0x80, s30, s23, $0xb8;
	[tilespmem:$0x1FD00] =	vst v63  }
0x3c: {  	_ =	swait.ge [sflag:s22], $0x4000  }
0x3d: {  	[sflag:s22] =	ssyncset.done $0x0  }
0x3e: {  	[sflag:s22] =	ssyncadd.s32 $0xFFFFC000  }
0x3f: {  	[tilespmem:s25], [sflag:$0x1] =	stream.indirect.gather [hbm4b:s6+s23], $0x80, s23, s23, $0xb8;
	[tilespmem:$0x1FD00] =	vst v63  }
0x40: {  	_ =	swait.ge [sflag:s22], $0x4000  }
0x41: {  	[sflag:s22] =	ssyncset.done $0x0  }
0x42: {  	s31 =	simm.s32 $0x0;
	[sflag:s22] =	ssyncadd.s32 $0xFFFFC000  }
0x43: {  	v8 =	vld [tilespmem:s31+$0x1B8]  }
0x44: {  	v9 =	vld [tilespmem:s31+$0x140]  }
0x45: {  	v10 =	vld [tilespmem:s31+$0x41D0]  }
0x46: {  	v11 =	vld [tilespmem:s31+$0x4158]  }
0x47: {  	v12 =	vld [tilespmem:s31+$0x41C8]  }
0x48: {  	v16 =	vld [tilespmem:s31+$0x4150];
	_ =	sdelay $0x1  }
0x49: {  	v17 =	vld [tilespmem:s31+$0x100]  }
0x4a: {  	v14 =	vld [tilespmem:s31+$0x180];
	v8 =	vsel vm0, v9, v8;
	v9 =	vsel vm0, v11, v10  }
0x4b: {  	v15 =	vld [tilespmem:s31+$0x110];
	v9 =	vadd.f32 v9, v8  }
0x4c: {  	s29 =	simm.s32 $0x100;
	v13 =	vld [tilespmem:s31+$0x190];
	v10 =	vsel vm0, v16, v12  }
0x4d: {  	v19 =	vld [tilespmem:s29+$0x1B8];
	v10 =	vadd.f32 v10, v8;
	v11 =	vmul.f32 $2.000000030e-01, v9  }
0x4e: {  	v20 =	vld [tilespmem:s29+$0x140]  }
0x4f: {  	v21 =	vld [tilespmem:s29+$0x41D0];
	v10 =	vmax.f32 v10, v11  }
0x50: {  	v22 =	vld [tilespmem:s29+$0x4158];
	v10 =	vmul.f32 $1.442695020e+00, v10  }
0x51: {  	v23 =	vld [tilespmem:s29+$0x41C8]  }
0x52: {  	v24 =	vld [tilespmem:s29+$0x4150];
	(erf) = vpow2.f32 v10  }
0x53: {  	v25 =	vld [tilespmem:s31+$0x1B0]  }
0x54: {  	v18 =	vld [tilespmem:s29+$0x190]  }
0x55: {  	v12 =	vld [tilespmem:s31+$0x120];
	v26 =	vsel vm0, v20, v19;
	v20 =	vsel vm0, v22, v21  }
0x56: {  	v16 =	vld [tilespmem:s29+$0x110];
	v21 =	vadd.f32 v20, v26  }
0x57: {  	v19 =	vld [tilespmem:s29+$0x120];
	v23 =	vsel vm0, v24, v23  }
0x58: {  	v8 =	vld [tilespmem:s31+$0x130];
	v24 =	vadd.f32 v23, v26;
	v26 =	vmul.f32 $2.000000030e-01, v21  }
0x59: {  	v20 =	vld [tilespmem:s29+$0x1A0]  }
0x5a: {  	v9 =	vld [tilespmem:s31+$0x1A0];
	v26 =	vmax.f32 v24, v26  }
0x5b: {  	v11 =	vld [tilespmem:s29+$0x180];
	v26 =	vmul.f32 $1.442695020e+00, v26;
	v22 =	vpop (erf)  }
0x5c: {  	v10 =	vld [tilespmem:s29+$0x100];
	[tilespmem:s31+$0x8140] =	vst v22;
	v30 =	vperm.xlane v22, v7  }
0x5d: {  	s30 =	simm.s32 $0x200;
	(erf) = vpow2.f32 v26;
	v27 =	vperm.xlane v22, v0;
	v21 =	vld [tilespmem:s29+$0x130]  }
0x5e: {  	v29 =	vperm.xlane v22, v1;
	v23 =	vld [tilespmem:s30+$0x1B8];
	v32 =	vmul.f32 v25, v30  }
0x5f: {  	v28 =	vperm.xlane v22, v2;
	v31 =	vperm.xlane v22, v3;
	v24 =	vld [tilespmem:s30+$0x140];
	[tilespmem:s31+$0x81B8] =	vst v22  }
0x60: {  	s0 =	simm.s32 $0xC00;
	v26 =	vperm.xlane v22, v5;
	v30 =	vperm.xlane v22, v4;
	v25 =	vld [tilespmem:s30+$0x41D0];
	[tilespmem:s31+$0x81B0] =	vst v32  }
.LBB2_3:
0x61: {  	p1 =	sne.s32 s0, $0xFC00;
	v32 =	vld [tilespmem:s30+$0x4158];
	v27 =	vmul.f32 v17, v27;
	v22 =	vperm.xlane v22, v6;
	v17 =	vmov v10  }
0x62: {  	v29 =	vmul.f32 v14, v29;
	v28 =	vmul.f32 v15, v28;
	v14 =	vmovc v11;
	v15 =	vmov v16;
	v33 =	vld [tilespmem:s30+$0x41C8]  }
0x63: {  	v30 =	vmul.f32 v12, v30;
	v12 =	vmovc v19;
	v34 =	vld [tilespmem:s30+$0x4150];
	[tilespmem:s31+$0x8100] =	vst v27;
	v27 =	vmul.f32 v13, v31;
	v13 =	vmov v18  }
0x64: {  	v19 =	vmul.f32 v9, v26;
	v9 =	vmovc v20;
	v26 =	vmul.f32 v8, v22;
	v8 =	vmov v21;
	v10 =	vld [tilespmem:s30+$0x100];
	[tilespmem:s31+$0x8180] =	vst v29  }
0x65: {  	v11 =	vld [tilespmem:s30+$0x180];
	[tilespmem:s31+$0x8110] =	vst v28  }
0x66: {  	v20 =	vsel vm0, v24, v23;
	v18 =	vsel vm0, v32, v25;
	v16 =	vld [tilespmem:s30+$0x110];
	[tilespmem:s31+$0x8190] =	vst v27  }
0x67: {  	v21 =	vadd.f32 v18, v20;
	v24 =	vld [tilespmem:s29+$0x1B0];
	[tilespmem:s31+$0x8120] =	vst v30  }
0x68: {  	v25 =	vsel vm0, v34, v33;
	v18 =	vld [tilespmem:s30+$0x190];
	[tilespmem:s31+$0x81A0] =	vst v19  }
0x69: {  	v23 =	vadd.f32 v25, v20;
	v21 =	vmul.f32 $2.000000030e-01, v21;
	v19 =	vld [tilespmem:s30+$0x120];
	v22 =	vpop (erf);
	[tilespmem:s31+$0x8130] =	vst v26;
	s31 =	smov.u32 s29;
	s29 =	smov.u32 s30  }
.Ltmp0:
0x6a: {  	v20 =	vld [tilespmem:s29+$0x1A0];
	[tilespmem:s31+$0x8140] =	vst v22;
	v27 =	vperm.xlane v22, v0;
	v25 =	vperm.xlane v22, v7;
	(pc) =	sbr.rel @p1 .LBB2_3-.Ltmp0, $4  }
0x6b: {  	s30 =	sshra.s32 s0, $0x2;
	v29 =	vperm.xlane v22, v1;
	v28 =	vperm.xlane v22, v2;
	v26 =	vmax.f32 v23, v21;
	v21 =	vld [tilespmem:s29+$0x130]  }
0x6c: {  	v23 =	vld [tilespmem:s30+$0x1B8];
	v26 =	vmul.f32 $1.442695020e+00, v26;
	v32 =	vmul.f32 v24, v25  }
0x6d: {  	v31 =	vperm.xlane v22, v3;
	v30 =	vperm.xlane v22, v4;
	v24 =	vld [tilespmem:s30+$0x140];
	[tilespmem:s31+$0x81B8] =	vst v22  }
0x6e: {  	s0 =	sadd.s32 $0x400, s0;
	v25 =	vld [tilespmem:s30+$0x41D0];
	(erf) = vpow2.f32 v26;
	v26 =	vperm.xlane v22, v5;
	[tilespmem:s31+$0x81B0] =	vst v32  }
0x6f: {  	v32 =	vld [tilespmem:s30+$0x4158]  }
0x70: {  	v36 =	vld [tilespmem:s30+$0x41C8]  }
0x71: {  	v17 =	vmul.f32 v17, v27;
	v33 =	vld [tilespmem:s30+$0x4150]  }
0x72: {  	v14 =	vmul.f32 v14, v29  }
0x73: {  	v15 =	vmul.f32 v15, v28;
	[tilespmem:s31+$0x8100] =	vst v17  }
0x74: {  	v13 =	vmul.f32 v13, v31;
	v17 =	vld [tilespmem:s30+$0x100];
	[tilespmem:s31+$0x8180] =	vst v14;
	v37 =	vsel vm0, v24, v23;
	v38 =	vsel vm0, v32, v25  }
0x75: {  	v12 =	vmul.f32 v12, v30;
	v22 =	vperm.xlane v22, v6;
	v14 =	vld [tilespmem:s30+$0x180];
	[tilespmem:s31+$0x8110] =	vst v15;
	v23 =	vadd.f32 v38, v37  }
0x76: {  	v9 =	vmul.f32 v9, v26;
	v15 =	vld [tilespmem:s30+$0x110];
	[tilespmem:s31+$0x8190] =	vst v13;
	v40 =	vsel vm0, v33, v36  }
0x77: {  	v8 =	vmul.f32 v8, v22;
	v39 =	vld [tilespmem:s29+$0x1B0];
	[tilespmem:s31+$0x8120] =	vst v12;
	v42 =	vadd.f32 v40, v37;
	v43 =	vmul.f32 $2.000000030e-01, v23  }
0x78: {  	v41 =	vld [tilespmem:s30+$0x190];
	[tilespmem:s31+$0x81A0] =	vst v9  }
0x79: {  	v44 =	vld [tilespmem:s30+$0x120];
	v45 =	vpop (erf);
	[tilespmem:s31+$0x8130] =	vst v8;
	v8 =	vmax.f32 v42, v43  }
0x7a: {  	v47 =	vperm.xlane v45, v7;
	v8 =	vmul.f32 $1.442695020e+00, v8  }
0x7b: {  	v48 =	vperm.xlane v45, v0;
	v49 =	vperm.xlane v45, v1  }
0x7c: {  	v46 =	vld [tilespmem:s30+$0x1A0];
	[tilespmem:s29+$0x8140] =	vst v45;
	v12 =	vmul.f32 v39, v47;
	(erf) = vpow2.f32 v8  }
0x7d: {  	v51 =	vperm.xlane v45, v3;
	v50 =	vld [tilespmem:s30+$0x130];
	[tilespmem:s29+$0x81B8] =	vst v45;
	v10 =	vmul.f32 v10, v48  }
0x7e: {  	v11 =	vmul.f32 v11, v49;
	v8 =	vperm.xlane v45, v2;
	[tilespmem:s29+$0x81B0] =	vst v12  }
0x7f: {  	v52 =	vmul.f32 v18, v51;
	[tilespmem:s29+$0x8100] =	vst v10  }
0x80: {  	[tilespmem:s29+$0x8180] =	vst v11;
	v8 =	vmul.f32 v16, v8  }
0x81: {  	v53 =	vperm.xlane v45, v4;
	[tilespmem:s29+$0x8190] =	vst v52  }
0x82: {  	[tilespmem:s29+$0x8110] =	vst v8;
	v8 =	vperm.xlane v45, v5  }
0x83: {  	v54 =	vperm.xlane v45, v6;
	v11 =	vmul.f32 v19, v53;
	v12 =	vld [tilespmem:s30+$0x1B0]  }
0x84: {  	v8 =	vmul.f32 v20, v8  }
0x85: {  	v10 =	vmul.f32 v21, v54;
	[tilespmem:s29+$0x8120] =	vst v11;
	v55 =	vpop (erf)  }
0x86: {  	[tilespmem:s29+$0x81A0] =	vst v8;
	v8 =	vperm.xlane v55, v7  }
0x87: {  	[tilespmem:s29+$0x8130] =	vst v10;
	v56 =	vperm.xlane v55, v0  }
0x88: {  	[tilespmem:s30+$0x8140] =	vst v55;
	v58 =	vperm.xlane v55, v2;
	v8 =	vmul.f32 v12, v8  }
0x89: {  	v57 =	vperm.xlane v55, v1;
	[tilespmem:s30+$0x81B8] =	vst v55;
	v10 =	vmul.f32 v17, v56  }
0x8a: {  	v59 =	vperm.xlane v55, v3;
	v12 =	vmul.f32 v15, v58;
	[tilespmem:s30+$0x81B0] =	vst v8  }
0x8b: {  	v60 =	vperm.xlane v55, v4;
	v8 =	vmul.f32 v14, v57;
	[tilespmem:s30+$0x8100] =	vst v10  }
0x8c: {  	v61 =	vperm.xlane v55, v5;
	v62 =	vmul.f32 v41, v59;
	[tilespmem:s30+$0x8110] =	vst v12  }
0x8d: {  	v63 =	vmul.f32 v44, v60;
	[tilespmem:s30+$0x8180] =	vst v8;
	v8 =	vperm.xlane v55, v6  }
0x8e: {  	v9 =	vmul.f32 v46, v61;
	[tilespmem:s30+$0x8190] =	vst v62  }
0x8f: {  	s28 =	sadd.s32 $0x1, s28;
	[tilespmem:s30+$0x8120] =	vst v63;
	v8 =	vmul.f32 v50, v8  }
0x90: {  	p1 =	sne.s32 s28, s13;
	[tilespmem:s30+$0x81A0] =	vst v9  }
.Ltmp1:
0x91: {  	[tilespmem:s30+$0x8130] =	vst v8;
	(pc) =	sbr.rel @p1 .LBB2_2-.Ltmp1, $4  }
0x92: {  	[spmem:s2] =	stream.indirect.scatter.add.f32 [tilespmem:s21], [sflag:$0x1], $0x80, s23, s23, $0xb8;
	[tilespmem:$0x1FD00] =	vst v63  }
0x93: {  	_ =	swait.ge [sflag:s22], $0x4000  }
0x94: {  	[sflag:s22] =	ssyncset.done $0x0  }
0x95: {  	[sflag:s22] =	ssyncadd.s32 $0xFFFFC000  }
0x96: {  	[bflag:$0x0] =	sbarrier.arrive $0xFFFF  }
0x97: {  	[tilespmem:s24], [sflag:$0x1] =	stream.linear.gather [spmem:s8], $0x4000, $0x38;
	[tilespmem:$0x1FD00] =	vst v63  }
0x98: {  	_ =	swait.ge [sflag:s22], $0x4000  }
0x99: {  	[sflag:s22] =	ssyncset.done $0x0  }
0x9a: {  	[sflag:s22] =	ssyncadd.s32 $0xFFFFC000  }
0x9b: {  	[hbm4b:s15+s3] =	stream.linear.scatter [tilespmem:s24], [sflag:$0x1], $0x4000, $0x38;
	[tilespmem:$0x1FD00] =	vst v63  }
0x9c: {  	_ =	swait.ge [sflag:s22], $0x4000  }
0x9d: {  	[sflag:s22] =	ssyncset.done $0x0  }
0x9e: {  	[sflag:s22] =	ssyncadd.s32 $0xFFFFC000  }
0x9f: {  	[tilespmem:s24], [sflag:$0x1] =	stream.linear.gather [spmem:s9], $0x4000, $0x38;
	[tilespmem:$0x1FD00] =	vst v63  }
0xa0: {  	_ =	swait.ge [sflag:s22], $0x4000  }
0xa1: {  	[sflag:s22] =	ssyncset.done $0x0  }
0xa2: {  	[sflag:s22] =	ssyncadd.s32 $0xFFFFC000  }
0xa3: {  	[hbm4b:s16+s3] =	stream.linear.scatter [tilespmem:s24], [sflag:$0x1], $0x4000, $0x38;
	[tilespmem:$0x1FD00] =	vst v63  }
0xa4: {  	_ =	swait.ge [sflag:s22], $0x4000  }
0xa5: {  	[sflag:s22] =	ssyncset.done $0x0  }
0xa6: {  	[sflag:s22] =	ssyncadd.s32 $0xFFFFC000  }
0xa7: {  	[tilespmem:s24], [sflag:$0x1] =	stream.linear.gather [spmem:s10], $0x4000, $0x38;
	[tilespmem:$0x1FD00] =	vst v63  }
0xa8: {  	_ =	swait.ge [sflag:s22], $0x4000  }
0xa9: {  	[sflag:s22] =	ssyncset.done $0x0  }
0xaa: {  	[sflag:s22] =	ssyncadd.s32 $0xFFFFC000  }
0xab: {  	[hbm4b:s17+s3] =	stream.linear.scatter [tilespmem:s24], [sflag:$0x1], $0x4000, $0x38;
	[tilespmem:$0x1FD00] =	vst v63  }
0xac: {  	_ =	swait.ge [sflag:s22], $0x4000  }
0xad: {  	[sflag:s22] =	ssyncset.done $0x0  }
0xae: {  	[sflag:s22] =	ssyncadd.s32 $0xFFFFC000  }
0xaf: {  	[tilespmem:s24], [sflag:$0x1] =	stream.linear.gather [spmem:s11], $0x4000, $0x38;
	[tilespmem:$0x1FD00] =	vst v63  }
0xb0: {  	_ =	swait.ge [sflag:s22], $0x4000  }
0xb1: {  	[sflag:s22] =	ssyncset.done $0x0  }
0xb2: {  	[sflag:s22] =	ssyncadd.s32 $0xFFFFC000  }
0xb3: {  	[hbm4b:s18+s3] =	stream.linear.scatter [tilespmem:s24], [sflag:$0x1], $0x4000, $0x38;
	[tilespmem:$0x1FD00] =	vst v63  }
0xb4: {  	_ =	swait.ge [sflag:s22], $0x4000  }
0xb5: {  	[sflag:s22] =	ssyncset.done $0x0  }
0xb6: {  	s0 =	simm.s32 @!p0 $0x100;
	s28 =	simm.s32 @!p0 $0x1;
	[sflag:s22] =	ssyncadd.s32 $0xFFFFC000  }
0xb7: {  	[tilespmem:s0], [sflag:$0x1] =	stream.linear.gather @!p0 [spmem:s12], $0x4000, $0x38;
	[tilespmem:$0x1FD00] =	vst v63  }
0xb8: {  	s26 =	sadd.s32 $0x1, s26;
	_ =	swait.ge @!p0 [sflag:s28], $0x4000  }
0xb9: {  	p1 =	sne.s32 s26, s20;
	[sflag:s28] =	ssyncset.done @!p0 $0x0  }
.Ltmp2:
0xba: {  	s29 =	simm.s32 @!p0 $0x0;
	[sflag:s28] =	ssyncadd.s32 @!p0 $0xFFFFC000;
	(pc) =	sbr.rel @p1 .LBB2_1-.Ltmp2, $4  }
0xbb: {  	[hbm4b:s19+s29] =	stream.linear.scatter @!p0 [tilespmem:s0], [sflag:$0x1], $0x4000, $0x38;
	[tilespmem:$0x1FD00] =	vst v63  }
0xbc: {  	_ =	swait.ge @!p0 [sflag:s28], $0x4000  }
0xbd: {  	[sflag:s28] =	ssyncset.done @!p0 $0x0  }
0xbe: {  	[sflag:s28] =	ssyncadd.s32 @!p0 $0xFFFFC000  }
0xbf: {  	_ =	sfence.sel $0x180000  }
0xc0: {  	[bflag:$0x0] =	sbarrier.arrive $0xFFFF  }
0xc1: {  	_ =	strace $0x9000004A  }
0xc2: {  	[bflag:$0x2] =	sbarrier.arrive $0xFFFF  }
0xc3: {  	p0 =	sne.s32 s4, $0x0;
	s0 =	rddreg [dreg:$0x3]  }
0xc4: {  	s0 =	sadd.s32 @!p0 $0x100000, s0  }
0xc5: {  	[sflag:s0] =	ssyncadd.tile.s32 @!p0 $0x1;
	_ =	shalt  }
.Lfunc_end2:
_tile_overlayer_lowered:
.L_overlay_start_2:
0xc6: {  	(tag) =	ssettag $0x2  }
0xc7: {  	s0 =	rddreg [dreg:$0x0];
	s2 =	stileid.u32  }
0xc8: {  	s1 =	rddreg [dreg:$0x1];
	p0 =	sne.s32 s2, $0x0  }
0xc9: {  	s3 =	rddreg [dreg:$0x2];
	[bflag:$0x3] =	sbarrier.arrive $0xFFFF;
	s2 =	simm.s32 @!p0 $0x1C01  }
0xca: {  	[timem:s3], [sflag:s2] =	dma.local @!p0 [hbm:s0], s1  }
0xcb: {  	s0 =	simm.s32 @!p0 $0x1  }
0xcc: {  	_ =	swait.ge @!p0 [sflag:s0], s1  }
0xcd: {  	s1 =	ssub.s32 @!p0 $0x0, s1;
	[sflag:s0] =	ssyncset.done @!p0 $0x0  }
0xce: {  	[sflag:s0] =	ssyncadd.s32 @!p0 s1  }
0xcf: {  	[bflag:$0x3] =	sbarrier.arrive $0xFFFF  }
0xd0: {  	_ =	shalt  }

// kernel: kernel.8.cloned.1.call-start
scs
__scs_entry_jumppad:
0x0: {  	(pc) =	sbr.rel $0x88, $3  }
0x1: {  	(tag) =	ssettag $0x0;
	lr =	simm.s32 $0x1  }
0x2: {  	[smem:$0x3F97] =	sst lr;
	_ =	strace $0xD0000000  }
0x3: {  	_ = 	snop  }
0x4: {  	_ = 	snop  }
0x5: {  	_ = 	snop  }
0x6: {  	_ = 	snop  }
0x7: {  	_ = 	snop  }
__scs_overlays_trampoline_lowered:
0x8: {  	[smem:$0x3FA6] =	sst s0  }
0x9: {  	[smem:$0x3FA7] =	sst s1  }
0xa: {  	[smem:$0x3FA8] =	sst s2  }
0xb: {  	[smem:$0x3FA9] =	sst s3  }
0xc: {  	[smem:$0x3FAA] =	sst s4  }
0xd: {  	[smem:$0x3FAB] =	sst s5  }
0xe: {  	[smem:$0x3FAC] =	sst s6  }
0xf: {  	[smem:$0x3FAD] =	sst s7  }
0x10: {  	[smem:$0x3FAE] =	sst s8  }
0x11: {  	[smem:$0x3FAF] =	sst s9;
	s0 =	simm.s32 @!p0 $0x0  }
0x12: {  	s1 =	sld [smem:$0x3F95];
	s0 =	simm.s32 @p0 $0x1  }
0x13: {  	[smem:$0x3FB0] =	sst s0;
	s0 =	simm.s32 @!p1 $0x0  }
0x14: {  	s2 =	sld [smem:$0x3F94];
	s0 =	simm.s32 @p1 $0x1  }
0x15: {  	[smem:$0x3FB1] =	sst s0;
	s0 =	simm.s32 @!p2 $0x0  }
0x16: {  	s3 =	sld [smem:$0x3FDB];
	s0 =	simm.s32 @p2 $0x1  }
0x17: {  	s4 =	simm.s32 $0x1BF5;
	[smem:$0x3FB3] =	sst s0  }
0x18: {  	s0 =	sld [smem:$0x3F96];
	_ =	swait.ge [sflag:s4], $0x0  }
0x19: {  	s7 =	sld [smem:$0x3F97]  }
0x1a: {  	s8 =	sadd.s32 $0xFFFFE003, lr  }
0x1b: {  	s9 =	sadd.s32 $0xFFFFFEF7, lr;
	s5 =	simm.s32 $0xFFFFFFFF;
	p2 =	slt.u32 s8, $0xFFFFF086  }
0x1c: {  	p1 =	slt.u32 s9, $0xF7A;
	s5 =	simm.s32 @!p2 $0x0  }
0x1d: {  	s5 =	simm.s32 @p1 $0x1;
	p0 =	seq.s32 s7, s2  }
0x1e: {  	s7 =	smul.u32 @!p0 $0xF7A, s2;
	p2 =	seq.s32 @!p0 s5, $0x0  }
0x1f: {  	s9 =	smul.u32 $0xF7A, s1;
	s8 =	simm.s32 @!p0 $0x1BF5;
	p2 =	por !p2, p0  }
0x20: {  	[sflag:s8] =	ssyncset.s32 @!p0 $0xFFFFF086;
	s6 =	sadd.s32 @!p0 s3, s7;
	s7 =	simm.s32 @!p0 $0x108  }
0x21: {  	s3 =	sadd.s32 s3, s9;
	s6 =	sadd.s32 @!p0 $0x88, s6;
	s7 =	simm.s32 @p2 $0x1082  }
0x22: {  	[simem:s7], [sflag:s8] =	dma.local @!p0 [hbm:s6], $0xF7A  }
0x23: {  	s9 =	sor.u32 $0xD0000000, s2;
	s6 =	simm.s32 $0x108;
	_ =	swait.ge @!p0 [sflag:s8], $0x0  }
0x24: {  	s3 =	sadd.s32 $0x88, s3;
	s6 =	simm.s32 @!p1 $0x1082;
	[sflag:s4] =	ssyncset.s32 $0xFFFFF086  }
0x25: {  	[simem:s6], [sflag:s4] =	dma.local [hbm:s3], $0xF7A  }
0x26: {  	[smem:$0x3F97] =	sst s1;
	(tag) =	ssettag s2;
	_ =	strace s9  }
0x27: {  	s1 =	sld [smem:$0x3FA7]  }
0x28: {  	s2 =	sld [smem:$0x3FA8]  }
0x29: {  	s4 =	sld [smem:$0x3FAA]  }
0x2a: {  	p0 =	seq.s32 s5, $0x0;
	s5 =	sld [smem:$0x3FAB]  }
0x2b: {  	s6 =	sld [smem:$0x3FAC]  }
0x2c: {  	s7 =	sld [smem:$0x3FAD]  }
0x2d: {  	s3 =	simm.s32 $0x108;
	s8 =	sld [smem:$0x3FAE]  }
0x2e: {  	s3 =	simm.s32 @!p0 $0x1082;
	s9 =	sld [smem:$0x3FAF]  }
0x2f: {  	lr =	sadd.s32 s0, s3;
	s0 =	sld [smem:$0x3FA6]  }
0x30: {  	s3 =	sld [smem:$0x3FA9]  }
0x31: {  	[smem:$0x3FB2] =	sst s10  }
0x32: {  	s10 =	sld [smem:$0x3FB0];
	_ =	sdelay $0x3  }
0x33: {  	p0 =	seq.s32 s10, $0x1;
	s10 =	sld [smem:$0x3FB2];
	_ =	sdelay $0x3  }
0x34: {  	[smem:$0x3FB2] =	sst s10  }
0x35: {  	s10 =	sld [smem:$0x3FB1];
	_ =	sdelay $0x3  }
0x36: {  	p1 =	seq.s32 s10, $0x1;
	s10 =	sld [smem:$0x3FB2];
	_ =	sdelay $0x3  }
0x37: {  	[smem:$0x3FB2] =	sst s10  }
0x38: {  	s10 =	sld [smem:$0x3FB3]  }
0x39: {  	_ = 	snop;
	(pc) =	sbr.ind lr, $3  }
0x3a: {  	_ = 	snop  }
0x3b: {  	_ = 	snop  }
0x3c: {  	p2 =	seq.s32 s10, $0x1;
	s10 =	sld [smem:$0x3FB2]  }
0x3d: {  	_ =	shalt  }
0x3e: {  	_ =	shalt  }
0x3f: {  	_ =	shalt  }
0x40: {  	_ =	shalt  }
0x41: {  	_ =	shalt  }
0x42: {  	_ =	shalt  }
0x43: {  	_ =	shalt  }
0x44: {  	_ =	shalt  }
0x45: {  	_ =	shalt  }
0x46: {  	_ =	shalt  }
0x47: {  	_ =	shalt  }
0x48: {  	_ =	shalt  }
0x49: {  	_ =	shalt  }
0x4a: {  	_ =	shalt  }
0x4b: {  	_ =	shalt  }
0x4c: {  	_ =	shalt  }
0x4d: {  	_ =	shalt  }
0x4e: {  	_ =	shalt  }
0x4f: {  	_ =	shalt  }
0x50: {  	_ =	shalt  }
0x51: {  	_ =	shalt  }
0x52: {  	_ =	shalt  }
0x53: {  	_ =	shalt  }
0x54: {  	_ =	shalt  }
0x55: {  	_ =	shalt  }
0x56: {  	_ =	shalt  }
0x57: {  	_ =	shalt  }
0x58: {  	_ =	shalt  }
0x59: {  	_ =	shalt  }
0x5a: {  	_ =	shalt  }
0x5b: {  	_ =	shalt  }
0x5c: {  	_ =	shalt  }
0x5d: {  	_ =	shalt  }
0x5e: {  	_ =	shalt  }
0x5f: {  	_ =	shalt  }
0x60: {  	_ =	shalt  }
0x61: {  	_ =	shalt  }
0x62: {  	_ =	shalt  }
0x63: {  	_ =	shalt  }
0x64: {  	_ =	shalt  }
0x65: {  	_ =	shalt  }
0x66: {  	_ =	shalt  }
0x67: {  	_ =	shalt  }
0x68: {  	_ =	shalt  }
0x69: {  	_ =	shalt  }
0x6a: {  	_ =	shalt  }
0x6b: {  	_ =	shalt  }
0x6c: {  	_ =	shalt  }
0x6d: {  	_ =	shalt  }
0x6e: {  	_ =	shalt  }
0x6f: {  	_ =	shalt  }
0x70: {  	_ =	shalt  }
0x71: {  	_ =	shalt  }
0x72: {  	_ =	shalt  }
0x73: {  	_ =	shalt  }
0x74: {  	_ =	shalt  }
0x75: {  	_ =	shalt  }
0x76: {  	_ =	shalt  }
0x77: {  	_ =	shalt  }
0x78: {  	_ =	shalt  }
0x79: {  	_ =	shalt  }
0x7a: {  	_ =	shalt  }
0x7b: {  	_ =	shalt  }
0x7c: {  	_ =	shalt  }
0x7d: {  	_ =	shalt  }
0x7e: {  	_ =	shalt  }
0x7f: {  	_ =	shalt  }
0x80: {  	_ =	shalt  }
0x81: {  	_ =	shalt  }
0x82: {  	_ =	shalt  }
0x83: {  	_ =	shalt  }
0x84: {  	_ =	shalt  }
0x85: {  	_ =	shalt  }
0x86: {  	_ =	shalt  }
0x87: {  	_ =	shalt  }
.Lfunc_end0:
.L_simem_size_0:
called_computation_lowered:
.L_overlay_start_0:
0x88: {  	s2 =	sld [smem:$0x3FD9]  }
0x89: {  	s3 =	sld [smem:$0x3FFE];
	_ =	sdelay $0x1  }
0x8a: {  	s1 =	srdreg.scid  }
0x8b: {  	s0 =	sand.u32 $0x1, s1  }
0x8c: {  	s17 =	sshll.u32 s0, $0xA;
	s2 =	sadd.s32 s3, s2  }
0x8d: {  	s2 =	sadd.s32 s2, s17  }
0x8e: {  	[smem:$0x3FBE] =	sst s2  }
0x8f: {  	_ = 	snop  }
0x90: {  	s2 =	sld [smem:$0x3FD0];
	(tm) =	ssettm $0x1  }
0x91: {  	s18 =	sld [smem:$0x3FFB];
	_ =	sdelay $0x3  }
0x92: {  	_ =	strace s18  }
0x93: {  	s3 =	sld [smem:$0x3FFC];
	_ =	sdelay $0x3  }
0x94: {  	_ =	strace s3  }
0x95: {  	s3 =	sld [smem:$0x3FFD];
	_ =	sdelay $0x3  }
0x96: {  	_ =	strace s3  }
0x97: {  	_ =	strace $0x8FFFFFFF  }
0x98: {  	s19 =	sld [smem:$0x3FDB];
	_ =	sdelay $0x1  }
0x99: {  	s4 =	simm.s32 $_scs_section_size  }
0x9a: {  	s5 =	simm.s32 $_size__tile_overlayer_lowered;
	s6 =	simm.s32 $_tile_overlayer_lowered  }
0x9b: {  	s22 =	simm.s32 $0x1BFF;
	s21 =	sshll.u32 s6, $0x1;
	s3 =	sadd.s32 s4, s19  }
0x9c: {  	s7 =	simm.s32 $0x0;
	s20 =	sshll.u32 s5, $0x1;
	s5 =	sadd.s32 s21, s3  }
0x9d: {  	[timem:s7], [sflag:s22] =	dma.local [hbm:s5], s20  }
0x9e: {  	_ =	swait.ge [sflag:s22], s20  }
0x9f: {  	s4 =	ssub.s32 $0x0, s20;
	[sflag:s22] =	ssyncset.done $0x0  }
0xa0: {  	[sflag:s22] =	ssyncadd.s32 s4;
	_ =	sdelay $0x1  }
0xa1: {  	s23 =	simm.s32 $0x1B8B  }
0xa2: {  	_ =	swait.ge [sflag:s23], $0x1  }
0xa3: {  	[sflag:s23] =	ssyncset.done $0x0  }
0xa4: {  	s25 =	simm.s32 $0x1B8E;
	s24 =	sld [smem:$0x3FFE];
	[sflag:s23] =	ssyncadd.s32 $0xFFFFFFFF  }
0xa5: {  	s26 =	simm.s32 $execute0_lowered;
	[smem:$0x3FD2] =	sst s25  }
0xa6: {  	s5 =	sshll.u32 s26, $0x1;
	_ =	strace $0x80000046;
	[dreg:$0x1] =	wrdreg $0xFFFFFFFF  }
0xa7: {  	s28 =	simm.s32 $_size_execute0_lowered;
	s3 =	sadd.s32 s3, s5;
	[dreg:$0x0] =	wrdreg $0x0  }
0xa8: {  	s5 =	sshll.u32 s28, $0x1;
	[dreg:$0x2] =	wrdreg s3  }
0xa9: {  	[dreg:$0x3] =	wrdreg s5  }
0xaa: {  	[dreg:$0x4] =	wrdreg $0xC0  }
0xab: {  	_ =	task [dreg:s7], $0x5FFFF  }
0xac: {  	[dreg:$0x1] =	wrdreg $0xFFFFFFFF  }
0xad: {  	[dreg:$0x0] =	wrdreg $0x60  }
0xae: {  	[dreg:$0x2] =	wrdreg s24  }
0xaf: {  	[dreg:$0x3] =	wrdreg s2  }
0xb0: {  	[dreg:$0x4] =	wrdreg $0xC1000  }
0xb1: {  	[dreg:$0x5] =	wrdreg $0x9  }
0xb2: {  	_ =	task.clear_ibuf [dreg:s7], $0x6FFFF;
	_ =	strace $0x90000046  }
0xb3: {  	s29 =	simm.s32 $0x9;
	_ =	strace $0x80000048  }
0xb4: {  	_ =	swait.ge [sflag:s29], $0x1  }
0xb5: {  	[sflag:s29] =	ssyncadd.s32 $0xFFFFFFFF  }
0xb6: {  	_ =	strace $0x90000048  }
0xb7: {  	_ =	sfence  }
0xb8: {  	s30 =	sld [smem:$0x0];
	_ =	sdelay $0x2  }
0xb9: {  	s31 =	sshll.u32 s1, $0xD;
	s1 =	sshrl.u32 s1, $0x2  }
0xba: {  	s3 =	sand.u32 $0x4000, s31;
	s1 =	sadd.s32 s1, s30  }
0xbb: {  	s0 =	sor.u32 s3, s0;
	s1 =	sshll.u32 s1, $0x11  }
0xbc: {  	s0 =	sor.u32 s1, s0  }
0xbd: {  	s0 =	sadd.s32 $0x8F2B, s0  }
0xbe: {  	[sflag:s0] =	ssyncadd.remote.s32 $0x1  }
0xbf: {  	_ =	sfence.sel $0xFFFF  }
0xc0: {  	[dreg:$0x0] =	wrdreg $0xFFFFFFFF;
	(pc) =	sbr.abs _section_cstart, $3  }
0xc1: {  	[dreg:$0x1] =	wrdreg $0xFFFFFFFF  }
0xc2: {  	_ =	task.clear_ibuf [dreg:s7], $0x2FFFF;
	_ =	strace $0x9FFFFFFF  }
0xc3: {  	(tm) =	ssettm $0x7FFFFFFF  }
tec
execute0_lowered:
.L_overlay_start_1:
0x0: {  	(tag) =	ssettag $0x1  }
0x1: {  	s0 =	rddreg [dreg:$0x0]  }
0x2: {  	s1 =	rddreg [dreg:$0x1]  }
0x3: {  	s2 =	rddreg [dreg:$0x2];
	s3 =	simm.s32 $0x0;
	s4 =	srdreg.scid  }
0x4: {  	s13 =	simm.s32 $0x4F;
	s23 =	simm.s32 $0x80;
	s24 =	simm.s32 $0x100  }
0x5: {  	s25 =	simm.s32 $0x4100;
	s26 =	simm.s32 $0x0;
	[smem:$0x7FF] =	sst s3  }
0x6: {  	s14 =	sand.u32 $0x1, s4;
	s5 =	sadd.s32 $0x2000, s0;
	s6 =	sadd.s32 $0xBE00, s0  }
0x7: {  	s7 =	sadd.s32 $0x33000, s0;
	s4 =	stileid.u32;
	s0 =	sadd.s32 $0x33800, s0  }
0x8: {  	_ =	strace $0x80000047;
	s8 =	ssub.s32 $0x2, s14;
	s15 =	sshll.u32 s4, $0xE  }
0x9: {  	s21 =	smul.u32 $0x13C000, s14;
	p0 =	slt.u32 s4, $0x2;
	s22 =	sshll.u32 s4, $0x8  }
0xa: {  	s14 =	sshll.u32 s14, $0x7;
	s9 =	sshrl.u32 s8, $0x1;
	s16 =	sor.u32 $0x40000, s15  }
0xb: {  	s17 =	sor.u32 $0x80000, s15;
	s18 =	sor.u32 $0xC0000, s15;
	s19 =	sor.u32 $0x100000, s15  }
0xc: {  	s13 =	simm.s32 @!p0 $0x4E;
	s14 =	sor.u32 s14, s22;
	p0 =	seq.s32 s4, $0xF  }
0xd: {  	s22 =	simm.s32 $0x1;
	s20 =	ssub.s32 s8, s9;
	s8 =	sadd.s32 s15, s2  }
0xe: {  	s9 =	sadd.s32 s16, s2;
	s10 =	sadd.s32 s17, s2;
	s11 =	sadd.s32 s18, s2  }
0xf: {  	s12 =	sadd.s32 s19, s2;
	s15 =	sadd.s32 s15, s21;
	s16 =	sadd.s32 s21, s16  }
0x10: {  	v0 =	vlaneseq.u32;
	s17 =	sadd.s32 s21, s17;
	s18 =	sadd.s32 s21, s18;
	s19 =	sadd.s32 s21, s19  }
0x11: {  	v0 =	vshrl.u32 v0, $0x3;
	s21 =	simm.s32 $0x8100;
	s15 =	sshrl.u32 s15, $0x3;
	s16 =	sshrl.u32 s16, $0x3  }
0x12: {  	vm0 =	vmmov $0xff;
	v1 =	vor.u32 $0x8, v0;
	s17 =	sshrl.u32 s17, $0x3;
	s18 =	sshrl.u32 s18, $0x3;
	s19 =	sshrl.u32 s19, $0x3  }
0x13: {  	v2 =	vor.u32 $0x2, v0;
	v3 =	vor.u32 $0xA, v0;
	v4 =	vor.u32 $0x4, v0;
	s20 =	smax.u32 s20, $0x1;
	s15 =	sadd.s32 s0, s15;
	s16 =	sadd.s32 s0, s16  }
0x14: {  	v5 =	vor.u32 $0xC, v0;
	v6 =	vor.u32 $0x6, v0;
	v7 =	vor.u32 $0xE, v0;
	s17 =	sadd.s32 s0, s17;
	s18 =	sadd.s32 s0, s18;
	s19 =	sadd.s32 s0, s19  }
.LBB2_1:
0x15: {  	[tilespmem:s21], [sflag:$0x1] =	stream.linear.gather [hbm4b:s7+s3], $0x4000, $0x38;
	[tilespmem:$0x1FD00] =	vst v63  }
0x16: {  	_ =	swait.ge [sflag:s22], $0x4000  }
0x17: {  	[sflag:s22] =	ssyncset.done $0x0  }
0x18: {  	[sflag:s22] =	ssyncadd.s32 $0xFFFFC000  }
0x19: {  	[spmem:s8] =	stream.linear.scatter [tilespmem:s21], [sflag:$0x1], $0x4000, $0x38;
	[tilespmem:$0x1FD00] =	vst v63  }
0x1a: {  	_ =	swait.ge [sflag:s22], $0x4000  }
0x1b: {  	[sflag:s22] =	ssyncset.done $0x0  }
0x1c: {  	[sflag:s22] =	ssyncadd.s32 $0xFFFFC000  }
0x1d: {  	[spmem:s9] =	stream.linear.scatter [tilespmem:s21], [sflag:$0x1], $0x4000, $0x38;
	[tilespmem:$0x1FD00] =	vst v63  }
0x1e: {  	_ =	swait.ge [sflag:s22], $0x4000  }
0x1f: {  	[sflag:s22] =	ssyncset.done $0x0  }
0x20: {  	[sflag:s22] =	ssyncadd.s32 $0xFFFFC000  }
0x21: {  	[spmem:s10] =	stream.linear.scatter [tilespmem:s21], [sflag:$0x1], $0x4000, $0x38;
	[tilespmem:$0x1FD00] =	vst v63  }
0x22: {  	_ =	swait.ge [sflag:s22], $0x4000  }
0x23: {  	[sflag:s22] =	ssyncset.done $0x0  }
0x24: {  	[sflag:s22] =	ssyncadd.s32 $0xFFFFC000  }
0x25: {  	[spmem:s11] =	stream.linear.scatter [tilespmem:s21], [sflag:$0x1], $0x4000, $0x38;
	[tilespmem:$0x1FD00] =	vst v63  }
0x26: {  	_ =	swait.ge [sflag:s22], $0x4000  }
0x27: {  	[sflag:s22] =	ssyncset.done $0x0  }
0x28: {  	s0 =	simm.s32 @!p0 $0x8100;
	[sflag:s22] =	ssyncadd.s32 $0xFFFFC000  }
0x29: {  	[spmem:s12] =	stream.linear.scatter @!p0 [tilespmem:s0], [sflag:$0x1], $0x4000, $0x38;
	[tilespmem:$0x1FD00] =	vst v63  }
0x2a: {  	s0 =	simm.s32 @!p0 $0x1  }
0x2b: {  	_ =	swait.ge @!p0 [sflag:s0], $0x4000  }
0x2c: {  	[sflag:s0] =	ssyncset.done @!p0 $0x0  }
0x2d: {  	[sflag:s0] =	ssyncadd.s32 @!p0 $0xFFFFC000  }
0x2e: {  	s28 =	simm.s32 $0x0;
	[bflag:$0x0] =	sbarrier.arrive $0xFFFF  }
.LBB2_2:
0x2f: {  	s0 =	sshll.u32 s28, $0xC  }
0x30: {  	s0 =	sor.u32 s14, s0  }
0x31: {  	s0 =	sshrl.u32 s0, $0x3  }
0x32: {  	s30 =	simm.s32 $0x0;
	s29 =	sadd.s32 s5, s0  }
0x33: {  	[tilespmem:s30], [sflag:$0x1] =	stream.linear.gather [hbm4b:s29+s30], $0x80, $0x38;
	[tilespmem:$0x1FD00] =	vst v63  }
0x34: {  	_ =	swait.ge [sflag:s22], $0x80  }
0x35: {  	[sflag:s22] =	ssyncset.done $0x0  }
0x36: {  	s0 =	sadd.s32 s1, s0;
	[sflag:s22] =	ssyncadd.s32 $0xFFFFFF80  }
0x37: {  	[tilespmem:s23], [sflag:$0x1] =	stream.linear.gather [hbm4b:s0+s30], $0x80, $0x38;
	[tilespmem:$0x1FD00] =	vst v63  }
0x38: {  	_ =	swait.ge [sflag:s22], $0x80  }
0x39: {  	[sflag:s22] =	ssyncset.done $0x0  }
0x3a: {  	[sflag:s22] =	ssyncadd.s32 $0xFFFFFF80  }
0x3b: {  	[tilespmem:s24], [sflag:$0x1] =	stream.indirect.gather [hbm4b:s6+s23], $0x80, s30, s23, $0xb8;
	[tilespmem:$0x1FD00] =	vst v63  }
0x3c: {  	_ =	swait.ge [sflag:s22], $0x4000  }
0x3d: {  	[sflag:s22] =	ssyncset.done $0x0  }
0x3e: {  	[sflag:s22] =	ssyncadd.s32 $0xFFFFC000  }
0x3f: {  	[tilespmem:s25], [sflag:$0x1] =	stream.indirect.gather [hbm4b:s6+s23], $0x80, s23, s23, $0xb8;
	[tilespmem:$0x1FD00] =	vst v63  }
0x40: {  	_ =	swait.ge [sflag:s22], $0x4000  }
0x41: {  	[sflag:s22] =	ssyncset.done $0x0  }
0x42: {  	s31 =	simm.s32 $0x0;
	[sflag:s22] =	ssyncadd.s32 $0xFFFFC000  }
0x43: {  	v8 =	vld [tilespmem:s31+$0x1B8]  }
0x44: {  	v9 =	vld [tilespmem:s31+$0x140]  }
0x45: {  	v10 =	vld [tilespmem:s31+$0x41D0]  }
0x46: {  	v11 =	vld [tilespmem:s31+$0x4158]  }
0x47: {  	v12 =	vld [tilespmem:s31+$0x41C8]  }
0x48: {  	v16 =	vld [tilespmem:s31+$0x4150];
	_ =	sdelay $0x1  }
0x49: {  	v17 =	vld [tilespmem:s31+$0x100]  }
0x4a: {  	v14 =	vld [tilespmem:s31+$0x180];
	v8 =	vsel vm0, v9, v8;
	v9 =	vsel vm0, v11, v10  }
0x4b: {  	v15 =	vld [tilespmem:s31+$0x110];
	v9 =	vadd.f32 v9, v8  }
0x4c: {  	s29 =	simm.s32 $0x100;
	v13 =	vld [tilespmem:s31+$0x190];
	v10 =	vsel vm0, v16, v12  }
0x4d: {  	v19 =	vld [tilespmem:s29+$0x1B8];
	v10 =	vadd.f32 v10, v8;
	v11 =	vmul.f32 $2.000000030e-01, v9  }
0x4e: {  	v20 =	vld [tilespmem:s29+$0x140]  }
0x4f: {  	v21 =	vld [tilespmem:s29+$0x41D0];
	v10 =	vmax.f32 v10, v11  }
0x50: {  	v22 =	vld [tilespmem:s29+$0x4158];
	v10 =	vmul.f32 $1.442695020e+00, v10  }
0x51: {  	v23 =	vld [tilespmem:s29+$0x41C8]  }
0x52: {  	v24 =	vld [tilespmem:s29+$0x4150];
	(erf) = vpow2.f32 v10  }
0x53: {  	v25 =	vld [tilespmem:s31+$0x1B0]  }
0x54: {  	v18 =	vld [tilespmem:s29+$0x190]  }
0x55: {  	v12 =	vld [tilespmem:s31+$0x120];
	v26 =	vsel vm0, v20, v19;
	v20 =	vsel vm0, v22, v21  }
0x56: {  	v16 =	vld [tilespmem:s29+$0x110];
	v21 =	vadd.f32 v20, v26  }
0x57: {  	v19 =	vld [tilespmem:s29+$0x120];
	v23 =	vsel vm0, v24, v23  }
0x58: {  	v8 =	vld [tilespmem:s31+$0x130];
	v24 =	vadd.f32 v23, v26;
	v26 =	vmul.f32 $2.000000030e-01, v21  }
0x59: {  	v20 =	vld [tilespmem:s29+$0x1A0]  }
0x5a: {  	v9 =	vld [tilespmem:s31+$0x1A0];
	v26 =	vmax.f32 v24, v26  }
0x5b: {  	v11 =	vld [tilespmem:s29+$0x180];
	v26 =	vmul.f32 $1.442695020e+00, v26;
	v22 =	vpop (erf)  }
0x5c: {  	v10 =	vld [tilespmem:s29+$0x100];
	[tilespmem:s31+$0x8140] =	vst v22;
	v30 =	vperm.xlane v22, v7  }
0x5d: {  	s30 =	simm.s32 $0x200;
	(erf) = vpow2.f32 v26;
	v27 =	vperm.xlane v22, v0;
	v21 =	vld [tilespmem:s29+$0x130]  }
0x5e: {  	v29 =	vperm.xlane v22, v1;
	v23 =	vld [tilespmem:s30+$0x1B8];
	v32 =	vmul.f32 v25, v30  }
0x5f: {  	v28 =	vperm.xlane v22, v2;
	v31 =	vperm.xlane v22, v3;
	v24 =	vld [tilespmem:s30+$0x140];
	[tilespmem:s31+$0x81B8] =	vst v22  }
0x60: {  	s0 =	simm.s32 $0xC00;
	v26 =	vperm.xlane v22, v5;
	v30 =	vperm.xlane v22, v4;
	v25 =	vld [tilespmem:s30+$0x41D0];
	[tilespmem:s31+$0x81B0] =	vst v32  }
.LBB2_3:
0x61: {  	p1 =	sne.s32 s0, $0xFC00;
	v32 =	vld [tilespmem:s30+$0x4158];
	v27 =	vmul.f32 v17, v27;
	v22 =	vperm.xlane v22, v6;
	v17 =	vmov v10  }
0x62: {  	v29 =	vmul.f32 v14, v29;
	v28 =	vmul.f32 v15, v28;
	v14 =	vmovc v11;
	v15 =	vmov v16;
	v33 =	vld [tilespmem:s30+$0x41C8]  }
0x63: {  	v30 =	vmul.f32 v12, v30;
	v12 =	vmovc v19;
	v34 =	vld [tilespmem:s30+$0x4150];
	[tilespmem:s31+$0x8100] =	vst v27;
	v27 =	vmul.f32 v13, v31;
	v13 =	vmov v18  }
0x64: {  	v19 =	vmul.f32 v9, v26;
	v9 =	vmovc v20;
	v26 =	vmul.f32 v8, v22;
	v8 =	vmov v21;
	v10 =	vld [tilespmem:s30+$0x100];
	[tilespmem:s31+$0x8180] =	vst v29  }
0x65: {  	v11 =	vld [tilespmem:s30+$0x180];
	[tilespmem:s31+$0x8110] =	vst v28  }
0x66: {  	v20 =	vsel vm0, v24, v23;
	v18 =	vsel vm0, v32, v25;
	v16 =	vld [tilespmem:s30+$0x110];
	[tilespmem:s31+$0x8190] =	vst v27  }
0x67: {  	v21 =	vadd.f32 v18, v20;
	v24 =	vld [tilespmem:s29+$0x1B0];
	[tilespmem:s31+$0x8120] =	vst v30  }
0x68: {  	v25 =	vsel vm0, v34, v33;
	v18 =	vld [tilespmem:s30+$0x190];
	[tilespmem:s31+$0x81A0] =	vst v19  }
0x69: {  	v23 =	vadd.f32 v25, v20;
	v21 =	vmul.f32 $2.000000030e-01, v21;
	v19 =	vld [tilespmem:s30+$0x120];
	v22 =	vpop (erf);
	[tilespmem:s31+$0x8130] =	vst v26;
	s31 =	smov.u32 s29;
	s29 =	smov.u32 s30  }
.Ltmp0:
0x6a: {  	v20 =	vld [tilespmem:s29+$0x1A0];
	[tilespmem:s31+$0x8140] =	vst v22;
	v27 =	vperm.xlane v22, v0;
	v25 =	vperm.xlane v22, v7;
	(pc) =	sbr.rel @p1 .LBB2_3-.Ltmp0, $4  }
0x6b: {  	s30 =	sshra.s32 s0, $0x2;
	v29 =	vperm.xlane v22, v1;
	v28 =	vperm.xlane v22, v2;
	v26 =	vmax.f32 v23, v21;
	v21 =	vld [tilespmem:s29+$0x130]  }
0x6c: {  	v23 =	vld [tilespmem:s30+$0x1B8];
	v26 =	vmul.f32 $1.442695020e+00, v26;
	v32 =	vmul.f32 v24, v25  }
0x6d: {  	v31 =	vperm.xlane v22, v3;
	v30 =	vperm.xlane v22, v4;
	v24 =	vld [tilespmem:s30+$0x140];
	[tilespmem:s31+$0x81B8] =	vst v22  }
0x6e: {  	s0 =	sadd.s32 $0x400, s0;
	v25 =	vld [tilespmem:s30+$0x41D0];
	(erf) = vpow2.f32 v26;
	v26 =	vperm.xlane v22, v5;
	[tilespmem:s31+$0x81B0] =	vst v32  }
0x6f: {  	v32 =	vld [tilespmem:s30+$0x4158]  }
0x70: {  	v36 =	vld [tilespmem:s30+$0x41C8]  }
0x71: {  	v17 =	vmul.f32 v17, v27;
	v33 =	vld [tilespmem:s30+$0x4150]  }
0x72: {  	v14 =	vmul.f32 v14, v29  }
0x73: {  	v15 =	vmul.f32 v15, v28;
	[tilespmem:s31+$0x8100] =	vst v17  }
0x74: {  	v13 =	vmul.f32 v13, v31;
	v17 =	vld [tilespmem:s30+$0x100];
	[tilespmem:s31+$0x8180] =	vst v14;
	v37 =	vsel vm0, v24, v23;
	v38 =	vsel vm0, v32, v25  }
0x75: {  	v12 =	vmul.f32 v12, v30;
	v22 =	vperm.xlane v22, v6;
	v14 =	vld [tilespmem:s30+$0x180];
	[tilespmem:s31+$0x8110] =	vst v15;
	v23 =	vadd.f32 v38, v37  }
0x76: {  	v9 =	vmul.f32 v9, v26;
	v15 =	vld [tilespmem:s30+$0x110];
	[tilespmem:s31+$0x8190] =	vst v13;
	v40 =	vsel vm0, v33, v36  }
0x77: {  	v8 =	vmul.f32 v8, v22;
	v39 =	vld [tilespmem:s29+$0x1B0];
	[tilespmem:s31+$0x8120] =	vst v12;
	v42 =	vadd.f32 v40, v37;
	v43 =	vmul.f32 $2.000000030e-01, v23  }
0x78: {  	v41 =	vld [tilespmem:s30+$0x190];
	[tilespmem:s31+$0x81A0] =	vst v9  }
0x79: {  	v44 =	vld [tilespmem:s30+$0x120];
	v45 =	vpop (erf);
	[tilespmem:s31+$0x8130] =	vst v8;
	v8 =	vmax.f32 v42, v43  }
0x7a: {  	v47 =	vperm.xlane v45, v7;
	v8 =	vmul.f32 $1.442695020e+00, v8  }
0x7b: {  	v48 =	vperm.xlane v45, v0;
	v49 =	vperm.xlane v45, v1  }
0x7c: {  	v46 =	vld [tilespmem:s30+$0x1A0];
	[tilespmem:s29+$0x8140] =	vst v45;
	v12 =	vmul.f32 v39, v47;
	(erf) = vpow2.f32 v8  }
0x7d: {  	v51 =	vperm.xlane v45, v3;
	v50 =	vld [tilespmem:s30+$0x130];
	[tilespmem:s29+$0x81B8] =	vst v45;
	v10 =	vmul.f32 v10, v48  }
0x7e: {  	v11 =	vmul.f32 v11, v49;
	v8 =	vperm.xlane v45, v2;
	[tilespmem:s29+$0x81B0] =	vst v12  }
0x7f: {  	v52 =	vmul.f32 v18, v51;
	[tilespmem:s29+$0x8100] =	vst v10  }
0x80: {  	[tilespmem:s29+$0x8180] =	vst v11;
	v8 =	vmul.f32 v16, v8  }
0x81: {  	v53 =	vperm.xlane v45, v4;
	[tilespmem:s29+$0x8190] =	vst v52  }
0x82: {  	[tilespmem:s29+$0x8110] =	vst v8;
	v8 =	vperm.xlane v45, v5  }
0x83: {  	v54 =	vperm.xlane v45, v6;
	v11 =	vmul.f32 v19, v53;
	v12 =	vld [tilespmem:s30+$0x1B0]  }
0x84: {  	v8 =	vmul.f32 v20, v8  }
0x85: {  	v10 =	vmul.f32 v21, v54;
	[tilespmem:s29+$0x8120] =	vst v11;
	v55 =	vpop (erf)  }
0x86: {  	[tilespmem:s29+$0x81A0] =	vst v8;
	v8 =	vperm.xlane v55, v7  }
0x87: {  	[tilespmem:s29+$0x8130] =	vst v10;
	v56 =	vperm.xlane v55, v0  }
0x88: {  	[tilespmem:s30+$0x8140] =	vst v55;
	v58 =	vperm.xlane v55, v2;
	v8 =	vmul.f32 v12, v8  }
0x89: {  	v57 =	vperm.xlane v55, v1;
	[tilespmem:s30+$0x81B8] =	vst v55;
	v10 =	vmul.f32 v17, v56  }
0x8a: {  	v59 =	vperm.xlane v55, v3;
	v12 =	vmul.f32 v15, v58;
	[tilespmem:s30+$0x81B0] =	vst v8  }
0x8b: {  	v60 =	vperm.xlane v55, v4;
	v8 =	vmul.f32 v14, v57;
	[tilespmem:s30+$0x8100] =	vst v10  }
0x8c: {  	v61 =	vperm.xlane v55, v5;
	v62 =	vmul.f32 v41, v59;
	[tilespmem:s30+$0x8110] =	vst v12  }
0x8d: {  	v63 =	vmul.f32 v44, v60;
	[tilespmem:s30+$0x8180] =	vst v8;
	v8 =	vperm.xlane v55, v6  }
0x8e: {  	v9 =	vmul.f32 v46, v61;
	[tilespmem:s30+$0x8190] =	vst v62  }
0x8f: {  	s28 =	sadd.s32 $0x1, s28;
	[tilespmem:s30+$0x8120] =	vst v63;
	v8 =	vmul.f32 v50, v8  }
0x90: {  	p1 =	sne.s32 s28, s13;
	[tilespmem:s30+$0x81A0] =	vst v9  }
.Ltmp1:
0x91: {  	[tilespmem:s30+$0x8130] =	vst v8;
	(pc) =	sbr.rel @p1 .LBB2_2-.Ltmp1, $4  }
0x92: {  	[spmem:s2] =	stream.indirect.scatter.add.f32 [tilespmem:s21], [sflag:$0x1], $0x80, s23, s23, $0xb8;
	[tilespmem:$0x1FD00] =	vst v63  }
0x93: {  	_ =	swait.ge [sflag:s22], $0x4000  }
0x94: {  	[sflag:s22] =	ssyncset.done $0x0  }
0x95: {  	[sflag:s22] =	ssyncadd.s32 $0xFFFFC000  }
0x96: {  	[bflag:$0x0] =	sbarrier.arrive $0xFFFF  }
0x97: {  	[tilespmem:s24], [sflag:$0x1] =	stream.linear.gather [spmem:s8], $0x4000, $0x38;
	[tilespmem:$0x1FD00] =	vst v63  }
0x98: {  	_ =	swait.ge [sflag:s22], $0x4000  }
0x99: {  	[sflag:s22] =	ssyncset.done $0x0  }
0x9a: {  	[sflag:s22] =	ssyncadd.s32 $0xFFFFC000  }
0x9b: {  	[hbm4b:s15+s3] =	stream.linear.scatter [tilespmem:s24], [sflag:$0x1], $0x4000, $0x38;
	[tilespmem:$0x1FD00] =	vst v63  }
0x9c: {  	_ =	swait.ge [sflag:s22], $0x4000  }
0x9d: {  	[sflag:s22] =	ssyncset.done $0x0  }
0x9e: {  	[sflag:s22] =	ssyncadd.s32 $0xFFFFC000  }
0x9f: {  	[tilespmem:s24], [sflag:$0x1] =	stream.linear.gather [spmem:s9], $0x4000, $0x38;
	[tilespmem:$0x1FD00] =	vst v63  }
0xa0: {  	_ =	swait.ge [sflag:s22], $0x4000  }
0xa1: {  	[sflag:s22] =	ssyncset.done $0x0  }
0xa2: {  	[sflag:s22] =	ssyncadd.s32 $0xFFFFC000  }
0xa3: {  	[hbm4b:s16+s3] =	stream.linear.scatter [tilespmem:s24], [sflag:$0x1], $0x4000, $0x38;
	[tilespmem:$0x1FD00] =	vst v63  }
0xa4: {  	_ =	swait.ge [sflag:s22], $0x4000  }
0xa5: {  	[sflag:s22] =	ssyncset.done $0x0  }
0xa6: {  	[sflag:s22] =	ssyncadd.s32 $0xFFFFC000  }
0xa7: {  	[tilespmem:s24], [sflag:$0x1] =	stream.linear.gather [spmem:s10], $0x4000, $0x38;
	[tilespmem:$0x1FD00] =	vst v63  }
0xa8: {  	_ =	swait.ge [sflag:s22], $0x4000  }
0xa9: {  	[sflag:s22] =	ssyncset.done $0x0  }
0xaa: {  	[sflag:s22] =	ssyncadd.s32 $0xFFFFC000  }
0xab: {  	[hbm4b:s17+s3] =	stream.linear.scatter [tilespmem:s24], [sflag:$0x1], $0x4000, $0x38;
	[tilespmem:$0x1FD00] =	vst v63  }
0xac: {  	_ =	swait.ge [sflag:s22], $0x4000  }
0xad: {  	[sflag:s22] =	ssyncset.done $0x0  }
0xae: {  	[sflag:s22] =	ssyncadd.s32 $0xFFFFC000  }
0xaf: {  	[tilespmem:s24], [sflag:$0x1] =	stream.linear.gather [spmem:s11], $0x4000, $0x38;
	[tilespmem:$0x1FD00] =	vst v63  }
0xb0: {  	_ =	swait.ge [sflag:s22], $0x4000  }
0xb1: {  	[sflag:s22] =	ssyncset.done $0x0  }
0xb2: {  	[sflag:s22] =	ssyncadd.s32 $0xFFFFC000  }
0xb3: {  	[hbm4b:s18+s3] =	stream.linear.scatter [tilespmem:s24], [sflag:$0x1], $0x4000, $0x38;
	[tilespmem:$0x1FD00] =	vst v63  }
0xb4: {  	_ =	swait.ge [sflag:s22], $0x4000  }
0xb5: {  	[sflag:s22] =	ssyncset.done $0x0  }
0xb6: {  	s0 =	simm.s32 @!p0 $0x100;
	s28 =	simm.s32 @!p0 $0x1;
	[sflag:s22] =	ssyncadd.s32 $0xFFFFC000  }
0xb7: {  	[tilespmem:s0], [sflag:$0x1] =	stream.linear.gather @!p0 [spmem:s12], $0x4000, $0x38;
	[tilespmem:$0x1FD00] =	vst v63  }
0xb8: {  	s26 =	sadd.s32 $0x1, s26;
	_ =	swait.ge @!p0 [sflag:s28], $0x4000  }
0xb9: {  	p1 =	sne.s32 s26, s20;
	[sflag:s28] =	ssyncset.done @!p0 $0x0  }
.Ltmp2:
0xba: {  	s29 =	simm.s32 @!p0 $0x0;
	[sflag:s28] =	ssyncadd.s32 @!p0 $0xFFFFC000;
	(pc) =	sbr.rel @p1 .LBB2_1-.Ltmp2, $4  }
0xbb: {  	[hbm4b:s19+s29] =	stream.linear.scatter @!p0 [tilespmem:s0], [sflag:$0x1], $0x4000, $0x38;
	[tilespmem:$0x1FD00] =	vst v63  }
0xbc: {  	_ =	swait.ge @!p0 [sflag:s28], $0x4000  }
0xbd: {  	[sflag:s28] =	ssyncset.done @!p0 $0x0  }
0xbe: {  	[sflag:s28] =	ssyncadd.s32 @!p0 $0xFFFFC000  }
0xbf: {  	_ =	sfence.sel $0x180000  }
0xc0: {  	[bflag:$0x0] =	sbarrier.arrive $0xFFFF  }
0xc1: {  	_ =	strace $0x90000047  }
0xc2: {  	[bflag:$0x2] =	sbarrier.arrive $0xFFFF  }
0xc3: {  	p0 =	sne.s32 s4, $0x0;
	s0 =	rddreg [dreg:$0x3]  }
0xc4: {  	s0 =	sadd.s32 @!p0 $0x100000, s0  }
0xc5: {  	[sflag:s0] =	ssyncadd.tile.s32 @!p0 $0x1;
	_ =	shalt  }
.Lfunc_end2:
_tile_overlayer_lowered:
.L_overlay_start_2:
0xc6: {  	(tag) =	ssettag $0x2  }
0xc7: {  	s0 =	rddreg [dreg:$0x0];
	s2 =	stileid.u32  }
0xc8: {  	s1 =	rddreg [dreg:$0x1];
	p0 =	sne.s32 s2, $0x0  }
0xc9: {  	s3 =	rddreg [dreg:$0x2];
	[bflag:$0x3] =	sbarrier.arrive $0xFFFF;
	s2 =	simm.s32 @!p0 $0x1C01  }
0xca: {  	[timem:s3], [sflag:s2] =	dma.local @!p0 [hbm:s0], s1  }
0xcb: {  	s0 =	simm.s32 @!p0 $0x1  }
0xcc: {  	_ =	swait.ge @!p0 [sflag:s0], s1  }
0xcd: {  	s1 =	ssub.s32 @!p0 $0x0, s1;
	[sflag:s0] =	ssyncset.done @!p0 $0x0  }
0xce: {  	[sflag:s0] =	ssyncadd.s32 @!p0 s1  }
0xcf: {  	[bflag:$0x3] =	sbarrier.arrive $0xFFFF  }
0xd0: {  	_ =	shalt  }

</sc_bundles>
